<compile_context>
chip_gen: v7x
topology: tpu7x:2x2x1
jax: 0.10.2.dev20260603
libtpu: 0.0.44.dev20260713+nightly
codegen_flags: <defaults>
</compile_context>

<pallas_src>
import jax
import jax.numpy as jnp
from jax.experimental import pallas as pl
from jax.experimental.pallas import tpu as pltpu

_N = 4000000
_S = 262144
_ROWS = 31250
_SB_ROWS = 2048
_NSB = 16
_MROWS = 256
_CLIP_LO = 1e-4
_CLIP_HI = 1.0 - 1e-4


def _masked_logs(a, g):
    rows = g * _SB_ROWS + jax.lax.broadcasted_iota(jnp.int32, (_SB_ROWS, 128), 0)
    return jnp.where(rows < _ROWS,
                     jnp.log(jnp.clip(a, _CLIP_LO, _CLIP_HI)),
                     jnp.float32(0.0))


def _scan_a_body(a_ref, bsum_ref, logsT_ref):
    logs = _masked_logs(a_ref[...], pl.program_id(0))
    for q in range(16):
        logsT_ref[:, q, :] = logs[q * 128:(q + 1) * 128, :].T

    def step(j, c):
        return c + logsT_ref[j]

    bsum_ref[...] = jax.lax.fori_loop(
        0, 128, step, jnp.zeros((16, 128), jnp.float32))


def _offs_body(bsum_ref, off1_ref, t2_ref, sq_ref, b2T_ref):
    t2_ref[:, 0:128] = bsum_ref[0:128, :].T
    t2_ref[:, 128:256] = bsum_ref[128:256, :].T

    def step2(c, carry):
        nc = carry + t2_ref[c]
        t2_ref[c] = nc
        return nc

    jax.lax.fori_loop(0, 128, step2, jnp.zeros((_MROWS,), jnp.float32))
    sq_ref[...] = jnp.zeros((128, 128), jnp.float32)
    sq_ref[0, :] = t2_ref[127, 0:128]
    sq_ref[1, :] = t2_ref[127, 128:256]
    b2T_ref[...] = sq_ref[...].T

    def step3(c, carry):
        nc = carry + b2T_ref[c]
        sq_ref[c] = nc
        return nc

    jax.lax.fori_loop(0, 128, step3, jnp.zeros((128,), jnp.float32))
    int3T = sq_ref[...].T
    r0 = int3T[0, 127]
    row0 = int3T[0:1, :]
    row1 = int3T[1:2, :] + r0
    zero1 = jnp.zeros((1, 1), jnp.float32)
    off2 = jnp.concatenate(
        [zero1, row0[:, 0:127], row0[:, 127:128], row1[:, 0:127]], axis=1)
    incl2T = t2_ref[...] + off2
    rowz = jnp.concatenate([zero1, incl2T[127:128, :-1]], axis=1)
    off1T = jnp.concatenate([rowz, incl2T[:127, :]], axis=0)
    off1_ref[0:128, :] = off1T[:, 0:128].T
    off1_ref[128:256, :] = off1T[:, 128:256].T


def _prefix_body(a_ref, off1_ref, out_ref, logsT_ref, scanT_ref):
    logs = _masked_logs(a_ref[...], pl.program_id(0))
    for q in range(16):
        logsT_ref[:, q, :] = logs[q * 128:(q + 1) * 128, :].T

    def step(j, c):
        nc = c + logsT_ref[j]
        scanT_ref[j] = nc
        return nc

    jax.lax.fori_loop(0, 128, step, jnp.zeros((16, 128), jnp.float32))
    prefT = (scanT_ref[...] + off1_ref[...][None, :, :]) - logsT_ref[...]
    for q in range(16):
        out_ref[q * 128:(q + 1) * 128, :] = prefT[:, q, :].T


_NEG = float("-inf")


def _seg_combine(m_later, f_later, m_earlier, f_earlier):
    m = jnp.where(f_later > 0, m_later, jnp.maximum(m_later, m_earlier))
    f = jnp.maximum(f_later, f_earlier)
    return m, f


def _col_scan(m, f, reverse):
    for k in (1, 2, 4, 8, 16, 32, 64):
        pad_m = jnp.full((k,) + m.shape[1:], _NEG)
        pad_f = jnp.zeros((k,) + m.shape[1:], jnp.float32)
        if not reverse:
            m_sh = jnp.concatenate([pad_m, m[:-k]], axis=0)
            f_sh = jnp.concatenate([pad_f, f[:-k]], axis=0)
        else:
            m_sh = jnp.concatenate([m[k:], pad_m], axis=0)
            f_sh = jnp.concatenate([f[k:], pad_f], axis=0)
        m, f = _seg_combine(m, f, m_sh, f_sh)
    return m, f


def _tops_scan(tm, tf, sb_m, reverse):
    axis1 = 1
    rm, rf = tm, tf
    for k in (1, 2, 4, 8, 16, 32, 64):
        pad_m = jnp.full((16, k), _NEG)
        pad_f = jnp.zeros((16, k), jnp.float32)
        if not reverse:
            m_sh = jnp.concatenate([pad_m, rm[:, :-k]], axis=axis1)
            f_sh = jnp.concatenate([pad_f, rf[:, :-k]], axis=axis1)
        else:
            m_sh = jnp.concatenate([rm[:, k:], pad_m], axis=axis1)
            f_sh = jnp.concatenate([rf[:, k:], pad_f], axis=axis1)
        rm, rf = _seg_combine(rm, rf, m_sh, f_sh)
    if not reverse:
        rt_m, rt_f = rm[:, 127:128], rf[:, 127:128]
        sm = jnp.concatenate([jnp.full((1, 1), sb_m), rt_m[:-1]], axis=0)
        sf = jnp.concatenate([jnp.zeros((1, 1), jnp.float32), rt_f[:-1]],
                             axis=0)
    else:
        rt_m, rt_f = rm[:, 0:1], rf[:, 0:1]
        sm = jnp.concatenate([rt_m[1:], jnp.full((1, 1), sb_m)], axis=0)
        sf = jnp.concatenate([rt_f[1:], jnp.zeros((1, 1), jnp.float32)],
                             axis=0)
    for k in (1, 2, 4, 8):
        pad_m = jnp.full((k, 1), _NEG)
        pad_f = jnp.zeros((k, 1), jnp.float32)
        if not reverse:
            m_sh = jnp.concatenate([pad_m, sm[:-k]], axis=0)
            f_sh = jnp.concatenate([pad_f, sf[:-k]], axis=0)
        else:
            m_sh = jnp.concatenate([sm[k:], pad_m], axis=0)
            f_sh = jnp.concatenate([sf[k:], pad_f], axis=0)
        sm, sf = _seg_combine(sm, sf, m_sh, f_sh)
    if not reverse:
        rex_m = jnp.concatenate([jnp.full((16, 1), _NEG), rm[:, :-1]],
                                axis=axis1)
        rex_f = jnp.concatenate([jnp.zeros((16, 1), jnp.float32),
                                 rf[:, :-1]], axis=axis1)
        last_m, last_f, last_c = rt_m[15, 0], rt_f[15, 0], sm[15, 0]
    else:
        rex_m = jnp.concatenate([rm[:, 1:], jnp.full((16, 1), _NEG)],
                                axis=axis1)
        rex_f = jnp.concatenate([rf[:, 1:],
                                 jnp.zeros((16, 1), jnp.float32)], axis=axis1)
        last_m, last_f, last_c = rt_m[0, 0], rt_f[0, 0], sm[0, 0]
    carry_m, _ = _seg_combine(rex_m, rex_f, sm, sf)
    new_sb = jnp.where(last_f > 0, last_m, jnp.maximum(last_m, last_c))
    return carry_m, new_sb


def _transpose16(src, dst_ref):
    for q in range(16):
        dst_ref[:, q, :] = src[q * 128:(q + 1) * 128, :].T


def _fwd_body(a_ref, off1_ref, seg_ref, segp_ref, prefT_ref, fmaxT_ref,
              logsT_ref, scanT_ref, flagT_ref, carry_ref):
    g = pl.program_id(0)
    logs = _masked_logs(a_ref[...], g)
    _transpose16(logs, logsT_ref)

    def step(j, c):
        nc = c + logsT_ref[j]
        scanT_ref[j] = nc
        return nc

    jax.lax.fori_loop(0, 128, step, jnp.zeros((16, 128), jnp.float32))
    prefT = (scanT_ref[...] + off1_ref[...][None, :, :]) - logsT_ref[...]
    prefT_ref[...] = prefT.reshape(128, 2048)

    start = (seg_ref[...] != segp_ref[...]).astype(jnp.float32)
    _transpose16(start, flagT_ref)

    @pl.when(g == 0)
    def _():
        carry_ref[0] = _NEG

    m, f = _col_scan(prefT, flagT_ref[...], reverse=False)
    sb_m = carry_ref[0]
    carry2d, new_sb = _tops_scan(m[127], f[127], sb_m, reverse=False)
    fmaxT = jnp.where(f > 0, m, jnp.maximum(m, carry2d[None, :, :]))
    fmaxT_ref[...] = fmaxT.reshape(128, 2048)
    carry_ref[0] = new_sb


def _bwd_body(prefT_ref, fmaxT_ref, seg_ref, segn_ref, a_ref, talpha_ref,
              flagT_ref, carry_ref):
    g = pl.program_id(0)
    end = (seg_ref[...] != segn_ref[...]).astype(jnp.float32)
    _transpose16(end, flagT_ref)

    @pl.when(g == 0)
    def _():
        carry_ref[0] = _NEG

    prefT = prefT_ref[...].reshape(128, 16, 128)
    m, f = _col_scan(prefT, flagT_ref[...], reverse=True)
    sb_m = carry_ref[0]
    carry2d, new_sb = _tops_scan(m[0], f[0], sb_m, reverse=True)
    bmaxT = jnp.where(f > 0, m, jnp.maximum(m, carry2d[None, :, :]))
    carry_ref[0] = new_sb

    baseT = jnp.maximum(fmaxT_ref[...].reshape(128, 16, 128), bmaxT)
    tT = jnp.exp(prefT - baseT)
    for q in range(16):
        blk = tT[:, q, :].T
        a = jnp.clip(a_ref[q * 128:(q + 1) * 128, :], _CLIP_LO, _CLIP_HI)
        talpha_ref[q * 128:(q + 1) * 128, :] = blk * (1.0 - a)


def _compute_scans(a2, seg2, segp2, segn2):
    bsum = pl.pallas_call(
        _scan_a_body,
        grid=(_NSB,),
        in_specs=[pl.BlockSpec((_SB_ROWS, 128), lambda g: (g, 0))],
        out_specs=pl.BlockSpec((16, 128), lambda g: (g, 0)),
        out_shape=jax.ShapeDtypeStruct((_MROWS, 128), jnp.float32),
        scratch_shapes=[pltpu.VMEM((128, 16, 128), jnp.float32)],
    )(a2)
    off1 = pl.pallas_call(
        _offs_body,
        out_shape=jax.ShapeDtypeStruct((_MROWS, 128), jnp.float32),
        scratch_shapes=[pltpu.VMEM((128, _MROWS), jnp.float32),
                        pltpu.VMEM((128, 128), jnp.float32),
                        pltpu.VMEM((128, 128), jnp.float32)],
    )(bsum)
    nblk = pl.BlockSpec((_SB_ROWS, 128), lambda g: (g, 0))
    tblk = pl.BlockSpec((128, 2048), lambda g: (g, 0))
    prefT, fmaxT = pl.pallas_call(
        _fwd_body,
        grid=(_NSB,),
        in_specs=[nblk,
                  pl.BlockSpec((16, 128), lambda g: (g, 0)),
                  nblk, nblk],
        out_specs=[tblk, tblk],
        out_shape=[jax.ShapeDtypeStruct((_NSB * 128, 2048), jnp.float32),
                   jax.ShapeDtypeStruct((_NSB * 128, 2048), jnp.float32)],
        scratch_shapes=[pltpu.VMEM((128, 16, 128), jnp.float32),
                        pltpu.VMEM((128, 16, 128), jnp.float32),
                        pltpu.VMEM((128, 16, 128), jnp.float32),
                        pltpu.SMEM((1,), jnp.float32)],
    )(a2, off1, seg2, segp2)
    rnblk = pl.BlockSpec((_SB_ROWS, 128), lambda g: (_NSB - 1 - g, 0))
    rtblk = pl.BlockSpec((128, 2048), lambda g: (_NSB - 1 - g, 0))
    talpha = pl.pallas_call(
        _bwd_body,
        grid=(_NSB,),
        in_specs=[rtblk, rtblk, rnblk, rnblk, rnblk],
        out_specs=rnblk,
        out_shape=jax.ShapeDtypeStruct((_ROWS, 128), jnp.float32),
        scratch_shapes=[pltpu.VMEM((128, 16, 128), jnp.float32),
                        pltpu.SMEM((1,), jnp.float32)],
    )(prefT, fmaxT, seg2, segn2, a2)
    return talpha


def kernel(anti_opacity, values, segment_ids):
    a2 = anti_opacity.reshape(_ROWS, 128)
    seg = segment_ids.astype(jnp.int32)
    segp = jnp.concatenate([jnp.full((1,), -1, jnp.int32), seg[:-1]])
    segn = jnp.concatenate([seg[1:], jnp.full((1,), -2, jnp.int32)])
    talpha = _compute_scans(a2, seg.reshape(_ROWS, 128),
                            segp.reshape(_ROWS, 128),
                            segn.reshape(_ROWS, 128)).reshape(_N)
    pix = talpha[:, None] * values
    image = jax.ops.segment_sum(pix, segment_ids, num_segments=_S,
                                indices_are_sorted=True)
    return image

# --- scband reference (transcript-rebuilt; emitter-appended) ---
"""Pipeline reference for scband-gs-model-12979391168797 (READ-ONLY COPY).

The authoritative reference and input builder live on the scoring server;
editing this copy changes nothing except your own understanding.
"""

import jax, jax.numpy as jnp
import numpy as np

N = 4000000
S = 262144

def setup_inputs(seed: int = 0) -> dict:
    key = jax.random.key(seed)
    k1, k2, k3 = jax.random.split(key, 3)
    anti_opacity = jax.random.uniform(k1, (N,), dtype=jnp.float32)
    values = jax.random.uniform(k2, (N, 3), dtype=jnp.float32)
    segment_ids = jnp.sort(jax.random.randint(k3, (N,), 0, S, dtype=jnp.int64))
    return {"anti_opacity": anti_opacity, "values": values, "segment_ids": segment_ids}


def reference(anti_opacity, values, segment_ids):
    # Faithful jax translation of the segment-reduce core of
    # custom_autograd_grouped_cumprod._create_alpha_brend (grouped cumprod over
    # sorted pixel/segment ids), _create_pixel, and _update_image_tensor
    # (scatter-add accumulation of per-contribution pixels into the image).
    a = jnp.clip(anti_opacity, 1e-4, 1.0 - 1e-4)  # anti-opacity in (0,1)
    logs = jnp.log(a)
    incl = jnp.cumsum(logs)
    prefix = incl - logs  # exclusive cumsum of logs
    # prefix is non-increasing (logs < 0), so the per-segment start value is the
    # segment max -> gives the exclusive grouped-cumprod baseline per segment.
    base = jax.ops.segment_max(prefix, segment_ids, num_segments=S)
    # T = exclusive grouped cumprod of anti-opacity within each segment
    # (matches grouped_cumprod_forward followed by division by anti_opacity).
    T = jnp.exp(prefix - base[segment_ids])
    alpha = 1.0 - a  # opacity * gauss_kernel equivalent
    # _create_pixel: per-contribution weighted color
    pix = T[:, None] * alpha[:, None] * values
    # _update_image_tensor: index_put_(..., accumulate=True) -> segment_sum
    image = jax.ops.segment_sum(pix, segment_ids, num_segments=S)
    return image

if __name__ == "__main__":
    import jax
    _d = setup_inputs()
    print(jax.jit(kernel)(*tuple(_d.values())))

</pallas_src>

<mosaic_0001>
module attributes {stable_mosaic.version = 14 : i64} {
  func.func @_scan_a_body(%arg0: i32, %arg1: memref<2048x128xf32, #tpu.memory_space<vmem>>, %arg2: memref<16x128xf32, #tpu.memory_space<vmem>>, %arg3: memref<128x16x128xf32, #tpu.memory_space<vmem>>) attributes {dimension_semantics = [#tpu.dimension_semantics<arbitrary>], iteration_bounds = array<i64: 16>, scalar_prefetch = 0 : i64, scratch_operands = 1 : i64, tpu.core_type = #tpu.core_type<tc>, window_params = [{transform_indices = @transform_0, window_bounds = array<i64: 2048, 128>}, {transform_indices = @transform_1, window_bounds = array<i64: 16, 128>}]} {
    %get3A = arith.constant 0 : index
    %get3A_0 = arith.constant 0 : index
    %get3A_1 = vector.load %arg1[%get3A, %get3A_0] : memref<2048x128xf32, #tpu.memory_space<vmem>>, vector<2048x128xf32>
    %mul3A = arith.constant 2048 : i32
    %mul3A_2 = arith.muli %arg0, %mul3A : i32
    %iota3A = tpu.iota {dimensions = array<i32: 0>} : vector<2048x128xi32>
    %add3A = vector.broadcast %mul3A_2 : i32 to vector<2048x128xi32>
    %add3A_3 = arith.addi %add3A, %iota3A : vector<2048x128xi32>
    %lt3A = arith.constant 31250 : i32
    %lt3A_4 = vector.broadcast %lt3A : i32 to vector<2048x128xi32>
    %lt3A_5 = arith.cmpi slt, %add3A_3, %lt3A_4 : vector<2048x128xi32>
    %jit3A = arith.constant 9.99999974E-5 : f32
    %jit3A_6 = arith.constant 0.999899983 : f32
    %max3A = vector.broadcast %jit3A : f32 to vector<2048x128xf32>
    %max3A_7 = arith.maximumf %max3A, %get3A_1 : vector<2048x128xf32>
    %min3A = vector.broadcast %jit3A_6 : f32 to vector<2048x128xf32>
    %min3A_8 = arith.minimumf %min3A, %max3A_7 : vector<2048x128xf32>
    %log3A = math.log %min3A_8 : vector<2048x128xf32>
    %jit3A_9 = arith.constant 0.000000e+00 : f32
    %broadcast_in_dim3A = vector.broadcast %jit3A_9 : f32 to vector<2048x128xf32>
    %select_n3A = arith.select %lt3A_5, %log3A, %broadcast_in_dim3A : vector<2048x128xi1>, vector<2048x128xf32>
    %slice3A = vector.extract_strided_slice %select_n3A {offsets = [0, 0], sizes = [128, 128], strides = [1, 1]} : vector<2048x128xf32> to vector<128x128xf32>
    %transpose3A = tpu.transpose %slice3A, [1, 0] : vector<128x128xf32> -> vector<128x128xf32>
    %swap3A = arith.constant 0 : index
    %swap3A_10 = arith.constant 0 : index
    %swap3A_11 = arith.constant 0 : index
    %swap3A_12 = vector.load %arg3[%swap3A, %swap3A_10, %swap3A_11] : memref<128x16x128xf32, #tpu.memory_space<vmem>>, vector<128x1x128xf32>
    %swap3A_13 = vector.shape_cast %swap3A_12 : vector<128x1x128xf32> to vector<128x128xf32>
    %swap3A_14 = vector.shape_cast %transpose3A : vector<128x128xf32> to vector<128x1x128xf32>
    tpu.vector_store %arg3[%swap3A, %swap3A_10, %swap3A_11], %swap3A_14 {strides = array<i32>} : memref<128x16x128xf32, #tpu.memory_space<vmem>>, vector<128x1x128xf32>,
    %slice3A_15 = vector.extract_strided_slice %select_n3A {offsets = [128, 0], sizes = [128, 128], strides = [1, 1]} : vector<2048x128xf32> to vector<128x128xf32>
    %transpose3A_16 = tpu.transpose %slice3A_15, [1, 0] : vector<128x128xf32> -> vector<128x128xf32>
    %swap3A_17 = arith.constant 0 : index
    %swap3A_18 = arith.constant 1 : index
    %swap3A_19 = arith.constant 0 : index
    %swap3A_20 = vector.load %arg3[%swap3A_17, %swap3A_18, %swap3A_19] : memref<128x16x128xf32, #tpu.memory_space<vmem>>, vector<128x1x128xf32>
    %swap3A_21 = vector.shape_cast %swap3A_20 : vector<128x1x128xf32> to vector<128x128xf32>
    %swap3A_22 = vector.shape_cast %transpose3A_16 : vector<128x128xf32> to vector<128x1x128xf32>
    tpu.vector_store %arg3[%swap3A_17, %swap3A_18, %swap3A_19], %swap3A_22 {strides = array<i32>} : memref<128x16x128xf32, #tpu.memory_space<vmem>>, vector<128x1x128xf32>,
    %slice3A_23 = vector.extract_strided_slice %select_n3A {offsets = [256, 0], sizes = [128, 128], strides = [1, 1]} : vector<2048x128xf32> to vector<128x128xf32>
    %transpose3A_24 = tpu.transpose %slice3A_23, [1, 0] : vector<128x128xf32> -> vector<128x128xf32>
    %swap3A_25 = arith.constant 0 : index
    %swap3A_26 = arith.constant 2 : index
    %swap3A_27 = arith.constant 0 : index
    %swap3A_28 = vector.load %arg3[%swap3A_25, %swap3A_26, %swap3A_27] : memref<128x16x128xf32, #tpu.memory_space<vmem>>, vector<128x1x128xf32>
    %swap3A_29 = vector.shape_cast %swap3A_28 : vector<128x1x128xf32> to vector<128x128xf32>
    %swap3A_30 = vector.shape_cast %transpose3A_24 : vector<128x128xf32> to vector<128x1x128xf32>
    tpu.vector_store %arg3[%swap3A_25, %swap3A_26, %swap3A_27], %swap3A_30 {strides = array<i32>} : memref<128x16x128xf32, #tpu.memory_space<vmem>>, vector<128x1x128xf32>,
    %slice3A_31 = vector.extract_strided_slice %select_n3A {offsets = [384, 0], sizes = [128, 128], strides = [1, 1]} : vector<2048x128xf32> to vector<128x128xf32>
    %transpose3A_32 = tpu.transpose %slice3A_31, [1, 0] : vector<128x128xf32> -> vector<128x128xf32>
    %swap3A_33 = arith.constant 0 : index
    %swap3A_34 = arith.constant 3 : index
    %swap3A_35 = arith.constant 0 : index
    %swap3A_36 = vector.load %arg3[%swap3A_33, %swap3A_34, %swap3A_35] : memref<128x16x128xf32, #tpu.memory_space<vmem>>, vector<128x1x128xf32>
    %swap3A_37 = vector.shape_cast %swap3A_36 : vector<128x1x128xf32> to vector<128x128xf32>
    %swap3A_38 = vector.shape_cast %transpose3A_32 : vector<128x128xf32> to vector<128x1x128xf32>
    tpu.vector_store %arg3[%swap3A_33, %swap3A_34, %swap3A_35], %swap3A_38 {strides = array<i32>} : memref<128x16x128xf32, #tpu.memory_space<vmem>>, vector<128x1x128xf32>,
    %slice3A_39 = vector.extract_strided_slice %select_n3A {offsets = [512, 0], sizes = [128, 128], strides = [1, 1]} : vector<2048x128xf32> to vector<128x128xf32>
    %transpose3A_40 = tpu.transpose %slice3A_39, [1, 0] : vector<128x128xf32> -> vector<128x128xf32>
    %swap3A_41 = arith.constant 0 : index
    %swap3A_42 = arith.constant 4 : index
    %swap3A_43 = arith.constant 0 : index
    %swap3A_44 = vector.load %arg3[%swap3A_41, %swap3A_42, %swap3A_43] : memref<128x16x128xf32, #tpu.memory_space<vmem>>, vector<128x1x128xf32>
    %swap3A_45 = vector.shape_cast %swap3A_44 : vector<128x1x128xf32> to vector<128x128xf32>
    %swap3A_46 = vector.shape_cast %transpose3A_40 : vector<128x128xf32> to vector<128x1x128xf32>
    tpu.vector_store %arg3[%swap3A_41, %swap3A_42, %swap3A_43], %swap3A_46 {strides = array<i32>} : memref<128x16x128xf32, #tpu.memory_space<vmem>>, vector<128x1x128xf32>,
    %slice3A_47 = vector.extract_strided_slice %select_n3A {offsets = [640, 0], sizes = [128, 128], strides = [1, 1]} : vector<2048x128xf32> to vector<128x128xf32>
    %transpose3A_48 = tpu.transpose %slice3A_47, [1, 0] : vector<128x128xf32> -> vector<128x128xf32>
    %swap3A_49 = arith.constant 0 : index
    %swap3A_50 = arith.constant 5 : index
    %swap3A_51 = arith.constant 0 : index
    %swap3A_52 = vector.load %arg3[%swap3A_49, %swap3A_50, %swap3A_51] : memref<128x16x128xf32, #tpu.memory_space<vmem>>, vector<128x1x128xf32>
    %swap3A_53 = vector.shape_cast %swap3A_52 : vector<128x1x128xf32> to vector<128x128xf32>
    %swap3A_54 = vector.shape_cast %transpose3A_48 : vector<128x128xf32> to vector<128x1x128xf32>
    tpu.vector_store %arg3[%swap3A_49, %swap3A_50, %swap3A_51], %swap3A_54 {strides = array<i32>} : memref<128x16x128xf32, #tpu.memory_space<vmem>>, vector<128x1x128xf32>,
    %slice3A_55 = vector.extract_strided_slice %select_n3A {offsets = [768, 0], sizes = [128, 128], strides = [1, 1]} : vector<2048x128xf32> to vector<128x128xf32>
    %transpose3A_56 = tpu.transpose %slice3A_55, [1, 0] : vector<128x128xf32> -> vector<128x128xf32>
    %swap3A_57 = arith.constant 0 : index
    %swap3A_58 = arith.constant 6 : index
    %swap3A_59 = arith.constant 0 : index
    %swap3A_60 = vector.load %arg3[%swap3A_57, %swap3A_58, %swap3A_59] : memref<128x16x128xf32, #tpu.memory_space<vmem>>, vector<128x1x128xf32>
    %swap3A_61 = vector.shape_cast %swap3A_60 : vector<128x1x128xf32> to vector<128x128xf32>
    %swap3A_62 = vector.shape_cast %transpose3A_56 : vector<128x128xf32> to vector<128x1x128xf32>
    tpu.vector_store %arg3[%swap3A_57, %swap3A_58, %swap3A_59], %swap3A_62 {strides = array<i32>} : memref<128x16x128xf32, #tpu.memory_space<vmem>>, vector<128x1x128xf32>,
    %slice3A_63 = vector.extract_strided_slice %select_n3A {offsets = [896, 0], sizes = [128, 128], strides = [1, 1]} : vector<2048x128xf32> to vector<128x128xf32>
    %transpose3A_64 = tpu.transpose %slice3A_63, [1, 0] : vector<128x128xf32> -> vector<128x128xf32>
    %swap3A_65 = arith.constant 0 : index
    %swap3A_66 = arith.constant 7 : index
    %swap3A_67 = arith.constant 0 : index
    %swap3A_68 = vector.load %arg3[%swap3A_65, %swap3A_66, %swap3A_67] : memref<128x16x128xf32, #tpu.memory_space<vmem>>, vector<128x1x128xf32>
    %swap3A_69 = vector.shape_cast %swap3A_68 : vector<128x1x128xf32> to vector<128x128xf32>
    %swap3A_70 = vector.shape_cast %transpose3A_64 : vector<128x128xf32> to vector<128x1x128xf32>
    tpu.vector_store %arg3[%swap3A_65, %swap3A_66, %swap3A_67], %swap3A_70 {strides = array<i32>} : memref<128x16x128xf32, #tpu.memory_space<vmem>>, vector<128x1x128xf32>,
    %slice3A_71 = vector.extract_strided_slice %select_n3A {offsets = [1024, 0], sizes = [128, 128], strides = [1, 1]} : vector<2048x128xf32> to vector<128x128xf32>
    %transpose3A_72 = tpu.transpose %slice3A_71, [1, 0] : vector<128x128xf32> -> vector<128x128xf32>
    %swap3A_73 = arith.constant 0 : index
    %swap3A_74 = arith.constant 8 : index
    %swap3A_75 = arith.constant 0 : index
    %swap3A_76 = vector.load %arg3[%swap3A_73, %swap3A_74, %swap3A_75] : memref<128x16x128xf32, #tpu.memory_space<vmem>>, vector<128x1x128xf32>
    %swap3A_77 = vector.shape_cast %swap3A_76 : vector<128x1x128xf32> to vector<128x128xf32>
    %swap3A_78 = vector.shape_cast %transpose3A_72 : vector<128x128xf32> to vector<128x1x128xf32>
    tpu.vector_store %arg3[%swap3A_73, %swap3A_74, %swap3A_75], %swap3A_78 {strides = array<i32>} : memref<128x16x128xf32, #tpu.memory_space<vmem>>, vector<128x1x128xf32>,
    %slice3A_79 = vector.extract_strided_slice %select_n3A {offsets = [1152, 0], sizes = [128, 128], strides = [1, 1]} : vector<2048x128xf32> to vector<128x128xf32>
    %transpose3A_80 = tpu.transpose %slice3A_79, [1, 0] : vector<128x128xf32> -> vector<128x128xf32>
    %swap3A_81 = arith.constant 0 : index
    %swap3A_82 = arith.constant 9 : index
    %swap3A_83 = arith.constant 0 : index
    %swap3A_84 = vector.load %arg3[%swap3A_81, %swap3A_82, %swap3A_83] : memref<128x16x128xf32, #tpu.memory_space<vmem>>, vector<128x1x128xf32>
    %swap3A_85 = vector.shape_cast %swap3A_84 : vector<128x1x128xf32> to vector<128x128xf32>
    %swap3A_86 = vector.shape_cast %transpose3A_80 : vector<128x128xf32> to vector<128x1x128xf32>
    tpu.vector_store %arg3[%swap3A_81, %swap3A_82, %swap3A_83], %swap3A_86 {strides = array<i32>} : memref<128x16x128xf32, #tpu.memory_space<vmem>>, vector<128x1x128xf32>,
    %slice3A_87 = vector.extract_strided_slice %select_n3A {offsets = [1280, 0], sizes = [128, 128], strides = [1, 1]} : vector<2048x128xf32> to vector<128x128xf32>
    %transpose3A_88 = tpu.transpose %slice3A_87, [1, 0] : vector<128x128xf32> -> vector<128x128xf32>
    %swap3A_89 = arith.constant 0 : index
    %swap3A_90 = arith.constant 10 : index
    %swap3A_91 = arith.constant 0 : index
    %swap3A_92 = vector.load %arg3[%swap3A_89, %swap3A_90, %swap3A_91] : memref<128x16x128xf32, #tpu.memory_space<vmem>>, vector<128x1x128xf32>
    %swap3A_93 = vector.shape_cast %swap3A_92 : vector<128x1x128xf32> to vector<128x128xf32>
    %swap3A_94 = vector.shape_cast %transpose3A_88 : vector<128x128xf32> to vector<128x1x128xf32>
    tpu.vector_store %arg3[%swap3A_89, %swap3A_90, %swap3A_91], %swap3A_94 {strides = array<i32>} : memref<128x16x128xf32, #tpu.memory_space<vmem>>, vector<128x1x128xf32>,
    %slice3A_95 = vector.extract_strided_slice %select_n3A {offsets = [1408, 0], sizes = [128, 128], strides = [1, 1]} : vector<2048x128xf32> to vector<128x128xf32>
    %transpose3A_96 = tpu.transpose %slice3A_95, [1, 0] : vector<128x128xf32> -> vector<128x128xf32>
    %swap3A_97 = arith.constant 0 : index
    %swap3A_98 = arith.constant 11 : index
    %swap3A_99 = arith.constant 0 : index
    %swap3A_100 = vector.load %arg3[%swap3A_97, %swap3A_98, %swap3A_99] : memref<128x16x128xf32, #tpu.memory_space<vmem>>, vector<128x1x128xf32>
    %swap3A_101 = vector.shape_cast %swap3A_100 : vector<128x1x128xf32> to vector<128x128xf32>
    %swap3A_102 = vector.shape_cast %transpose3A_96 : vector<128x128xf32> to vector<128x1x128xf32>
    tpu.vector_store %arg3[%swap3A_97, %swap3A_98, %swap3A_99], %swap3A_102 {strides = array<i32>} : memref<128x16x128xf32, #tpu.memory_space<vmem>>, vector<128x1x128xf32>,
    %slice3A_103 = vector.extract_strided_slice %select_n3A {offsets = [1536, 0], sizes = [128, 128], strides = [1, 1]} : vector<2048x128xf32> to vector<128x128xf32>
    %transpose3A_104 = tpu.transpose %slice3A_103, [1, 0] : vector<128x128xf32> -> vector<128x128xf32>
    %swap3A_105 = arith.constant 0 : index
    %swap3A_106 = arith.constant 12 : index
    %swap3A_107 = arith.constant 0 : index
    %swap3A_108 = vector.load %arg3[%swap3A_105, %swap3A_106, %swap3A_107] : memref<128x16x128xf32, #tpu.memory_space<vmem>>, vector<128x1x128xf32>
    %swap3A_109 = vector.shape_cast %swap3A_108 : vector<128x1x128xf32> to vector<128x128xf32>
    %swap3A_110 = vector.shape_cast %transpose3A_104 : vector<128x128xf32> to vector<128x1x128xf32>
    tpu.vector_store %arg3[%swap3A_105, %swap3A_106, %swap3A_107], %swap3A_110 {strides = array<i32>} : memref<128x16x128xf32, #tpu.memory_space<vmem>>, vector<128x1x128xf32>,
    %slice3A_111 = vector.extract_strided_slice %select_n3A {offsets = [1664, 0], sizes = [128, 128], strides = [1, 1]} : vector<2048x128xf32> to vector<128x128xf32>
    %transpose3A_112 = tpu.transpose %slice3A_111, [1, 0] : vector<128x128xf32> -> vector<128x128xf32>
    %swap3A_113 = arith.constant 0 : index
    %swap3A_114 = arith.constant 13 : index
    %swap3A_115 = arith.constant 0 : index
    %swap3A_116 = vector.load %arg3[%swap3A_113, %swap3A_114, %swap3A_115] : memref<128x16x128xf32, #tpu.memory_space<vmem>>, vector<128x1x128xf32>
    %swap3A_117 = vector.shape_cast %swap3A_116 : vector<128x1x128xf32> to vector<128x128xf32>
    %swap3A_118 = vector.shape_cast %transpose3A_112 : vector<128x128xf32> to vector<128x1x128xf32>
    tpu.vector_store %arg3[%swap3A_113, %swap3A_114, %swap3A_115], %swap3A_118 {strides = array<i32>} : memref<128x16x128xf32, #tpu.memory_space<vmem>>, vector<128x1x128xf32>,
    %slice3A_119 = vector.extract_strided_slice %select_n3A {offsets = [1792, 0], sizes = [128, 128], strides = [1, 1]} : vector<2048x128xf32> to vector<128x128xf32>
    %transpose3A_120 = tpu.transpose %slice3A_119, [1, 0] : vector<128x128xf32> -> vector<128x128xf32>
    %swap3A_121 = arith.constant 0 : index
    %swap3A_122 = arith.constant 14 : index
    %swap3A_123 = arith.constant 0 : index
    %swap3A_124 = vector.load %arg3[%swap3A_121, %swap3A_122, %swap3A_123] : memref<128x16x128xf32, #tpu.memory_space<vmem>>, vector<128x1x128xf32>
    %swap3A_125 = vector.shape_cast %swap3A_124 : vector<128x1x128xf32> to vector<128x128xf32>
    %swap3A_126 = vector.shape_cast %transpose3A_120 : vector<128x128xf32> to vector<128x1x128xf32>
    tpu.vector_store %arg3[%swap3A_121, %swap3A_122, %swap3A_123], %swap3A_126 {strides = array<i32>} : memref<128x16x128xf32, #tpu.memory_space<vmem>>, vector<128x1x128xf32>,
    %slice3A_127 = vector.extract_strided_slice %select_n3A {offsets = [1920, 0], sizes = [128, 128], strides = [1, 1]} : vector<2048x128xf32> to vector<128x128xf32>
    %transpose3A_128 = tpu.transpose %slice3A_127, [1, 0] : vector<128x128xf32> -> vector<128x128xf32>
    %swap3A_129 = arith.constant 0 : index
    %swap3A_130 = arith.constant 15 : index
    %swap3A_131 = arith.constant 0 : index
    %swap3A_132 = vector.load %arg3[%swap3A_129, %swap3A_130, %swap3A_131] : memref<128x16x128xf32, #tpu.memory_space<vmem>>, vector<128x1x128xf32>
    %swap3A_133 = vector.shape_cast %swap3A_132 : vector<128x1x128xf32> to vector<128x128xf32>
    %swap3A_134 = vector.shape_cast %transpose3A_128 : vector<128x128xf32> to vector<128x1x128xf32>
    tpu.vector_store %arg3[%swap3A_129, %swap3A_130, %swap3A_131], %swap3A_134 {strides = array<i32>} : memref<128x16x128xf32, #tpu.memory_space<vmem>>, vector<128x1x128xf32>,
    %broadcast_in_dim3A_135 = arith.constant 0.000000e+00 : f32
    %broadcast_in_dim3A_136 = vector.broadcast %broadcast_in_dim3A_135 : f32 to vector<16x128xf32>
    %scan3A = arith.constant 0 : i32
    %scan3A_137 = arith.constant 128 : i32
    %scan3A_138 = arith.addi %scan3A, %scan3A_137 : i32
    %scan3A_139 = arith.constant 1 : i32
    %scan3A_140 = scf.for %scan3A_145 = %scan3A to %scan3A_138 step %scan3A_139 iter_args(%scan3A_146 = %broadcast_in_dim3A_136) -> (vector<16x128xf32>)  : i32 {
      %get3A_147 = arith.index_cast %scan3A_145 : i32 to index
      %get3A_148 = arith.constant 0 : index
      %get3A_149 = arith.constant 0 : index
      %get3A_150 = vector.load %arg3[%get3A_147, %get3A_148, %get3A_149] : memref<128x16x128xf32, #tpu.memory_space<vmem>>, vector<1x16x128xf32>
      %get3A_151 = vector.shape_cast %get3A_150 : vector<1x16x128xf32> to vector<16x128xf32>
      %add3A_152 = arith.addf %scan3A_146, %get3A_151 : vector<16x128xf32>
      scf.yield %add3A_152 : vector<16x128xf32>
    }
    %scan3A_141 = arith.constant 128 : i32
    %swap3A_142 = arith.constant 0 : index
    %swap3A_143 = arith.constant 0 : index
    %swap3A_144 = vector.load %arg2[%swap3A_142, %swap3A_143] : memref<16x128xf32, #tpu.memory_space<vmem>>, vector<16x128xf32>
    tpu.vector_store %arg2[%swap3A_142, %swap3A_143], %scan3A_140 {strides = array<i32>} : memref<16x128xf32, #tpu.memory_space<vmem>>, vector<16x128xf32>,
    return
  }
  func.func @transform_0(%arg0: i32) -> (i32, i32) {
    %c0_i32 = arith.constant 0 : i32
    %c0_i32_0 = arith.constant 0 : i32
    return %arg0, %c0_i32 : i32, i32
  }
  func.func @transform_1(%arg0: i32) -> (i32, i32) {
    %c0_i32 = arith.constant 0 : i32
    %c0_i32_0 = arith.constant 0 : i32
    return %arg0, %c0_i32 : i32, i32
  }
}

module attributes {stable_mosaic.version = 14 : i64} {
  func.func @_offs_body(%arg0: memref<256x128xf32, #tpu.memory_space<vmem>>, %arg1: memref<256x128xf32, #tpu.memory_space<vmem>>, %arg2: memref<128x256xf32, #tpu.memory_space<vmem>>, %arg3: memref<128x128xf32, #tpu.memory_space<vmem>>, %arg4: memref<128x128xf32, #tpu.memory_space<vmem>>) attributes {dimension_semantics = [], scalar_prefetch = 0 : i64, scratch_operands = 3 : i64, tpu.core_type = #tpu.core_type<tc>} {
    %get3A = arith.constant 0 : index
    %get3A_0 = arith.constant 0 : index
    %get3A_1 = vector.load %arg0[%get3A, %get3A_0] : memref<256x128xf32, #tpu.memory_space<vmem>>, vector<128x128xf32>
    %transpose3A = tpu.transpose %get3A_1, [1, 0] : vector<128x128xf32> -> vector<128x128xf32>
    %swap3A = arith.constant 0 : index
    %swap3A_2 = arith.constant 0 : index
    %swap3A_3 = vector.load %arg2[%swap3A, %swap3A_2] : memref<128x256xf32, #tpu.memory_space<vmem>>, vector<128x128xf32>
    tpu.vector_store %arg2[%swap3A, %swap3A_2], %transpose3A {strides = array<i32>} : memref<128x256xf32, #tpu.memory_space<vmem>>, vector<128x128xf32>,
    %get3A_4 = arith.constant 128 : index
    %get3A_5 = arith.constant 0 : index
    %get3A_6 = vector.load %arg0[%get3A_4, %get3A_5] : memref<256x128xf32, #tpu.memory_space<vmem>>, vector<128x128xf32>
    %transpose3A_7 = tpu.transpose %get3A_6, [1, 0] : vector<128x128xf32> -> vector<128x128xf32>
    %swap3A_8 = arith.constant 0 : index
    %swap3A_9 = arith.constant 128 : index
    %swap3A_10 = vector.load %arg2[%swap3A_8, %swap3A_9] : memref<128x256xf32, #tpu.memory_space<vmem>>, vector<128x128xf32>
    tpu.vector_store %arg2[%swap3A_8, %swap3A_9], %transpose3A_7 {strides = array<i32>} : memref<128x256xf32, #tpu.memory_space<vmem>>, vector<128x128xf32>,
    %broadcast_in_dim3A = arith.constant 0.000000e+00 : f32
    %broadcast_in_dim3A_11 = vector.broadcast %broadcast_in_dim3A : f32 to vector<256xf32>
    %scan3A = arith.constant 0 : i32
    %scan3A_12 = arith.constant 128 : i32
    %scan3A_13 = arith.addi %scan3A, %scan3A_12 : i32
    %scan3A_14 = arith.constant 1 : i32
    %scan3A_15 = scf.for %scan3A_86 = %scan3A to %scan3A_13 step %scan3A_14 iter_args(%scan3A_87 = %broadcast_in_dim3A_11) -> (vector<256xf32>)  : i32 {
      %get3A_88 = arith.index_cast %scan3A_86 : i32 to index
      %get3A_89 = arith.constant 0 : index
      %get3A_90 = vector.load %arg2[%get3A_88, %get3A_89] : memref<128x256xf32, #tpu.memory_space<vmem>>, vector<1x256xf32>
      %get3A_91 = vector.shape_cast %get3A_90 : vector<1x256xf32> to vector<256xf32>
      %add3A_92 = arith.addf %scan3A_87, %get3A_91 : vector<256xf32>
      %swap3A_93 = arith.index_cast %scan3A_86 : i32 to index
      %swap3A_94 = arith.constant 0 : index
      %swap3A_95 = vector.load %arg2[%swap3A_93, %swap3A_94] : memref<128x256xf32, #tpu.memory_space<vmem>>, vector<1x256xf32>
      %swap3A_96 = vector.shape_cast %swap3A_95 : vector<1x256xf32> to vector<256xf32>
      %swap3A_97 = vector.shape_cast %add3A_92 : vector<256xf32> to vector<1x256xf32>
      tpu.vector_store %arg2[%swap3A_93, %swap3A_94], %swap3A_97 {strides = array<i32>} : memref<128x256xf32, #tpu.memory_space<vmem>>, vector<1x256xf32>,
      scf.yield %add3A_92 : vector<256xf32>
    }
    %scan3A_16 = arith.constant 128 : i32
    %broadcast_in_dim3A_17 = arith.constant 0.000000e+00 : f32
    %broadcast_in_dim3A_18 = vector.broadcast %broadcast_in_dim3A_17 : f32 to vector<128x128xf32>
    %swap3A_19 = arith.constant 0 : index
    %swap3A_20 = arith.constant 0 : index
    %swap3A_21 = vector.load %arg3[%swap3A_19, %swap3A_20] : memref<128x128xf32, #tpu.memory_space<vmem>>, vector<128x128xf32>
    tpu.vector_store %arg3[%swap3A_19, %swap3A_20], %broadcast_in_dim3A_18 {strides = array<i32>} : memref<128x128xf32, #tpu.memory_space<vmem>>, vector<128x128xf32>,
    %get3A_22 = arith.constant 127 : index
    %get3A_23 = arith.constant 0 : index
    %get3A_24 = vector.load %arg2[%get3A_22, %get3A_23] : memref<128x256xf32, #tpu.memory_space<vmem>>, vector<1x128xf32>
    %get3A_25 = vector.shape_cast %get3A_24 : vector<1x128xf32> to vector<128xf32>
    %swap3A_26 = arith.constant 0 : index
    %swap3A_27 = arith.constant 0 : index
    %swap3A_28 = vector.load %arg3[%swap3A_26, %swap3A_27] : memref<128x128xf32, #tpu.memory_space<vmem>>, vector<1x128xf32>
    %swap3A_29 = vector.shape_cast %swap3A_28 : vector<1x128xf32> to vector<128xf32>
    %swap3A_30 = vector.shape_cast %get3A_25 : vector<128xf32> to vector<1x128xf32>
    tpu.vector_store %arg3[%swap3A_26, %swap3A_27], %swap3A_30 {strides = array<i32>} : memref<128x128xf32, #tpu.memory_space<vmem>>, vector<1x128xf32>,
    %get3A_31 = arith.constant 127 : index
    %get3A_32 = arith.constant 128 : index
    %get3A_33 = vector.load %arg2[%get3A_31, %get3A_32] : memref<128x256xf32, #tpu.memory_space<vmem>>, vector<1x128xf32>
    %get3A_34 = vector.shape_cast %get3A_33 : vector<1x128xf32> to vector<128xf32>
    %swap3A_35 = arith.constant 1 : index
    %swap3A_36 = arith.constant 0 : index
    %swap3A_37 = vector.load %arg3[%swap3A_35, %swap3A_36] : memref<128x128xf32, #tpu.memory_space<vmem>>, vector<1x128xf32>
    %swap3A_38 = vector.shape_cast %swap3A_37 : vector<1x128xf32> to vector<128xf32>
    %swap3A_39 = vector.shape_cast %get3A_34 : vector<128xf32> to vector<1x128xf32>
    tpu.vector_store %arg3[%swap3A_35, %swap3A_36], %swap3A_39 {strides = array<i32>} : memref<128x128xf32, #tpu.memory_space<vmem>>, vector<1x128xf32>,
    %get3A_40 = arith.constant 0 : index
    %get3A_41 = arith.constant 0 : index
    %get3A_42 = vector.load %arg3[%get3A_40, %get3A_41] : memref<128x128xf32, #tpu.memory_space<vmem>>, vector<128x128xf32>
    %transpose3A_43 = tpu.transpose %get3A_42, [1, 0] : vector<128x128xf32> -> vector<128x128xf32>
    %swap3A_44 = arith.constant 0 : index
    %swap3A_45 = arith.constant 0 : index
    %swap3A_46 = vector.load %arg4[%swap3A_44, %swap3A_45] : memref<128x128xf32, #tpu.memory_space<vmem>>, vector<128x128xf32>
    tpu.vector_store %arg4[%swap3A_44, %swap3A_45], %transpose3A_43 {strides = array<i32>} : memref<128x128xf32, #tpu.memory_space<vmem>>, vector<128x128xf32>,
    %broadcast_in_dim3A_47 = arith.constant 0.000000e+00 : f32
    %broadcast_in_dim3A_48 = vector.broadcast %broadcast_in_dim3A_47 : f32 to vector<128xf32>
    %scan3A_49 = arith.constant 0 : i32
    %scan3A_50 = arith.constant 128 : i32
    %scan3A_51 = arith.addi %scan3A_49, %scan3A_50 : i32
    %scan3A_52 = arith.constant 1 : i32
    %scan3A_53 = scf.for %scan3A_86 = %scan3A_49 to %scan3A_51 step %scan3A_52 iter_args(%scan3A_87 = %broadcast_in_dim3A_48) -> (vector<128xf32>)  : i32 {
      %get3A_88 = arith.index_cast %scan3A_86 : i32 to index
      %get3A_89 = arith.constant 0 : index
      %get3A_90 = vector.load %arg4[%get3A_88, %get3A_89] : memref<128x128xf32, #tpu.memory_space<vmem>>, vector<1x128xf32>
      %get3A_91 = vector.shape_cast %get3A_90 : vector<1x128xf32> to vector<128xf32>
      %add3A_92 = arith.addf %scan3A_87, %get3A_91 : vector<128xf32>
      %swap3A_93 = arith.index_cast %scan3A_86 : i32 to index
      %swap3A_94 = arith.constant 0 : index
      %swap3A_95 = vector.load %arg3[%swap3A_93, %swap3A_94] : memref<128x128xf32, #tpu.memory_space<vmem>>, vector<1x128xf32>
      %swap3A_96 = vector.shape_cast %swap3A_95 : vector<1x128xf32> to vector<128xf32>
      %swap3A_97 = vector.shape_cast %add3A_92 : vector<128xf32> to vector<1x128xf32>
      tpu.vector_store %arg3[%swap3A_93, %swap3A_94], %swap3A_97 {strides = array<i32>} : memref<128x128xf32, #tpu.memory_space<vmem>>, vector<1x128xf32>,
      scf.yield %add3A_92 : vector<128xf32>
    }
    %scan3A_54 = arith.constant 128 : i32
    %get3A_55 = arith.constant 0 : index
    %get3A_56 = arith.constant 0 : index
    %get3A_57 = vector.load %arg3[%get3A_55, %get3A_56] : memref<128x128xf32, #tpu.memory_space<vmem>>, vector<128x128xf32>
    %transpose3A_58 = tpu.transpose %get3A_57, [1, 0] : vector<128x128xf32> -> vector<128x128xf32>
    %slice3A = vector.extract_strided_slice %transpose3A_58 {offsets = [0, 127], sizes = [1, 1], strides = [1, 1]} : vector<128x128xf32> to vector<1x1xf32>
    %squeeze3A = vector.extract %slice3A[0, 0] : f32 from vector<1x1xf32>
    %slice3A_59 = vector.extract_strided_slice %transpose3A_58 {offsets = [0, 0], sizes = [1, 128], strides = [1, 1]} : vector<128x128xf32> to vector<1x128xf32>
    %slice3A_60 = vector.extract_strided_slice %transpose3A_58 {offsets = [1, 0], sizes = [1, 128], strides = [1, 1]} : vector<128x128xf32> to vector<1x128xf32>
    %add3A = vector.broadcast %squeeze3A : f32 to vector<1x128xf32>
    %add3A_61 = arith.addf %slice3A_60, %add3A : vector<1x128xf32>
    %broadcast_in_dim3A_62 = arith.constant 0.000000e+00 : f32
    %broadcast_in_dim3A_63 = vector.broadcast %broadcast_in_dim3A_62 : f32 to vector<1x1xf32>
    %slice3A_64 = vector.extract_strided_slice %slice3A_59 {offsets = [0, 0], sizes = [1, 127], strides = [1, 1]} : vector<1x128xf32> to vector<1x127xf32>
    %slice3A_65 = vector.extract_strided_slice %slice3A_59 {offsets = [0, 127], sizes = [1, 1], strides = [1, 1]} : vector<1x128xf32> to vector<1x1xf32>
    %slice3A_66 = vector.extract_strided_slice %add3A_61 {offsets = [0, 0], sizes = [1, 127], strides = [1, 1]} : vector<1x128xf32> to vector<1x127xf32>
    %concatenate3A = tpu.concatenate %broadcast_in_dim3A_63, %slice3A_64, %slice3A_65, %slice3A_66 in 1 : vector<1x1xf32>, vector<1x127xf32>, vector<1x1xf32>, vector<1x127xf32> -> vector<1x256xf32>
    %get3A_67 = arith.constant 0 : index
    %get3A_68 = arith.constant 0 : index
    %get3A_69 = vector.load %arg2[%get3A_67, %get3A_68] : memref<128x256xf32, #tpu.memory_space<vmem>>, vector<128x256xf32>
    %add3A_70 = vector.broadcast %concatenate3A : vector<1x256xf32> to vector<128x256xf32>
    %add3A_71 = arith.addf %get3A_69, %add3A_70 : vector<128x256xf32>
    %slice3A_72 = vector.extract_strided_slice %add3A_71 {offsets = [127, 0], sizes = [1, 255], strides = [1, 1]} : vector<128x256xf32> to vector<1x255xf32>
    %concatenate3A_73 = tpu.concatenate %broadcast_in_dim3A_63, %slice3A_72 in 1 : vector<1x1xf32>, vector<1x255xf32> -> vector<1x256xf32>
    %slice3A_74 = vector.extract_strided_slice %add3A_71 {offsets = [0, 0], sizes = [127, 256], strides = [1, 1]} : vector<128x256xf32> to vector<127x256xf32>
    %concatenate3A_75 = tpu.concatenate %concatenate3A_73, %slice3A_74 in 0 : vector<1x256xf32>, vector<127x256xf32> -> vector<128x256xf32>
    %slice3A_76 = vector.extract_strided_slice %concatenate3A_75 {offsets = [0, 0], sizes = [128, 128], strides = [1, 1]} : vector<128x256xf32> to vector<128x128xf32>
    %transpose3A_77 = tpu.transpose %slice3A_76, [1, 0] : vector<128x128xf32> -> vector<128x128xf32>
    %swap3A_78 = arith.constant 0 : index
    %swap3A_79 = arith.constant 0 : index
    %swap3A_80 = vector.load %arg1[%swap3A_78, %swap3A_79] : memref<256x128xf32, #tpu.memory_space<vmem>>, vector<128x128xf32>
    tpu.vector_store %arg1[%swap3A_78, %swap3A_79], %transpose3A_77 {strides = array<i32>} : memref<256x128xf32, #tpu.memory_space<vmem>>, vector<128x128xf32>,
    %slice3A_81 = vector.extract_strided_slice %concatenate3A_75 {offsets = [0, 128], sizes = [128, 128], strides = [1, 1]} : vector<128x256xf32> to vector<128x128xf32>
    %transpose3A_82 = tpu.transpose %slice3A_81, [1, 0] : vector<128x128xf32> -> vector<128x128xf32>
    %swap3A_83 = arith.constant 128 : index
    %swap3A_84 = arith.constant 0 : index
    %swap3A_85 = vector.load %arg1[%swap3A_83, %swap3A_84] : memref<256x128xf32, #tpu.memory_space<vmem>>, vector<128x128xf32>
    tpu.vector_store %arg1[%swap3A_83, %swap3A_84], %transpose3A_82 {strides = array<i32>} : memref<256x128xf32, #tpu.memory_space<vmem>>, vector<128x128xf32>,
    return
  }
}

module attributes {stable_mosaic.version = 14 : i64} {
  func.func @_fwd_body(%arg0: i32, %arg1: memref<2048x128xf32, #tpu.memory_space<vmem>>, %arg2: memref<16x128xf32, #tpu.memory_space<vmem>>, %arg3: memref<2048x128xi32, #tpu.memory_space<vmem>>, %arg4: memref<2048x128xi32, #tpu.memory_space<vmem>>, %arg5: memref<128x2048xf32, #tpu.memory_space<vmem>>, %arg6: memref<128x2048xf32, #tpu.memory_space<vmem>>, %arg7: memref<128x16x128xf32, #tpu.memory_space<vmem>>, %arg8: memref<128x16x128xf32, #tpu.memory_space<vmem>>, %arg9: memref<128x16x128xf32, #tpu.memory_space<vmem>>, %arg10: memref<1xf32, #tpu.memory_space<smem>>) attributes {dimension_semantics = [#tpu.dimension_semantics<arbitrary>], iteration_bounds = array<i64: 16>, scalar_prefetch = 0 : i64, scratch_operands = 4 : i64, tpu.core_type = #tpu.core_type<tc>, window_params = [{transform_indices = @transform_0, window_bounds = array<i64: 2048, 128>}, {transform_indices = @transform_1, window_bounds = array<i64: 16, 128>}, {transform_indices = @transform_2, window_bounds = array<i64: 2048, 128>}, {transform_indices = @transform_3, window_bounds = array<i64: 2048, 128>}, {transform_indices = @transform_4, window_bounds = array<i64: 128, 2048>}, {transform_indices = @transform_5, window_bounds = array<i64: 128, 2048>}]} {
    %get3A = arith.constant 0 : index
    %get3A_0 = arith.constant 0 : index
    %get3A_1 = vector.load %arg1[%get3A, %get3A_0] : memref<2048x128xf32, #tpu.memory_space<vmem>>, vector<2048x128xf32>
    %mul3A = arith.constant 2048 : i32
    %mul3A_2 = arith.muli %arg0, %mul3A : i32
    %iota3A = tpu.iota {dimensions = array<i32: 0>} : vector<2048x128xi32>
    %add3A = vector.broadcast %mul3A_2 : i32 to vector<2048x128xi32>
    %add3A_3 = arith.addi %add3A, %iota3A : vector<2048x128xi32>
    %lt3A = arith.constant 31250 : i32
    %lt3A_4 = vector.broadcast %lt3A : i32 to vector<2048x128xi32>
    %lt3A_5 = arith.cmpi slt, %add3A_3, %lt3A_4 : vector<2048x128xi32>
    %jit3A = arith.constant 9.99999974E-5 : f32
    %jit3A_6 = arith.constant 0.999899983 : f32
    %max3A = vector.broadcast %jit3A : f32 to vector<2048x128xf32>
    %max3A_7 = arith.maximumf %max3A, %get3A_1 : vector<2048x128xf32>
    %min3A = vector.broadcast %jit3A_6 : f32 to vector<2048x128xf32>
    %min3A_8 = arith.minimumf %min3A, %max3A_7 : vector<2048x128xf32>
    %log3A = math.log %min3A_8 : vector<2048x128xf32>
    %jit3A_9 = arith.constant 0.000000e+00 : f32
    %broadcast_in_dim3A = vector.broadcast %jit3A_9 : f32 to vector<2048x128xf32>
    %select_n3A = arith.select %lt3A_5, %log3A, %broadcast_in_dim3A : vector<2048x128xi1>, vector<2048x128xf32>
    %slice3A = vector.extract_strided_slice %select_n3A {offsets = [0, 0], sizes = [128, 128], strides = [1, 1]} : vector<2048x128xf32> to vector<128x128xf32>
    %transpose3A = tpu.transpose %slice3A, [1, 0] : vector<128x128xf32> -> vector<128x128xf32>
    %swap3A = arith.constant 0 : index
    %swap3A_10 = arith.constant 0 : index
    %swap3A_11 = arith.constant 0 : index
    %swap3A_12 = vector.load %arg7[%swap3A, %swap3A_10, %swap3A_11] : memref<128x16x128xf32, #tpu.memory_space<vmem>>, vector<128x1x128xf32>
    %swap3A_13 = vector.shape_cast %swap3A_12 : vector<128x1x128xf32> to vector<128x128xf32>
    %swap3A_14 = vector.shape_cast %transpose3A : vector<128x128xf32> to vector<128x1x128xf32>
    tpu.vector_store %arg7[%swap3A, %swap3A_10, %swap3A_11], %swap3A_14 {strides = array<i32>} : memref<128x16x128xf32, #tpu.memory_space<vmem>>, vector<128x1x128xf32>,
    %slice3A_15 = vector.extract_strided_slice %select_n3A {offsets = [128, 0], sizes = [128, 128], strides = [1, 1]} : vector<2048x128xf32> to vector<128x128xf32>
    %transpose3A_16 = tpu.transpose %slice3A_15, [1, 0] : vector<128x128xf32> -> vector<128x128xf32>
    %swap3A_17 = arith.constant 0 : index
    %swap3A_18 = arith.constant 1 : index
    %swap3A_19 = arith.constant 0 : index
    %swap3A_20 = vector.load %arg7[%swap3A_17, %swap3A_18, %swap3A_19] : memref<128x16x128xf32, #tpu.memory_space<vmem>>, vector<128x1x128xf32>
    %swap3A_21 = vector.shape_cast %swap3A_20 : vector<128x1x128xf32> to vector<128x128xf32>
    %swap3A_22 = vector.shape_cast %transpose3A_16 : vector<128x128xf32> to vector<128x1x128xf32>
    tpu.vector_store %arg7[%swap3A_17, %swap3A_18, %swap3A_19], %swap3A_22 {strides = array<i32>} : memref<128x16x128xf32, #tpu.memory_space<vmem>>, vector<128x1x128xf32>,
    %slice3A_23 = vector.extract_strided_slice %select_n3A {offsets = [256, 0], sizes = [128, 128], strides = [1, 1]} : vector<2048x128xf32> to vector<128x128xf32>
    %transpose3A_24 = tpu.transpose %slice3A_23, [1, 0] : vector<128x128xf32> -> vector<128x128xf32>
    %swap3A_25 = arith.constant 0 : index
    %swap3A_26 = arith.constant 2 : index
    %swap3A_27 = arith.constant 0 : index
    %swap3A_28 = vector.load %arg7[%swap3A_25, %swap3A_26, %swap3A_27] : memref<128x16x128xf32, #tpu.memory_space<vmem>>, vector<128x1x128xf32>
    %swap3A_29 = vector.shape_cast %swap3A_28 : vector<128x1x128xf32> to vector<128x128xf32>
    %swap3A_30 = vector.shape_cast %transpose3A_24 : vector<128x128xf32> to vector<128x1x128xf32>
    tpu.vector_store %arg7[%swap3A_25, %swap3A_26, %swap3A_27], %swap3A_30 {strides = array<i32>} : memref<128x16x128xf32, #tpu.memory_space<vmem>>, vector<128x1x128xf32>,
    %slice3A_31 = vector.extract_strided_slice %select_n3A {offsets = [384, 0], sizes = [128, 128], strides = [1, 1]} : vector<2048x128xf32> to vector<128x128xf32>
    %transpose3A_32 = tpu.transpose %slice3A_31, [1, 0] : vector<128x128xf32> -> vector<128x128xf32>
    %swap3A_33 = arith.constant 0 : index
    %swap3A_34 = arith.constant 3 : index
    %swap3A_35 = arith.constant 0 : index
    %swap3A_36 = vector.load %arg7[%swap3A_33, %swap3A_34, %swap3A_35] : memref<128x16x128xf32, #tpu.memory_space<vmem>>, vector<128x1x128xf32>
    %swap3A_37 = vector.shape_cast %swap3A_36 : vector<128x1x128xf32> to vector<128x128xf32>
    %swap3A_38 = vector.shape_cast %transpose3A_32 : vector<128x128xf32> to vector<128x1x128xf32>
    tpu.vector_store %arg7[%swap3A_33, %swap3A_34, %swap3A_35], %swap3A_38 {strides = array<i32>} : memref<128x16x128xf32, #tpu.memory_space<vmem>>, vector<128x1x128xf32>,
    %slice3A_39 = vector.extract_strided_slice %select_n3A {offsets = [512, 0], sizes = [128, 128], strides = [1, 1]} : vector<2048x128xf32> to vector<128x128xf32>
    %transpose3A_40 = tpu.transpose %slice3A_39, [1, 0] : vector<128x128xf32> -> vector<128x128xf32>
    %swap3A_41 = arith.constant 0 : index
    %swap3A_42 = arith.constant 4 : index
    %swap3A_43 = arith.constant 0 : index
    %swap3A_44 = vector.load %arg7[%swap3A_41, %swap3A_42, %swap3A_43] : memref<128x16x128xf32, #tpu.memory_space<vmem>>, vector<128x1x128xf32>
    %swap3A_45 = vector.shape_cast %swap3A_44 : vector<128x1x128xf32> to vector<128x128xf32>
    %swap3A_46 = vector.shape_cast %transpose3A_40 : vector<128x128xf32> to vector<128x1x128xf32>
    tpu.vector_store %arg7[%swap3A_41, %swap3A_42, %swap3A_43], %swap3A_46 {strides = array<i32>} : memref<128x16x128xf32, #tpu.memory_space<vmem>>, vector<128x1x128xf32>,
    %slice3A_47 = vector.extract_strided_slice %select_n3A {offsets = [640, 0], sizes = [128, 128], strides = [1, 1]} : vector<2048x128xf32> to vector<128x128xf32>
    %transpose3A_48 = tpu.transpose %slice3A_47, [1, 0] : vector<128x128xf32> -> vector<128x128xf32>
    %swap3A_49 = arith.constant 0 : index
    %swap3A_50 = arith.constant 5 : index
    %swap3A_51 = arith.constant 0 : index
    %swap3A_52 = vector.load %arg7[%swap3A_49, %swap3A_50, %swap3A_51] : memref<128x16x128xf32, #tpu.memory_space<vmem>>, vector<128x1x128xf32>
    %swap3A_53 = vector.shape_cast %swap3A_52 : vector<128x1x128xf32> to vector<128x128xf32>
    %swap3A_54 = vector.shape_cast %transpose3A_48 : vector<128x128xf32> to vector<128x1x128xf32>
    tpu.vector_store %arg7[%swap3A_49, %swap3A_50, %swap3A_51], %swap3A_54 {strides = array<i32>} : memref<128x16x128xf32, #tpu.memory_space<vmem>>, vector<128x1x128xf32>,
    %slice3A_55 = vector.extract_strided_slice %select_n3A {offsets = [768, 0], sizes = [128, 128], strides = [1, 1]} : vector<2048x128xf32> to vector<128x128xf32>
    %transpose3A_56 = tpu.transpose %slice3A_55, [1, 0] : vector<128x128xf32> -> vector<128x128xf32>
    %swap3A_57 = arith.constant 0 : index
    %swap3A_58 = arith.constant 6 : index
    %swap3A_59 = arith.constant 0 : index
    %swap3A_60 = vector.load %arg7[%swap3A_57, %swap3A_58, %swap3A_59] : memref<128x16x128xf32, #tpu.memory_space<vmem>>, vector<128x1x128xf32>
    %swap3A_61 = vector.shape_cast %swap3A_60 : vector<128x1x128xf32> to vector<128x128xf32>
    %swap3A_62 = vector.shape_cast %transpose3A_56 : vector<128x128xf32> to vector<128x1x128xf32>
    tpu.vector_store %arg7[%swap3A_57, %swap3A_58, %swap3A_59], %swap3A_62 {strides = array<i32>} : memref<128x16x128xf32, #tpu.memory_space<vmem>>, vector<128x1x128xf32>,
    %slice3A_63 = vector.extract_strided_slice %select_n3A {offsets = [896, 0], sizes = [128, 128], strides = [1, 1]} : vector<2048x128xf32> to vector<128x128xf32>
    %transpose3A_64 = tpu.transpose %slice3A_63, [1, 0] : vector<128x128xf32> -> vector<128x128xf32>
    %swap3A_65 = arith.constant 0 : index
    %swap3A_66 = arith.constant 7 : index
    %swap3A_67 = arith.constant 0 : index
    %swap3A_68 = vector.load %arg7[%swap3A_65, %swap3A_66, %swap3A_67] : memref<128x16x128xf32, #tpu.memory_space<vmem>>, vector<128x1x128xf32>
    %swap3A_69 = vector.shape_cast %swap3A_68 : vector<128x1x128xf32> to vector<128x128xf32>
    %swap3A_70 = vector.shape_cast %transpose3A_64 : vector<128x128xf32> to vector<128x1x128xf32>
    tpu.vector_store %arg7[%swap3A_65, %swap3A_66, %swap3A_67], %swap3A_70 {strides = array<i32>} : memref<128x16x128xf32, #tpu.memory_space<vmem>>, vector<128x1x128xf32>,
    %slice3A_71 = vector.extract_strided_slice %select_n3A {offsets = [1024, 0], sizes = [128, 128], strides = [1, 1]} : vector<2048x128xf32> to vector<128x128xf32>
    %transpose3A_72 = tpu.transpose %slice3A_71, [1, 0] : vector<128x128xf32> -> vector<128x128xf32>
    %swap3A_73 = arith.constant 0 : index
    %swap3A_74 = arith.constant 8 : index
    %swap3A_75 = arith.constant 0 : index
    %swap3A_76 = vector.load %arg7[%swap3A_73, %swap3A_74, %swap3A_75] : memref<128x16x128xf32, #tpu.memory_space<vmem>>, vector<128x1x128xf32>
    %swap3A_77 = vector.shape_cast %swap3A_76 : vector<128x1x128xf32> to vector<128x128xf32>
    %swap3A_78 = vector.shape_cast %transpose3A_72 : vector<128x128xf32> to vector<128x1x128xf32>
    tpu.vector_store %arg7[%swap3A_73, %swap3A_74, %swap3A_75], %swap3A_78 {strides = array<i32>} : memref<128x16x128xf32, #tpu.memory_space<vmem>>, vector<128x1x128xf32>,
    %slice3A_79 = vector.extract_strided_slice %select_n3A {offsets = [1152, 0], sizes = [128, 128], strides = [1, 1]} : vector<2048x128xf32> to vector<128x128xf32>
    %transpose3A_80 = tpu.transpose %slice3A_79, [1, 0] : vector<128x128xf32> -> vector<128x128xf32>
    %swap3A_81 = arith.constant 0 : index
    %swap3A_82 = arith.constant 9 : index
    %swap3A_83 = arith.constant 0 : index
    %swap3A_84 = vector.load %arg7[%swap3A_81, %swap3A_82, %swap3A_83] : memref<128x16x128xf32, #tpu.memory_space<vmem>>, vector<128x1x128xf32>
    %swap3A_85 = vector.shape_cast %swap3A_84 : vector<128x1x128xf32> to vector<128x128xf32>
    %swap3A_86 = vector.shape_cast %transpose3A_80 : vector<128x128xf32> to vector<128x1x128xf32>
    tpu.vector_store %arg7[%swap3A_81, %swap3A_82, %swap3A_83], %swap3A_86 {strides = array<i32>} : memref<128x16x128xf32, #tpu.memory_space<vmem>>, vector<128x1x128xf32>,
    %slice3A_87 = vector.extract_strided_slice %select_n3A {offsets = [1280, 0], sizes = [128, 128], strides = [1, 1]} : vector<2048x128xf32> to vector<128x128xf32>
    %transpose3A_88 = tpu.transpose %slice3A_87, [1, 0] : vector<128x128xf32> -> vector<128x128xf32>
    %swap3A_89 = arith.constant 0 : index
    %swap3A_90 = arith.constant 10 : index
    %swap3A_91 = arith.constant 0 : index
    %swap3A_92 = vector.load %arg7[%swap3A_89, %swap3A_90, %swap3A_91] : memref<128x16x128xf32, #tpu.memory_space<vmem>>, vector<128x1x128xf32>
    %swap3A_93 = vector.shape_cast %swap3A_92 : vector<128x1x128xf32> to vector<128x128xf32>
    %swap3A_94 = vector.shape_cast %transpose3A_88 : vector<128x128xf32> to vector<128x1x128xf32>
    tpu.vector_store %arg7[%swap3A_89, %swap3A_90, %swap3A_91], %swap3A_94 {strides = array<i32>} : memref<128x16x128xf32, #tpu.memory_space<vmem>>, vector<128x1x128xf32>,
    %slice3A_95 = vector.extract_strided_slice %select_n3A {offsets = [1408, 0], sizes = [128, 128], strides = [1, 1]} : vector<2048x128xf32> to vector<128x128xf32>
    %transpose3A_96 = tpu.transpose %slice3A_95, [1, 0] : vector<128x128xf32> -> vector<128x128xf32>
    %swap3A_97 = arith.constant 0 : index
    %swap3A_98 = arith.constant 11 : index
    %swap3A_99 = arith.constant 0 : index
    %swap3A_100 = vector.load %arg7[%swap3A_97, %swap3A_98, %swap3A_99] : memref<128x16x128xf32, #tpu.memory_space<vmem>>, vector<128x1x128xf32>
    %swap3A_101 = vector.shape_cast %swap3A_100 : vector<128x1x128xf32> to vector<128x128xf32>
    %swap3A_102 = vector.shape_cast %transpose3A_96 : vector<128x128xf32> to vector<128x1x128xf32>
    tpu.vector_store %arg7[%swap3A_97, %swap3A_98, %swap3A_99], %swap3A_102 {strides = array<i32>} : memref<128x16x128xf32, #tpu.memory_space<vmem>>, vector<128x1x128xf32>,
    %slice3A_103 = vector.extract_strided_slice %select_n3A {offsets = [1536, 0], sizes = [128, 128], strides = [1, 1]} : vector<2048x128xf32> to vector<128x128xf32>
    %transpose3A_104 = tpu.transpose %slice3A_103, [1, 0] : vector<128x128xf32> -> vector<128x128xf32>
    %swap3A_105 = arith.constant 0 : index
    %swap3A_106 = arith.constant 12 : index
    %swap3A_107 = arith.constant 0 : index
    %swap3A_108 = vector.load %arg7[%swap3A_105, %swap3A_106, %swap3A_107] : memref<128x16x128xf32, #tpu.memory_space<vmem>>, vector<128x1x128xf32>
    %swap3A_109 = vector.shape_cast %swap3A_108 : vector<128x1x128xf32> to vector<128x128xf32>
    %swap3A_110 = vector.shape_cast %transpose3A_104 : vector<128x128xf32> to vector<128x1x128xf32>
    tpu.vector_store %arg7[%swap3A_105, %swap3A_106, %swap3A_107], %swap3A_110 {strides = array<i32>} : memref<128x16x128xf32, #tpu.memory_space<vmem>>, vector<128x1x128xf32>,
    %slice3A_111 = vector.extract_strided_slice %select_n3A {offsets = [1664, 0], sizes = [128, 128], strides = [1, 1]} : vector<2048x128xf32> to vector<128x128xf32>
    %transpose3A_112 = tpu.transpose %slice3A_111, [1, 0] : vector<128x128xf32> -> vector<128x128xf32>
    %swap3A_113 = arith.constant 0 : index
    %swap3A_114 = arith.constant 13 : index
    %swap3A_115 = arith.constant 0 : index
    %swap3A_116 = vector.load %arg7[%swap3A_113, %swap3A_114, %swap3A_115] : memref<128x16x128xf32, #tpu.memory_space<vmem>>, vector<128x1x128xf32>
    %swap3A_117 = vector.shape_cast %swap3A_116 : vector<128x1x128xf32> to vector<128x128xf32>
    %swap3A_118 = vector.shape_cast %transpose3A_112 : vector<128x128xf32> to vector<128x1x128xf32>
    tpu.vector_store %arg7[%swap3A_113, %swap3A_114, %swap3A_115], %swap3A_118 {strides = array<i32>} : memref<128x16x128xf32, #tpu.memory_space<vmem>>, vector<128x1x128xf32>,
    %slice3A_119 = vector.extract_strided_slice %select_n3A {offsets = [1792, 0], sizes = [128, 128], strides = [1, 1]} : vector<2048x128xf32> to vector<128x128xf32>
    %transpose3A_120 = tpu.transpose %slice3A_119, [1, 0] : vector<128x128xf32> -> vector<128x128xf32>
    %swap3A_121 = arith.constant 0 : index
    %swap3A_122 = arith.constant 14 : index
    %swap3A_123 = arith.constant 0 : index
    %swap3A_124 = vector.load %arg7[%swap3A_121, %swap3A_122, %swap3A_123] : memref<128x16x128xf32, #tpu.memory_space<vmem>>, vector<128x1x128xf32>
    %swap3A_125 = vector.shape_cast %swap3A_124 : vector<128x1x128xf32> to vector<128x128xf32>
    %swap3A_126 = vector.shape_cast %transpose3A_120 : vector<128x128xf32> to vector<128x1x128xf32>
    tpu.vector_store %arg7[%swap3A_121, %swap3A_122, %swap3A_123], %swap3A_126 {strides = array<i32>} : memref<128x16x128xf32, #tpu.memory_space<vmem>>, vector<128x1x128xf32>,
    %slice3A_127 = vector.extract_strided_slice %select_n3A {offsets = [1920, 0], sizes = [128, 128], strides = [1, 1]} : vector<2048x128xf32> to vector<128x128xf32>
    %transpose3A_128 = tpu.transpose %slice3A_127, [1, 0] : vector<128x128xf32> -> vector<128x128xf32>
    %swap3A_129 = arith.constant 0 : index
    %swap3A_130 = arith.constant 15 : index
    %swap3A_131 = arith.constant 0 : index
    %swap3A_132 = vector.load %arg7[%swap3A_129, %swap3A_130, %swap3A_131] : memref<128x16x128xf32, #tpu.memory_space<vmem>>, vector<128x1x128xf32>
    %swap3A_133 = vector.shape_cast %swap3A_132 : vector<128x1x128xf32> to vector<128x128xf32>
    %swap3A_134 = vector.shape_cast %transpose3A_128 : vector<128x128xf32> to vector<128x1x128xf32>
    tpu.vector_store %arg7[%swap3A_129, %swap3A_130, %swap3A_131], %swap3A_134 {strides = array<i32>} : memref<128x16x128xf32, #tpu.memory_space<vmem>>, vector<128x1x128xf32>,
    %broadcast_in_dim3A_135 = arith.constant 0.000000e+00 : f32
    %broadcast_in_dim3A_136 = vector.broadcast %broadcast_in_dim3A_135 : f32 to vector<16x128xf32>
    %scan3A = arith.constant 0 : i32
    %scan3A_137 = arith.constant 128 : i32
    %scan3A_138 = arith.addi %scan3A, %scan3A_137 : i32
    %scan3A_139 = arith.constant 1 : i32
    %scan3A_140 = scf.for %scan3A_597 = %scan3A to %scan3A_138 step %scan3A_139 iter_args(%scan3A_598 = %broadcast_in_dim3A_136) -> (vector<16x128xf32>)  : i32 {
      %get3A_599 = arith.index_cast %scan3A_597 : i32 to index
      %get3A_600 = arith.constant 0 : index
      %get3A_601 = arith.constant 0 : index
      %get3A_602 = vector.load %arg7[%get3A_599, %get3A_600, %get3A_601] : memref<128x16x128xf32, #tpu.memory_space<vmem>>, vector<1x16x128xf32>
      %get3A_603 = vector.shape_cast %get3A_602 : vector<1x16x128xf32> to vector<16x128xf32>
      %add3A_604 = arith.addf %scan3A_598, %get3A_603 : vector<16x128xf32>
      %swap3A_605 = arith.index_cast %scan3A_597 : i32 to index
      %swap3A_606 = arith.constant 0 : index
      %swap3A_607 = arith.constant 0 : index
      %swap3A_608 = vector.load %arg8[%swap3A_605, %swap3A_606, %swap3A_607] : memref<128x16x128xf32, #tpu.memory_space<vmem>>, vector<1x16x128xf32>
      %swap3A_609 = vector.shape_cast %swap3A_608 : vector<1x16x128xf32> to vector<16x128xf32>
      %swap3A_610 = vector.shape_cast %add3A_604 : vector<16x128xf32> to vector<1x16x128xf32>
      tpu.vector_store %arg8[%swap3A_605, %swap3A_606, %swap3A_607], %swap3A_610 {strides = array<i32>} : memref<128x16x128xf32, #tpu.memory_space<vmem>>, vector<1x16x128xf32>,
      scf.yield %add3A_604 : vector<16x128xf32>
    }
    %scan3A_141 = arith.constant 128 : i32
    %get3A_142 = arith.constant 0 : index
    %get3A_143 = arith.constant 0 : index
    %get3A_144 = arith.constant 0 : index
    %get3A_145 = vector.load %arg8[%get3A_142, %get3A_143, %get3A_144] : memref<128x16x128xf32, #tpu.memory_space<vmem>>, vector<128x16x128xf32>
    %get3A_146 = arith.constant 0 : index
    %get3A_147 = arith.constant 0 : index
    %get3A_148 = vector.load %arg2[%get3A_146, %get3A_147] : memref<16x128xf32, #tpu.memory_space<vmem>>, vector<16x128xf32>
    %broadcast_in_dim3A_149 = vector.shape_cast %get3A_148 : vector<16x128xf32> to vector<1x16x128xf32>
    %add3A_150 = vector.broadcast %broadcast_in_dim3A_149 : vector<1x16x128xf32> to vector<128x16x128xf32>
    %add3A_151 = arith.addf %get3A_145, %add3A_150 : vector<128x16x128xf32>
    %get3A_152 = arith.constant 0 : index
    %get3A_153 = arith.constant 0 : index
    %get3A_154 = arith.constant 0 : index
    %get3A_155 = vector.load %arg7[%get3A_152, %get3A_153, %get3A_154] : memref<128x16x128xf32, #tpu.memory_space<vmem>>, vector<128x16x128xf32>
    %sub3A = arith.subf %add3A_151, %get3A_155 : vector<128x16x128xf32>
    %reshape3A = vector.shape_cast %sub3A : vector<128x16x128xf32> to vector<128x2048xf32>
    %swap3A_156 = arith.constant 0 : index
    %swap3A_157 = arith.constant 0 : index
    %swap3A_158 = vector.load %arg5[%swap3A_156, %swap3A_157] : memref<128x2048xf32, #tpu.memory_space<vmem>>, vector<128x2048xf32>
    tpu.vector_store %arg5[%swap3A_156, %swap3A_157], %reshape3A {strides = array<i32>} : memref<128x2048xf32, #tpu.memory_space<vmem>>, vector<128x2048xf32>,
    %get3A_159 = arith.constant 0 : index
    %get3A_160 = arith.constant 0 : index
    %get3A_161 = vector.load %arg3[%get3A_159, %get3A_160] : memref<2048x128xi32, #tpu.memory_space<vmem>>, vector<2048x128xi32>
    %get3A_162 = arith.constant 0 : index
    %get3A_163 = arith.constant 0 : index
    %get3A_164 = vector.load %arg4[%get3A_162, %get3A_163] : memref<2048x128xi32, #tpu.memory_space<vmem>>, vector<2048x128xi32>
    %ne3A = arith.cmpi ne, %get3A_161, %get3A_164 : vector<2048x128xi32>
    %convert_element_type3A = arith.extui %ne3A : vector<2048x128xi1> to vector<2048x128xi32>
    %convert_element_type3A_165 = arith.sitofp %convert_element_type3A : vector<2048x128xi32> to vector<2048x128xf32>
    %slice3A_166 = vector.extract_strided_slice %convert_element_type3A_165 {offsets = [0, 0], sizes = [128, 128], strides = [1, 1]} : vector<2048x128xf32> to vector<128x128xf32>
    %transpose3A_167 = tpu.transpose %slice3A_166, [1, 0] : vector<128x128xf32> -> vector<128x128xf32>
    %swap3A_168 = arith.constant 0 : index
    %swap3A_169 = arith.constant 0 : index
    %swap3A_170 = arith.constant 0 : index
    %swap3A_171 = vector.load %arg9[%swap3A_168, %swap3A_169, %swap3A_170] : memref<128x16x128xf32, #tpu.memory_space<vmem>>, vector<128x1x128xf32>
    %swap3A_172 = vector.shape_cast %swap3A_171 : vector<128x1x128xf32> to vector<128x128xf32>
    %swap3A_173 = vector.shape_cast %transpose3A_167 : vector<128x128xf32> to vector<128x1x128xf32>
    tpu.vector_store %arg9[%swap3A_168, %swap3A_169, %swap3A_170], %swap3A_173 {strides = array<i32>} : memref<128x16x128xf32, #tpu.memory_space<vmem>>, vector<128x1x128xf32>,
    %slice3A_174 = vector.extract_strided_slice %convert_element_type3A_165 {offsets = [128, 0], sizes = [128, 128], strides = [1, 1]} : vector<2048x128xf32> to vector<128x128xf32>
    %transpose3A_175 = tpu.transpose %slice3A_174, [1, 0] : vector<128x128xf32> -> vector<128x128xf32>
    %swap3A_176 = arith.constant 0 : index
    %swap3A_177 = arith.constant 1 : index
    %swap3A_178 = arith.constant 0 : index
    %swap3A_179 = vector.load %arg9[%swap3A_176, %swap3A_177, %swap3A_178] : memref<128x16x128xf32, #tpu.memory_space<vmem>>, vector<128x1x128xf32>
    %swap3A_180 = vector.shape_cast %swap3A_179 : vector<128x1x128xf32> to vector<128x128xf32>
    %swap3A_181 = vector.shape_cast %transpose3A_175 : vector<128x128xf32> to vector<128x1x128xf32>
    tpu.vector_store %arg9[%swap3A_176, %swap3A_177, %swap3A_178], %swap3A_181 {strides = array<i32>} : memref<128x16x128xf32, #tpu.memory_space<vmem>>, vector<128x1x128xf32>,
    %slice3A_182 = vector.extract_strided_slice %convert_element_type3A_165 {offsets = [256, 0], sizes = [128, 128], strides = [1, 1]} : vector<2048x128xf32> to vector<128x128xf32>
    %transpose3A_183 = tpu.transpose %slice3A_182, [1, 0] : vector<128x128xf32> -> vector<128x128xf32>
    %swap3A_184 = arith.constant 0 : index
    %swap3A_185 = arith.constant 2 : index
    %swap3A_186 = arith.constant 0 : index
    %swap3A_187 = vector.load %arg9[%swap3A_184, %swap3A_185, %swap3A_186] : memref<128x16x128xf32, #tpu.memory_space<vmem>>, vector<128x1x128xf32>
    %swap3A_188 = vector.shape_cast %swap3A_187 : vector<128x1x128xf32> to vector<128x128xf32>
    %swap3A_189 = vector.shape_cast %transpose3A_183 : vector<128x128xf32> to vector<128x1x128xf32>
    tpu.vector_store %arg9[%swap3A_184, %swap3A_185, %swap3A_186], %swap3A_189 {strides = array<i32>} : memref<128x16x128xf32, #tpu.memory_space<vmem>>, vector<128x1x128xf32>,
    %slice3A_190 = vector.extract_strided_slice %convert_element_type3A_165 {offsets = [384, 0], sizes = [128, 128], strides = [1, 1]} : vector<2048x128xf32> to vector<128x128xf32>
    %transpose3A_191 = tpu.transpose %slice3A_190, [1, 0] : vector<128x128xf32> -> vector<128x128xf32>
    %swap3A_192 = arith.constant 0 : index
    %swap3A_193 = arith.constant 3 : index
    %swap3A_194 = arith.constant 0 : index
    %swap3A_195 = vector.load %arg9[%swap3A_192, %swap3A_193, %swap3A_194] : memref<128x16x128xf32, #tpu.memory_space<vmem>>, vector<128x1x128xf32>
    %swap3A_196 = vector.shape_cast %swap3A_195 : vector<128x1x128xf32> to vector<128x128xf32>
    %swap3A_197 = vector.shape_cast %transpose3A_191 : vector<128x128xf32> to vector<128x1x128xf32>
    tpu.vector_store %arg9[%swap3A_192, %swap3A_193, %swap3A_194], %swap3A_197 {strides = array<i32>} : memref<128x16x128xf32, #tpu.memory_space<vmem>>, vector<128x1x128xf32>,
    %slice3A_198 = vector.extract_strided_slice %convert_element_type3A_165 {offsets = [512, 0], sizes = [128, 128], strides = [1, 1]} : vector<2048x128xf32> to vector<128x128xf32>
    %transpose3A_199 = tpu.transpose %slice3A_198, [1, 0] : vector<128x128xf32> -> vector<128x128xf32>
    %swap3A_200 = arith.constant 0 : index
    %swap3A_201 = arith.constant 4 : index
    %swap3A_202 = arith.constant 0 : index
    %swap3A_203 = vector.load %arg9[%swap3A_200, %swap3A_201, %swap3A_202] : memref<128x16x128xf32, #tpu.memory_space<vmem>>, vector<128x1x128xf32>
    %swap3A_204 = vector.shape_cast %swap3A_203 : vector<128x1x128xf32> to vector<128x128xf32>
    %swap3A_205 = vector.shape_cast %transpose3A_199 : vector<128x128xf32> to vector<128x1x128xf32>
    tpu.vector_store %arg9[%swap3A_200, %swap3A_201, %swap3A_202], %swap3A_205 {strides = array<i32>} : memref<128x16x128xf32, #tpu.memory_space<vmem>>, vector<128x1x128xf32>,
    %slice3A_206 = vector.extract_strided_slice %convert_element_type3A_165 {offsets = [640, 0], sizes = [128, 128], strides = [1, 1]} : vector<2048x128xf32> to vector<128x128xf32>
    %transpose3A_207 = tpu.transpose %slice3A_206, [1, 0] : vector<128x128xf32> -> vector<128x128xf32>
    %swap3A_208 = arith.constant 0 : index
    %swap3A_209 = arith.constant 5 : index
    %swap3A_210 = arith.constant 0 : index
    %swap3A_211 = vector.load %arg9[%swap3A_208, %swap3A_209, %swap3A_210] : memref<128x16x128xf32, #tpu.memory_space<vmem>>, vector<128x1x128xf32>
    %swap3A_212 = vector.shape_cast %swap3A_211 : vector<128x1x128xf32> to vector<128x128xf32>
    %swap3A_213 = vector.shape_cast %transpose3A_207 : vector<128x128xf32> to vector<128x1x128xf32>
    tpu.vector_store %arg9[%swap3A_208, %swap3A_209, %swap3A_210], %swap3A_213 {strides = array<i32>} : memref<128x16x128xf32, #tpu.memory_space<vmem>>, vector<128x1x128xf32>,
    %slice3A_214 = vector.extract_strided_slice %convert_element_type3A_165 {offsets = [768, 0], sizes = [128, 128], strides = [1, 1]} : vector<2048x128xf32> to vector<128x128xf32>
    %transpose3A_215 = tpu.transpose %slice3A_214, [1, 0] : vector<128x128xf32> -> vector<128x128xf32>
    %swap3A_216 = arith.constant 0 : index
    %swap3A_217 = arith.constant 6 : index
    %swap3A_218 = arith.constant 0 : index
    %swap3A_219 = vector.load %arg9[%swap3A_216, %swap3A_217, %swap3A_218] : memref<128x16x128xf32, #tpu.memory_space<vmem>>, vector<128x1x128xf32>
    %swap3A_220 = vector.shape_cast %swap3A_219 : vector<128x1x128xf32> to vector<128x128xf32>
    %swap3A_221 = vector.shape_cast %transpose3A_215 : vector<128x128xf32> to vector<128x1x128xf32>
    tpu.vector_store %arg9[%swap3A_216, %swap3A_217, %swap3A_218], %swap3A_221 {strides = array<i32>} : memref<128x16x128xf32, #tpu.memory_space<vmem>>, vector<128x1x128xf32>,
    %slice3A_222 = vector.extract_strided_slice %convert_element_type3A_165 {offsets = [896, 0], sizes = [128, 128], strides = [1, 1]} : vector<2048x128xf32> to vector<128x128xf32>
    %transpose3A_223 = tpu.transpose %slice3A_222, [1, 0] : vector<128x128xf32> -> vector<128x128xf32>
    %swap3A_224 = arith.constant 0 : index
    %swap3A_225 = arith.constant 7 : index
    %swap3A_226 = arith.constant 0 : index
    %swap3A_227 = vector.load %arg9[%swap3A_224, %swap3A_225, %swap3A_226] : memref<128x16x128xf32, #tpu.memory_space<vmem>>, vector<128x1x128xf32>
    %swap3A_228 = vector.shape_cast %swap3A_227 : vector<128x1x128xf32> to vector<128x128xf32>
    %swap3A_229 = vector.shape_cast %transpose3A_223 : vector<128x128xf32> to vector<128x1x128xf32>
    tpu.vector_store %arg9[%swap3A_224, %swap3A_225, %swap3A_226], %swap3A_229 {strides = array<i32>} : memref<128x16x128xf32, #tpu.memory_space<vmem>>, vector<128x1x128xf32>,
    %slice3A_230 = vector.extract_strided_slice %convert_element_type3A_165 {offsets = [1024, 0], sizes = [128, 128], strides = [1, 1]} : vector<2048x128xf32> to vector<128x128xf32>
    %transpose3A_231 = tpu.transpose %slice3A_230, [1, 0] : vector<128x128xf32> -> vector<128x128xf32>
    %swap3A_232 = arith.constant 0 : index
    %swap3A_233 = arith.constant 8 : index
    %swap3A_234 = arith.constant 0 : index
    %swap3A_235 = vector.load %arg9[%swap3A_232, %swap3A_233, %swap3A_234] : memref<128x16x128xf32, #tpu.memory_space<vmem>>, vector<128x1x128xf32>
    %swap3A_236 = vector.shape_cast %swap3A_235 : vector<128x1x128xf32> to vector<128x128xf32>
    %swap3A_237 = vector.shape_cast %transpose3A_231 : vector<128x128xf32> to vector<128x1x128xf32>
    tpu.vector_store %arg9[%swap3A_232, %swap3A_233, %swap3A_234], %swap3A_237 {strides = array<i32>} : memref<128x16x128xf32, #tpu.memory_space<vmem>>, vector<128x1x128xf32>,
    %slice3A_238 = vector.extract_strided_slice %convert_element_type3A_165 {offsets = [1152, 0], sizes = [128, 128], strides = [1, 1]} : vector<2048x128xf32> to vector<128x128xf32>
    %transpose3A_239 = tpu.transpose %slice3A_238, [1, 0] : vector<128x128xf32> -> vector<128x128xf32>
    %swap3A_240 = arith.constant 0 : index
    %swap3A_241 = arith.constant 9 : index
    %swap3A_242 = arith.constant 0 : index
    %swap3A_243 = vector.load %arg9[%swap3A_240, %swap3A_241, %swap3A_242] : memref<128x16x128xf32, #tpu.memory_space<vmem>>, vector<128x1x128xf32>
    %swap3A_244 = vector.shape_cast %swap3A_243 : vector<128x1x128xf32> to vector<128x128xf32>
    %swap3A_245 = vector.shape_cast %transpose3A_239 : vector<128x128xf32> to vector<128x1x128xf32>
    tpu.vector_store %arg9[%swap3A_240, %swap3A_241, %swap3A_242], %swap3A_245 {strides = array<i32>} : memref<128x16x128xf32, #tpu.memory_space<vmem>>, vector<128x1x128xf32>,
    %slice3A_246 = vector.extract_strided_slice %convert_element_type3A_165 {offsets = [1280, 0], sizes = [128, 128], strides = [1, 1]} : vector<2048x128xf32> to vector<128x128xf32>
    %transpose3A_247 = tpu.transpose %slice3A_246, [1, 0] : vector<128x128xf32> -> vector<128x128xf32>
    %swap3A_248 = arith.constant 0 : index
    %swap3A_249 = arith.constant 10 : index
    %swap3A_250 = arith.constant 0 : index
    %swap3A_251 = vector.load %arg9[%swap3A_248, %swap3A_249, %swap3A_250] : memref<128x16x128xf32, #tpu.memory_space<vmem>>, vector<128x1x128xf32>
    %swap3A_252 = vector.shape_cast %swap3A_251 : vector<128x1x128xf32> to vector<128x128xf32>
    %swap3A_253 = vector.shape_cast %transpose3A_247 : vector<128x128xf32> to vector<128x1x128xf32>
    tpu.vector_store %arg9[%swap3A_248, %swap3A_249, %swap3A_250], %swap3A_253 {strides = array<i32>} : memref<128x16x128xf32, #tpu.memory_space<vmem>>, vector<128x1x128xf32>,
    %slice3A_254 = vector.extract_strided_slice %convert_element_type3A_165 {offsets = [1408, 0], sizes = [128, 128], strides = [1, 1]} : vector<2048x128xf32> to vector<128x128xf32>
    %transpose3A_255 = tpu.transpose %slice3A_254, [1, 0] : vector<128x128xf32> -> vector<128x128xf32>
    %swap3A_256 = arith.constant 0 : index
    %swap3A_257 = arith.constant 11 : index
    %swap3A_258 = arith.constant 0 : index
    %swap3A_259 = vector.load %arg9[%swap3A_256, %swap3A_257, %swap3A_258] : memref<128x16x128xf32, #tpu.memory_space<vmem>>, vector<128x1x128xf32>
    %swap3A_260 = vector.shape_cast %swap3A_259 : vector<128x1x128xf32> to vector<128x128xf32>
    %swap3A_261 = vector.shape_cast %transpose3A_255 : vector<128x128xf32> to vector<128x1x128xf32>
    tpu.vector_store %arg9[%swap3A_256, %swap3A_257, %swap3A_258], %swap3A_261 {strides = array<i32>} : memref<128x16x128xf32, #tpu.memory_space<vmem>>, vector<128x1x128xf32>,
    %slice3A_262 = vector.extract_strided_slice %convert_element_type3A_165 {offsets = [1536, 0], sizes = [128, 128], strides = [1, 1]} : vector<2048x128xf32> to vector<128x128xf32>
    %transpose3A_263 = tpu.transpose %slice3A_262, [1, 0] : vector<128x128xf32> -> vector<128x128xf32>
    %swap3A_264 = arith.constant 0 : index
    %swap3A_265 = arith.constant 12 : index
    %swap3A_266 = arith.constant 0 : index
    %swap3A_267 = vector.load %arg9[%swap3A_264, %swap3A_265, %swap3A_266] : memref<128x16x128xf32, #tpu.memory_space<vmem>>, vector<128x1x128xf32>
    %swap3A_268 = vector.shape_cast %swap3A_267 : vector<128x1x128xf32> to vector<128x128xf32>
    %swap3A_269 = vector.shape_cast %transpose3A_263 : vector<128x128xf32> to vector<128x1x128xf32>
    tpu.vector_store %arg9[%swap3A_264, %swap3A_265, %swap3A_266], %swap3A_269 {strides = array<i32>} : memref<128x16x128xf32, #tpu.memory_space<vmem>>, vector<128x1x128xf32>,
    %slice3A_270 = vector.extract_strided_slice %convert_element_type3A_165 {offsets = [1664, 0], sizes = [128, 128], strides = [1, 1]} : vector<2048x128xf32> to vector<128x128xf32>
    %transpose3A_271 = tpu.transpose %slice3A_270, [1, 0] : vector<128x128xf32> -> vector<128x128xf32>
    %swap3A_272 = arith.constant 0 : index
    %swap3A_273 = arith.constant 13 : index
    %swap3A_274 = arith.constant 0 : index
    %swap3A_275 = vector.load %arg9[%swap3A_272, %swap3A_273, %swap3A_274] : memref<128x16x128xf32, #tpu.memory_space<vmem>>, vector<128x1x128xf32>
    %swap3A_276 = vector.shape_cast %swap3A_275 : vector<128x1x128xf32> to vector<128x128xf32>
    %swap3A_277 = vector.shape_cast %transpose3A_271 : vector<128x128xf32> to vector<128x1x128xf32>
    tpu.vector_store %arg9[%swap3A_272, %swap3A_273, %swap3A_274], %swap3A_277 {strides = array<i32>} : memref<128x16x128xf32, #tpu.memory_space<vmem>>, vector<128x1x128xf32>,
    %slice3A_278 = vector.extract_strided_slice %convert_element_type3A_165 {offsets = [1792, 0], sizes = [128, 128], strides = [1, 1]} : vector<2048x128xf32> to vector<128x128xf32>
    %transpose3A_279 = tpu.transpose %slice3A_278, [1, 0] : vector<128x128xf32> -> vector<128x128xf32>
    %swap3A_280 = arith.constant 0 : index
    %swap3A_281 = arith.constant 14 : index
    %swap3A_282 = arith.constant 0 : index
    %swap3A_283 = vector.load %arg9[%swap3A_280, %swap3A_281, %swap3A_282] : memref<128x16x128xf32, #tpu.memory_space<vmem>>, vector<128x1x128xf32>
    %swap3A_284 = vector.shape_cast %swap3A_283 : vector<128x1x128xf32> to vector<128x128xf32>
    %swap3A_285 = vector.shape_cast %transpose3A_279 : vector<128x128xf32> to vector<128x1x128xf32>
    tpu.vector_store %arg9[%swap3A_280, %swap3A_281, %swap3A_282], %swap3A_285 {strides = array<i32>} : memref<128x16x128xf32, #tpu.memory_space<vmem>>, vector<128x1x128xf32>,
    %slice3A_286 = vector.extract_strided_slice %convert_element_type3A_165 {offsets = [1920, 0], sizes = [128, 128], strides = [1, 1]} : vector<2048x128xf32> to vector<128x128xf32>
    %transpose3A_287 = tpu.transpose %slice3A_286, [1, 0] : vector<128x128xf32> -> vector<128x128xf32>
    %swap3A_288 = arith.constant 0 : index
    %swap3A_289 = arith.constant 15 : index
    %swap3A_290 = arith.constant 0 : index
    %swap3A_291 = vector.load %arg9[%swap3A_288, %swap3A_289, %swap3A_290] : memref<128x16x128xf32, #tpu.memory_space<vmem>>, vector<128x1x128xf32>
    %swap3A_292 = vector.shape_cast %swap3A_291 : vector<128x1x128xf32> to vector<128x128xf32>
    %swap3A_293 = vector.shape_cast %transpose3A_287 : vector<128x128xf32> to vector<128x1x128xf32>
    tpu.vector_store %arg9[%swap3A_288, %swap3A_289, %swap3A_290], %swap3A_293 {strides = array<i32>} : memref<128x16x128xf32, #tpu.memory_space<vmem>>, vector<128x1x128xf32>,
    %eq3A = arith.constant 0 : i32
    %eq3A_294 = arith.cmpi eq, %arg0, %eq3A : i32
    %convert_element_type3A_295 = arith.extui %eq3A_294 : i1 to i32
    %cond3A = arith.constant 0 : i32
    %cond3A_296 = arith.cmpi ne, %convert_element_type3A_295, %cond3A : i32
    scf.if %cond3A_296 {
      %swap3A_597 = arith.constant 0xFF800000 : f32
      %swap3A_598 = arith.constant 0 : index
      %swap3A_599 = memref.load %arg10[%swap3A_598] : memref<1xf32, #tpu.memory_space<smem>>
      memref.store %swap3A_597, %arg10[%swap3A_598] : memref<1xf32, #tpu.memory_space<smem>>
    } else {
    }
    %get3A_297 = arith.constant 0 : index
    %get3A_298 = arith.constant 0 : index
    %get3A_299 = arith.constant 0 : index
    %get3A_300 = vector.load %arg9[%get3A_297, %get3A_298, %get3A_299] : memref<128x16x128xf32, #tpu.memory_space<vmem>>, vector<128x16x128xf32>
    %broadcast_in_dim3A_301 = arith.constant 0xFF800000 : f32
    %broadcast_in_dim3A_302 = vector.broadcast %broadcast_in_dim3A_301 : f32 to vector<1x16x128xf32>
    %broadcast_in_dim3A_303 = arith.constant 0.000000e+00 : f32
    %broadcast_in_dim3A_304 = vector.broadcast %broadcast_in_dim3A_303 : f32 to vector<1x16x128xf32>
    %slice3A_305 = vector.extract_strided_slice %sub3A {offsets = [0, 0, 0], sizes = [127, 16, 128], strides = [1, 1, 1]} : vector<128x16x128xf32> to vector<127x16x128xf32>
    %concatenate3A = tpu.concatenate %broadcast_in_dim3A_302, %slice3A_305 in 0 : vector<1x16x128xf32>, vector<127x16x128xf32> -> vector<128x16x128xf32>
    %slice3A_306 = vector.extract_strided_slice %get3A_300 {offsets = [0, 0, 0], sizes = [127, 16, 128], strides = [1, 1, 1]} : vector<128x16x128xf32> to vector<127x16x128xf32>
    %concatenate3A_307 = tpu.concatenate %broadcast_in_dim3A_304, %slice3A_306 in 0 : vector<1x16x128xf32>, vector<127x16x128xf32> -> vector<128x16x128xf32>
    %gt3A = arith.constant 0.000000e+00 : f32
    %gt3A_308 = vector.broadcast %gt3A : f32 to vector<128x16x128xf32>
    %gt3A_309 = arith.cmpf ogt, %get3A_300, %gt3A_308 : vector<128x16x128xf32>
    %max3A_310 = arith.maximumf %sub3A, %concatenate3A : vector<128x16x128xf32>
    %select_n3A_311 = arith.select %gt3A_309, %sub3A, %max3A_310 : vector<128x16x128xi1>, vector<128x16x128xf32>
    %max3A_312 = arith.maximumf %get3A_300, %concatenate3A_307 : vector<128x16x128xf32>
    %broadcast_in_dim3A_313 = arith.constant 0xFF800000 : f32
    %broadcast_in_dim3A_314 = vector.broadcast %broadcast_in_dim3A_313 : f32 to vector<2x16x128xf32>
    %broadcast_in_dim3A_315 = arith.constant 0.000000e+00 : f32
    %broadcast_in_dim3A_316 = vector.broadcast %broadcast_in_dim3A_315 : f32 to vector<2x16x128xf32>
    %slice3A_317 = vector.extract_strided_slice %select_n3A_311 {offsets = [0, 0, 0], sizes = [126, 16, 128], strides = [1, 1, 1]} : vector<128x16x128xf32> to vector<126x16x128xf32>
    %concatenate3A_318 = tpu.concatenate %broadcast_in_dim3A_314, %slice3A_317 in 0 : vector<2x16x128xf32>, vector<126x16x128xf32> -> vector<128x16x128xf32>
    %slice3A_319 = vector.extract_strided_slice %max3A_312 {offsets = [0, 0, 0], sizes = [126, 16, 128], strides = [1, 1, 1]} : vector<128x16x128xf32> to vector<126x16x128xf32>
    %concatenate3A_320 = tpu.concatenate %broadcast_in_dim3A_316, %slice3A_319 in 0 : vector<2x16x128xf32>, vector<126x16x128xf32> -> vector<128x16x128xf32>
    %gt3A_321 = arith.constant 0.000000e+00 : f32
    %gt3A_322 = vector.broadcast %gt3A_321 : f32 to vector<128x16x128xf32>
    %gt3A_323 = arith.cmpf ogt, %max3A_312, %gt3A_322 : vector<128x16x128xf32>
    %max3A_324 = arith.maximumf %select_n3A_311, %concatenate3A_318 : vector<128x16x128xf32>
    %select_n3A_325 = arith.select %gt3A_323, %select_n3A_311, %max3A_324 : vector<128x16x128xi1>, vector<128x16x128xf32>
    %max3A_326 = arith.maximumf %max3A_312, %concatenate3A_320 : vector<128x16x128xf32>
    %broadcast_in_dim3A_327 = arith.constant 0xFF800000 : f32
    %broadcast_in_dim3A_328 = vector.broadcast %broadcast_in_dim3A_327 : f32 to vector<4x16x128xf32>
    %broadcast_in_dim3A_329 = arith.constant 0.000000e+00 : f32
    %broadcast_in_dim3A_330 = vector.broadcast %broadcast_in_dim3A_329 : f32 to vector<4x16x128xf32>
    %slice3A_331 = vector.extract_strided_slice %select_n3A_325 {offsets = [0, 0, 0], sizes = [124, 16, 128], strides = [1, 1, 1]} : vector<128x16x128xf32> to vector<124x16x128xf32>
    %concatenate3A_332 = tpu.concatenate %broadcast_in_dim3A_328, %slice3A_331 in 0 : vector<4x16x128xf32>, vector<124x16x128xf32> -> vector<128x16x128xf32>
    %slice3A_333 = vector.extract_strided_slice %max3A_326 {offsets = [0, 0, 0], sizes = [124, 16, 128], strides = [1, 1, 1]} : vector<128x16x128xf32> to vector<124x16x128xf32>
    %concatenate3A_334 = tpu.concatenate %broadcast_in_dim3A_330, %slice3A_333 in 0 : vector<4x16x128xf32>, vector<124x16x128xf32> -> vector<128x16x128xf32>
    %gt3A_335 = arith.constant 0.000000e+00 : f32
    %gt3A_336 = vector.broadcast %gt3A_335 : f32 to vector<128x16x128xf32>
    %gt3A_337 = arith.cmpf ogt, %max3A_326, %gt3A_336 : vector<128x16x128xf32>
    %max3A_338 = arith.maximumf %select_n3A_325, %concatenate3A_332 : vector<128x16x128xf32>
    %select_n3A_339 = arith.select %gt3A_337, %select_n3A_325, %max3A_338 : vector<128x16x128xi1>, vector<128x16x128xf32>
    %max3A_340 = arith.maximumf %max3A_326, %concatenate3A_334 : vector<128x16x128xf32>
    %broadcast_in_dim3A_341 = arith.constant 0xFF800000 : f32
    %broadcast_in_dim3A_342 = vector.broadcast %broadcast_in_dim3A_341 : f32 to vector<8x16x128xf32>
    %broadcast_in_dim3A_343 = arith.constant 0.000000e+00 : f32
    %broadcast_in_dim3A_344 = vector.broadcast %broadcast_in_dim3A_343 : f32 to vector<8x16x128xf32>
    %slice3A_345 = vector.extract_strided_slice %select_n3A_339 {offsets = [0, 0, 0], sizes = [120, 16, 128], strides = [1, 1, 1]} : vector<128x16x128xf32> to vector<120x16x128xf32>
    %concatenate3A_346 = tpu.concatenate %broadcast_in_dim3A_342, %slice3A_345 in 0 : vector<8x16x128xf32>, vector<120x16x128xf32> -> vector<128x16x128xf32>
    %slice3A_347 = vector.extract_strided_slice %max3A_340 {offsets = [0, 0, 0], sizes = [120, 16, 128], strides = [1, 1, 1]} : vector<128x16x128xf32> to vector<120x16x128xf32>
    %concatenate3A_348 = tpu.concatenate %broadcast_in_dim3A_344, %slice3A_347 in 0 : vector<8x16x128xf32>, vector<120x16x128xf32> -> vector<128x16x128xf32>
    %gt3A_349 = arith.constant 0.000000e+00 : f32
    %gt3A_350 = vector.broadcast %gt3A_349 : f32 to vector<128x16x128xf32>
    %gt3A_351 = arith.cmpf ogt, %max3A_340, %gt3A_350 : vector<128x16x128xf32>
    %max3A_352 = arith.maximumf %select_n3A_339, %concatenate3A_346 : vector<128x16x128xf32>
    %select_n3A_353 = arith.select %gt3A_351, %select_n3A_339, %max3A_352 : vector<128x16x128xi1>, vector<128x16x128xf32>
    %max3A_354 = arith.maximumf %max3A_340, %concatenate3A_348 : vector<128x16x128xf32>
    %broadcast_in_dim3A_355 = arith.constant 0xFF800000 : f32
    %broadcast_in_dim3A_356 = vector.broadcast %broadcast_in_dim3A_355 : f32 to vector<16x16x128xf32>
    %broadcast_in_dim3A_357 = arith.constant 0.000000e+00 : f32
    %broadcast_in_dim3A_358 = vector.broadcast %broadcast_in_dim3A_357 : f32 to vector<16x16x128xf32>
    %slice3A_359 = vector.extract_strided_slice %select_n3A_353 {offsets = [0, 0, 0], sizes = [112, 16, 128], strides = [1, 1, 1]} : vector<128x16x128xf32> to vector<112x16x128xf32>
    %concatenate3A_360 = tpu.concatenate %broadcast_in_dim3A_356, %slice3A_359 in 0 : vector<16x16x128xf32>, vector<112x16x128xf32> -> vector<128x16x128xf32>
    %slice3A_361 = vector.extract_strided_slice %max3A_354 {offsets = [0, 0, 0], sizes = [112, 16, 128], strides = [1, 1, 1]} : vector<128x16x128xf32> to vector<112x16x128xf32>
    %concatenate3A_362 = tpu.concatenate %broadcast_in_dim3A_358, %slice3A_361 in 0 : vector<16x16x128xf32>, vector<112x16x128xf32> -> vector<128x16x128xf32>
    %gt3A_363 = arith.constant 0.000000e+00 : f32
    %gt3A_364 = vector.broadcast %gt3A_363 : f32 to vector<128x16x128xf32>
    %gt3A_365 = arith.cmpf ogt, %max3A_354, %gt3A_364 : vector<128x16x128xf32>
    %max3A_366 = arith.maximumf %select_n3A_353, %concatenate3A_360 : vector<128x16x128xf32>
    %select_n3A_367 = arith.select %gt3A_365, %select_n3A_353, %max3A_366 : vector<128x16x128xi1>, vector<128x16x128xf32>
    %max3A_368 = arith.maximumf %max3A_354, %concatenate3A_362 : vector<128x16x128xf32>
    %broadcast_in_dim3A_369 = arith.constant 0xFF800000 : f32
    %broadcast_in_dim3A_370 = vector.broadcast %broadcast_in_dim3A_369 : f32 to vector<32x16x128xf32>
    %broadcast_in_dim3A_371 = arith.constant 0.000000e+00 : f32
    %broadcast_in_dim3A_372 = vector.broadcast %broadcast_in_dim3A_371 : f32 to vector<32x16x128xf32>
    %slice3A_373 = vector.extract_strided_slice %select_n3A_367 {offsets = [0, 0, 0], sizes = [96, 16, 128], strides = [1, 1, 1]} : vector<128x16x128xf32> to vector<96x16x128xf32>
    %concatenate3A_374 = tpu.concatenate %broadcast_in_dim3A_370, %slice3A_373 in 0 : vector<32x16x128xf32>, vector<96x16x128xf32> -> vector<128x16x128xf32>
    %slice3A_375 = vector.extract_strided_slice %max3A_368 {offsets = [0, 0, 0], sizes = [96, 16, 128], strides = [1, 1, 1]} : vector<128x16x128xf32> to vector<96x16x128xf32>
    %concatenate3A_376 = tpu.concatenate %broadcast_in_dim3A_372, %slice3A_375 in 0 : vector<32x16x128xf32>, vector<96x16x128xf32> -> vector<128x16x128xf32>
    %gt3A_377 = arith.constant 0.000000e+00 : f32
    %gt3A_378 = vector.broadcast %gt3A_377 : f32 to vector<128x16x128xf32>
    %gt3A_379 = arith.cmpf ogt, %max3A_368, %gt3A_378 : vector<128x16x128xf32>
    %max3A_380 = arith.maximumf %select_n3A_367, %concatenate3A_374 : vector<128x16x128xf32>
    %select_n3A_381 = arith.select %gt3A_379, %select_n3A_367, %max3A_380 : vector<128x16x128xi1>, vector<128x16x128xf32>
    %max3A_382 = arith.maximumf %max3A_368, %concatenate3A_376 : vector<128x16x128xf32>
    %broadcast_in_dim3A_383 = arith.constant 0xFF800000 : f32
    %broadcast_in_dim3A_384 = vector.broadcast %broadcast_in_dim3A_383 : f32 to vector<64x16x128xf32>
    %broadcast_in_dim3A_385 = arith.constant 0.000000e+00 : f32
    %broadcast_in_dim3A_386 = vector.broadcast %broadcast_in_dim3A_385 : f32 to vector<64x16x128xf32>
    %slice3A_387 = vector.extract_strided_slice %select_n3A_381 {offsets = [0, 0, 0], sizes = [64, 16, 128], strides = [1, 1, 1]} : vector<128x16x128xf32> to vector<64x16x128xf32>
    %concatenate3A_388 = tpu.concatenate %broadcast_in_dim3A_384, %slice3A_387 in 0 : vector<64x16x128xf32>, vector<64x16x128xf32> -> vector<128x16x128xf32>
    %slice3A_389 = vector.extract_strided_slice %max3A_382 {offsets = [0, 0, 0], sizes = [64, 16, 128], strides = [1, 1, 1]} : vector<128x16x128xf32> to vector<64x16x128xf32>
    %concatenate3A_390 = tpu.concatenate %broadcast_in_dim3A_386, %slice3A_389 in 0 : vector<64x16x128xf32>, vector<64x16x128xf32> -> vector<128x16x128xf32>
    %gt3A_391 = arith.constant 0.000000e+00 : f32
    %gt3A_392 = vector.broadcast %gt3A_391 : f32 to vector<128x16x128xf32>
    %gt3A_393 = arith.cmpf ogt, %max3A_382, %gt3A_392 : vector<128x16x128xf32>
    %max3A_394 = arith.maximumf %select_n3A_381, %concatenate3A_388 : vector<128x16x128xf32>
    %select_n3A_395 = arith.select %gt3A_393, %select_n3A_381, %max3A_394 : vector<128x16x128xi1>, vector<128x16x128xf32>
    %max3A_396 = arith.maximumf %max3A_382, %concatenate3A_390 : vector<128x16x128xf32>
    %get3A_397 = arith.constant 0 : index
    %get3A_398 = memref.load %arg10[%get3A_397] : memref<1xf32, #tpu.memory_space<smem>>
    %slice3A_399 = vector.extract_strided_slice %select_n3A_395 {offsets = [127, 0, 0], sizes = [1, 16, 128], strides = [1, 1, 1]} : vector<128x16x128xf32> to vector<1x16x128xf32>
    %squeeze3A = vector.shape_cast %slice3A_399 : vector<1x16x128xf32> to vector<16x128xf32>
    %slice3A_400 = vector.extract_strided_slice %max3A_396 {offsets = [127, 0, 0], sizes = [1, 16, 128], strides = [1, 1, 1]} : vector<128x16x128xf32> to vector<1x16x128xf32>
    %squeeze3A_401 = vector.shape_cast %slice3A_400 : vector<1x16x128xf32> to vector<16x128xf32>
    %broadcast_in_dim3A_402 = arith.constant 0xFF800000 : f32
    %broadcast_in_dim3A_403 = vector.broadcast %broadcast_in_dim3A_402 : f32 to vector<16x1xf32>
    %broadcast_in_dim3A_404 = arith.constant 0.000000e+00 : f32
    %broadcast_in_dim3A_405 = vector.broadcast %broadcast_in_dim3A_404 : f32 to vector<16x1xf32>
    %slice3A_406 = vector.extract_strided_slice %squeeze3A {offsets = [0, 0], sizes = [16, 127], strides = [1, 1]} : vector<16x128xf32> to vector<16x127xf32>
    %concatenate3A_407 = tpu.concatenate %broadcast_in_dim3A_403, %slice3A_406 in 1 : vector<16x1xf32>, vector<16x127xf32> -> vector<16x128xf32>
    %slice3A_408 = vector.extract_strided_slice %squeeze3A_401 {offsets = [0, 0], sizes = [16, 127], strides = [1, 1]} : vector<16x128xf32> to vector<16x127xf32>
    %concatenate3A_409 = tpu.concatenate %broadcast_in_dim3A_405, %slice3A_408 in 1 : vector<16x1xf32>, vector<16x127xf32> -> vector<16x128xf32>
    %gt3A_410 = arith.constant 0.000000e+00 : f32
    %gt3A_411 = vector.broadcast %gt3A_410 : f32 to vector<16x128xf32>
    %gt3A_412 = arith.cmpf ogt, %squeeze3A_401, %gt3A_411 : vector<16x128xf32>
    %max3A_413 = arith.maximumf %squeeze3A, %concatenate3A_407 : vector<16x128xf32>
    %select_n3A_414 = arith.select %gt3A_412, %squeeze3A, %max3A_413 : vector<16x128xi1>, vector<16x128xf32>
    %max3A_415 = arith.maximumf %squeeze3A_401, %concatenate3A_409 : vector<16x128xf32>
    %broadcast_in_dim3A_416 = arith.constant 0xFF800000 : f32
    %broadcast_in_dim3A_417 = vector.broadcast %broadcast_in_dim3A_416 : f32 to vector<16x2xf32>
    %broadcast_in_dim3A_418 = arith.constant 0.000000e+00 : f32
    %broadcast_in_dim3A_419 = vector.broadcast %broadcast_in_dim3A_418 : f32 to vector<16x2xf32>
    %slice3A_420 = vector.extract_strided_slice %select_n3A_414 {offsets = [0, 0], sizes = [16, 126], strides = [1, 1]} : vector<16x128xf32> to vector<16x126xf32>
    %concatenate3A_421 = tpu.concatenate %broadcast_in_dim3A_417, %slice3A_420 in 1 : vector<16x2xf32>, vector<16x126xf32> -> vector<16x128xf32>
    %slice3A_422 = vector.extract_strided_slice %max3A_415 {offsets = [0, 0], sizes = [16, 126], strides = [1, 1]} : vector<16x128xf32> to vector<16x126xf32>
    %concatenate3A_423 = tpu.concatenate %broadcast_in_dim3A_419, %slice3A_422 in 1 : vector<16x2xf32>, vector<16x126xf32> -> vector<16x128xf32>
    %gt3A_424 = arith.constant 0.000000e+00 : f32
    %gt3A_425 = vector.broadcast %gt3A_424 : f32 to vector<16x128xf32>
    %gt3A_426 = arith.cmpf ogt, %max3A_415, %gt3A_425 : vector<16x128xf32>
    %max3A_427 = arith.maximumf %select_n3A_414, %concatenate3A_421 : vector<16x128xf32>
    %select_n3A_428 = arith.select %gt3A_426, %select_n3A_414, %max3A_427 : vector<16x128xi1>, vector<16x128xf32>
    %max3A_429 = arith.maximumf %max3A_415, %concatenate3A_423 : vector<16x128xf32>
    %broadcast_in_dim3A_430 = arith.constant 0xFF800000 : f32
    %broadcast_in_dim3A_431 = vector.broadcast %broadcast_in_dim3A_430 : f32 to vector<16x4xf32>
    %broadcast_in_dim3A_432 = arith.constant 0.000000e+00 : f32
    %broadcast_in_dim3A_433 = vector.broadcast %broadcast_in_dim3A_432 : f32 to vector<16x4xf32>
    %slice3A_434 = vector.extract_strided_slice %select_n3A_428 {offsets = [0, 0], sizes = [16, 124], strides = [1, 1]} : vector<16x128xf32> to vector<16x124xf32>
    %concatenate3A_435 = tpu.concatenate %broadcast_in_dim3A_431, %slice3A_434 in 1 : vector<16x4xf32>, vector<16x124xf32> -> vector<16x128xf32>
    %slice3A_436 = vector.extract_strided_slice %max3A_429 {offsets = [0, 0], sizes = [16, 124], strides = [1, 1]} : vector<16x128xf32> to vector<16x124xf32>
    %concatenate3A_437 = tpu.concatenate %broadcast_in_dim3A_433, %slice3A_436 in 1 : vector<16x4xf32>, vector<16x124xf32> -> vector<16x128xf32>
    %gt3A_438 = arith.constant 0.000000e+00 : f32
    %gt3A_439 = vector.broadcast %gt3A_438 : f32 to vector<16x128xf32>
    %gt3A_440 = arith.cmpf ogt, %max3A_429, %gt3A_439 : vector<16x128xf32>
    %max3A_441 = arith.maximumf %select_n3A_428, %concatenate3A_435 : vector<16x128xf32>
    %select_n3A_442 = arith.select %gt3A_440, %select_n3A_428, %max3A_441 : vector<16x128xi1>, vector<16x128xf32>
    %max3A_443 = arith.maximumf %max3A_429, %concatenate3A_437 : vector<16x128xf32>
    %broadcast_in_dim3A_444 = arith.constant 0xFF800000 : f32
    %broadcast_in_dim3A_445 = vector.broadcast %broadcast_in_dim3A_444 : f32 to vector<16x8xf32>
    %broadcast_in_dim3A_446 = arith.constant 0.000000e+00 : f32
    %broadcast_in_dim3A_447 = vector.broadcast %broadcast_in_dim3A_446 : f32 to vector<16x8xf32>
    %slice3A_448 = vector.extract_strided_slice %select_n3A_442 {offsets = [0, 0], sizes = [16, 120], strides = [1, 1]} : vector<16x128xf32> to vector<16x120xf32>
    %concatenate3A_449 = tpu.concatenate %broadcast_in_dim3A_445, %slice3A_448 in 1 : vector<16x8xf32>, vector<16x120xf32> -> vector<16x128xf32>
    %slice3A_450 = vector.extract_strided_slice %max3A_443 {offsets = [0, 0], sizes = [16, 120], strides = [1, 1]} : vector<16x128xf32> to vector<16x120xf32>
    %concatenate3A_451 = tpu.concatenate %broadcast_in_dim3A_447, %slice3A_450 in 1 : vector<16x8xf32>, vector<16x120xf32> -> vector<16x128xf32>
    %gt3A_452 = arith.constant 0.000000e+00 : f32
    %gt3A_453 = vector.broadcast %gt3A_452 : f32 to vector<16x128xf32>
    %gt3A_454 = arith.cmpf ogt, %max3A_443, %gt3A_453 : vector<16x128xf32>
    %max3A_455 = arith.maximumf %select_n3A_442, %concatenate3A_449 : vector<16x128xf32>
    %select_n3A_456 = arith.select %gt3A_454, %select_n3A_442, %max3A_455 : vector<16x128xi1>, vector<16x128xf32>
    %max3A_457 = arith.maximumf %max3A_443, %concatenate3A_451 : vector<16x128xf32>
    %broadcast_in_dim3A_458 = arith.constant 0xFF800000 : f32
    %broadcast_in_dim3A_459 = vector.broadcast %broadcast_in_dim3A_458 : f32 to vector<16x16xf32>
    %broadcast_in_dim3A_460 = arith.constant 0.000000e+00 : f32
    %broadcast_in_dim3A_461 = vector.broadcast %broadcast_in_dim3A_460 : f32 to vector<16x16xf32>
    %slice3A_462 = vector.extract_strided_slice %select_n3A_456 {offsets = [0, 0], sizes = [16, 112], strides = [1, 1]} : vector<16x128xf32> to vector<16x112xf32>
    %concatenate3A_463 = tpu.concatenate %broadcast_in_dim3A_459, %slice3A_462 in 1 : vector<16x16xf32>, vector<16x112xf32> -> vector<16x128xf32>
    %slice3A_464 = vector.extract_strided_slice %max3A_457 {offsets = [0, 0], sizes = [16, 112], strides = [1, 1]} : vector<16x128xf32> to vector<16x112xf32>
    %concatenate3A_465 = tpu.concatenate %broadcast_in_dim3A_461, %slice3A_464 in 1 : vector<16x16xf32>, vector<16x112xf32> -> vector<16x128xf32>
    %gt3A_466 = arith.constant 0.000000e+00 : f32
    %gt3A_467 = vector.broadcast %gt3A_466 : f32 to vector<16x128xf32>
    %gt3A_468 = arith.cmpf ogt, %max3A_457, %gt3A_467 : vector<16x128xf32>
    %max3A_469 = arith.maximumf %select_n3A_456, %concatenate3A_463 : vector<16x128xf32>
    %select_n3A_470 = arith.select %gt3A_468, %select_n3A_456, %max3A_469 : vector<16x128xi1>, vector<16x128xf32>
    %max3A_471 = arith.maximumf %max3A_457, %concatenate3A_465 : vector<16x128xf32>
    %broadcast_in_dim3A_472 = arith.constant 0xFF800000 : f32
    %broadcast_in_dim3A_473 = vector.broadcast %broadcast_in_dim3A_472 : f32 to vector<16x32xf32>
    %broadcast_in_dim3A_474 = arith.constant 0.000000e+00 : f32
    %broadcast_in_dim3A_475 = vector.broadcast %broadcast_in_dim3A_474 : f32 to vector<16x32xf32>
    %slice3A_476 = vector.extract_strided_slice %select_n3A_470 {offsets = [0, 0], sizes = [16, 96], strides = [1, 1]} : vector<16x128xf32> to vector<16x96xf32>
    %concatenate3A_477 = tpu.concatenate %broadcast_in_dim3A_473, %slice3A_476 in 1 : vector<16x32xf32>, vector<16x96xf32> -> vector<16x128xf32>
    %slice3A_478 = vector.extract_strided_slice %max3A_471 {offsets = [0, 0], sizes = [16, 96], strides = [1, 1]} : vector<16x128xf32> to vector<16x96xf32>
    %concatenate3A_479 = tpu.concatenate %broadcast_in_dim3A_475, %slice3A_478 in 1 : vector<16x32xf32>, vector<16x96xf32> -> vector<16x128xf32>
    %gt3A_480 = arith.constant 0.000000e+00 : f32
    %gt3A_481 = vector.broadcast %gt3A_480 : f32 to vector<16x128xf32>
    %gt3A_482 = arith.cmpf ogt, %max3A_471, %gt3A_481 : vector<16x128xf32>
    %max3A_483 = arith.maximumf %select_n3A_470, %concatenate3A_477 : vector<16x128xf32>
    %select_n3A_484 = arith.select %gt3A_482, %select_n3A_470, %max3A_483 : vector<16x128xi1>, vector<16x128xf32>
    %max3A_485 = arith.maximumf %max3A_471, %concatenate3A_479 : vector<16x128xf32>
    %broadcast_in_dim3A_486 = arith.constant 0xFF800000 : f32
    %broadcast_in_dim3A_487 = vector.broadcast %broadcast_in_dim3A_486 : f32 to vector<16x64xf32>
    %broadcast_in_dim3A_488 = arith.constant 0.000000e+00 : f32
    %broadcast_in_dim3A_489 = vector.broadcast %broadcast_in_dim3A_488 : f32 to vector<16x64xf32>
    %slice3A_490 = vector.extract_strided_slice %select_n3A_484 {offsets = [0, 0], sizes = [16, 64], strides = [1, 1]} : vector<16x128xf32> to vector<16x64xf32>
    %concatenate3A_491 = tpu.concatenate %broadcast_in_dim3A_487, %slice3A_490 in 1 : vector<16x64xf32>, vector<16x64xf32> -> vector<16x128xf32>
    %slice3A_492 = vector.extract_strided_slice %max3A_485 {offsets = [0, 0], sizes = [16, 64], strides = [1, 1]} : vector<16x128xf32> to vector<16x64xf32>
    %concatenate3A_493 = tpu.concatenate %broadcast_in_dim3A_489, %slice3A_492 in 1 : vector<16x64xf32>, vector<16x64xf32> -> vector<16x128xf32>
    %gt3A_494 = arith.constant 0.000000e+00 : f32
    %gt3A_495 = vector.broadcast %gt3A_494 : f32 to vector<16x128xf32>
    %gt3A_496 = arith.cmpf ogt, %max3A_485, %gt3A_495 : vector<16x128xf32>
    %max3A_497 = arith.maximumf %select_n3A_484, %concatenate3A_491 : vector<16x128xf32>
    %select_n3A_498 = arith.select %gt3A_496, %select_n3A_484, %max3A_497 : vector<16x128xi1>, vector<16x128xf32>
    %max3A_499 = arith.maximumf %max3A_485, %concatenate3A_493 : vector<16x128xf32>
    %slice3A_500 = vector.extract_strided_slice %select_n3A_498 {offsets = [0, 127], sizes = [16, 1], strides = [1, 1]} : vector<16x128xf32> to vector<16x1xf32>
    %slice3A_501 = vector.extract_strided_slice %max3A_499 {offsets = [0, 127], sizes = [16, 1], strides = [1, 1]} : vector<16x128xf32> to vector<16x1xf32>
    %broadcast_in_dim3A_502 = vector.broadcast %get3A_398 : f32 to vector<1x1xf32>
    %slice3A_503 = vector.extract_strided_slice %slice3A_500 {offsets = [0, 0], sizes = [15, 1], strides = [1, 1]} : vector<16x1xf32> to vector<15x1xf32>
    %concatenate3A_504 = tpu.concatenate %broadcast_in_dim3A_502, %slice3A_503 in 0 : vector<1x1xf32>, vector<15x1xf32> -> vector<16x1xf32>
    %broadcast_in_dim3A_505 = arith.constant 0.000000e+00 : f32
    %broadcast_in_dim3A_506 = vector.broadcast %broadcast_in_dim3A_505 : f32 to vector<1x1xf32>
    %slice3A_507 = vector.extract_strided_slice %slice3A_501 {offsets = [0, 0], sizes = [15, 1], strides = [1, 1]} : vector<16x1xf32> to vector<15x1xf32>
    %concatenate3A_508 = tpu.concatenate %broadcast_in_dim3A_506, %slice3A_507 in 0 : vector<1x1xf32>, vector<15x1xf32> -> vector<16x1xf32>
    %broadcast_in_dim3A_509 = arith.constant 0xFF800000 : f32
    %broadcast_in_dim3A_510 = vector.broadcast %broadcast_in_dim3A_509 : f32 to vector<1x1xf32>
    %broadcast_in_dim3A_511 = arith.constant 0.000000e+00 : f32
    %broadcast_in_dim3A_512 = vector.broadcast %broadcast_in_dim3A_511 : f32 to vector<1x1xf32>
    %slice3A_513 = vector.extract_strided_slice %concatenate3A_504 {offsets = [0, 0], sizes = [15, 1], strides = [1, 1]} : vector<16x1xf32> to vector<15x1xf32>
    %concatenate3A_514 = tpu.concatenate %broadcast_in_dim3A_510, %slice3A_513 in 0 : vector<1x1xf32>, vector<15x1xf32> -> vector<16x1xf32>
    %slice3A_515 = vector.extract_strided_slice %concatenate3A_508 {offsets = [0, 0], sizes = [15, 1], strides = [1, 1]} : vector<16x1xf32> to vector<15x1xf32>
    %concatenate3A_516 = tpu.concatenate %broadcast_in_dim3A_512, %slice3A_515 in 0 : vector<1x1xf32>, vector<15x1xf32> -> vector<16x1xf32>
    %gt3A_517 = arith.constant 0.000000e+00 : f32
    %gt3A_518 = vector.broadcast %gt3A_517 : f32 to vector<16x1xf32>
    %gt3A_519 = arith.cmpf ogt, %concatenate3A_508, %gt3A_518 : vector<16x1xf32>
    %max3A_520 = arith.maximumf %concatenate3A_504, %concatenate3A_514 : vector<16x1xf32>
    %select_n3A_521 = arith.select %gt3A_519, %concatenate3A_504, %max3A_520 : vector<16x1xi1>, vector<16x1xf32>
    %max3A_522 = arith.maximumf %concatenate3A_508, %concatenate3A_516 : vector<16x1xf32>
    %broadcast_in_dim3A_523 = arith.constant 0xFF800000 : f32
    %broadcast_in_dim3A_524 = vector.broadcast %broadcast_in_dim3A_523 : f32 to vector<2x1xf32>
    %broadcast_in_dim3A_525 = arith.constant 0.000000e+00 : f32
    %broadcast_in_dim3A_526 = vector.broadcast %broadcast_in_dim3A_525 : f32 to vector<2x1xf32>
    %slice3A_527 = vector.extract_strided_slice %select_n3A_521 {offsets = [0, 0], sizes = [14, 1], strides = [1, 1]} : vector<16x1xf32> to vector<14x1xf32>
    %concatenate3A_528 = tpu.concatenate %broadcast_in_dim3A_524, %slice3A_527 in 0 : vector<2x1xf32>, vector<14x1xf32> -> vector<16x1xf32>
    %slice3A_529 = vector.extract_strided_slice %max3A_522 {offsets = [0, 0], sizes = [14, 1], strides = [1, 1]} : vector<16x1xf32> to vector<14x1xf32>
    %concatenate3A_530 = tpu.concatenate %broadcast_in_dim3A_526, %slice3A_529 in 0 : vector<2x1xf32>, vector<14x1xf32> -> vector<16x1xf32>
    %gt3A_531 = arith.constant 0.000000e+00 : f32
    %gt3A_532 = vector.broadcast %gt3A_531 : f32 to vector<16x1xf32>
    %gt3A_533 = arith.cmpf ogt, %max3A_522, %gt3A_532 : vector<16x1xf32>
    %max3A_534 = arith.maximumf %select_n3A_521, %concatenate3A_528 : vector<16x1xf32>
    %select_n3A_535 = arith.select %gt3A_533, %select_n3A_521, %max3A_534 : vector<16x1xi1>, vector<16x1xf32>
    %max3A_536 = arith.maximumf %max3A_522, %concatenate3A_530 : vector<16x1xf32>
    %broadcast_in_dim3A_537 = arith.constant 0xFF800000 : f32
    %broadcast_in_dim3A_538 = vector.broadcast %broadcast_in_dim3A_537 : f32 to vector<4x1xf32>
    %broadcast_in_dim3A_539 = arith.constant 0.000000e+00 : f32
    %broadcast_in_dim3A_540 = vector.broadcast %broadcast_in_dim3A_539 : f32 to vector<4x1xf32>
    %slice3A_541 = vector.extract_strided_slice %select_n3A_535 {offsets = [0, 0], sizes = [12, 1], strides = [1, 1]} : vector<16x1xf32> to vector<12x1xf32>
    %concatenate3A_542 = tpu.concatenate %broadcast_in_dim3A_538, %slice3A_541 in 0 : vector<4x1xf32>, vector<12x1xf32> -> vector<16x1xf32>
    %slice3A_543 = vector.extract_strided_slice %max3A_536 {offsets = [0, 0], sizes = [12, 1], strides = [1, 1]} : vector<16x1xf32> to vector<12x1xf32>
    %concatenate3A_544 = tpu.concatenate %broadcast_in_dim3A_540, %slice3A_543 in 0 : vector<4x1xf32>, vector<12x1xf32> -> vector<16x1xf32>
    %gt3A_545 = arith.constant 0.000000e+00 : f32
    %gt3A_546 = vector.broadcast %gt3A_545 : f32 to vector<16x1xf32>
    %gt3A_547 = arith.cmpf ogt, %max3A_536, %gt3A_546 : vector<16x1xf32>
    %max3A_548 = arith.maximumf %select_n3A_535, %concatenate3A_542 : vector<16x1xf32>
    %select_n3A_549 = arith.select %gt3A_547, %select_n3A_535, %max3A_548 : vector<16x1xi1>, vector<16x1xf32>
    %max3A_550 = arith.maximumf %max3A_536, %concatenate3A_544 : vector<16x1xf32>
    %broadcast_in_dim3A_551 = arith.constant 0xFF800000 : f32
    %broadcast_in_dim3A_552 = vector.broadcast %broadcast_in_dim3A_551 : f32 to vector<8x1xf32>
    %slice3A_553 = vector.extract_strided_slice %select_n3A_549 {offsets = [0, 0], sizes = [8, 1], strides = [1, 1]} : vector<16x1xf32> to vector<8x1xf32>
    %concatenate3A_554 = tpu.concatenate %broadcast_in_dim3A_552, %slice3A_553 in 0 : vector<8x1xf32>, vector<8x1xf32> -> vector<16x1xf32>
    %gt3A_555 = arith.constant 0.000000e+00 : f32
    %gt3A_556 = vector.broadcast %gt3A_555 : f32 to vector<16x1xf32>
    %gt3A_557 = arith.cmpf ogt, %max3A_550, %gt3A_556 : vector<16x1xf32>
    %max3A_558 = arith.maximumf %select_n3A_549, %concatenate3A_554 : vector<16x1xf32>
    %select_n3A_559 = arith.select %gt3A_557, %select_n3A_549, %max3A_558 : vector<16x1xi1>, vector<16x1xf32>
    %broadcast_in_dim3A_560 = arith.constant 0xFF800000 : f32
    %broadcast_in_dim3A_561 = vector.broadcast %broadcast_in_dim3A_560 : f32 to vector<16x1xf32>
    %slice3A_562 = vector.extract_strided_slice %select_n3A_498 {offsets = [0, 0], sizes = [16, 127], strides = [1, 1]} : vector<16x128xf32> to vector<16x127xf32>
    %concatenate3A_563 = tpu.concatenate %broadcast_in_dim3A_561, %slice3A_562 in 1 : vector<16x1xf32>, vector<16x127xf32> -> vector<16x128xf32>
    %broadcast_in_dim3A_564 = arith.constant 0.000000e+00 : f32
    %broadcast_in_dim3A_565 = vector.broadcast %broadcast_in_dim3A_564 : f32 to vector<16x1xf32>
    %slice3A_566 = vector.extract_strided_slice %max3A_499 {offsets = [0, 0], sizes = [16, 127], strides = [1, 1]} : vector<16x128xf32> to vector<16x127xf32>
    %concatenate3A_567 = tpu.concatenate %broadcast_in_dim3A_565, %slice3A_566 in 1 : vector<16x1xf32>, vector<16x127xf32> -> vector<16x128xf32>
    %slice3A_568 = vector.extract_strided_slice %slice3A_500 {offsets = [15, 0], sizes = [1, 1], strides = [1, 1]} : vector<16x1xf32> to vector<1x1xf32>
    %squeeze3A_569 = vector.extract %slice3A_568[0, 0] : f32 from vector<1x1xf32>
    %slice3A_570 = vector.extract_strided_slice %slice3A_501 {offsets = [15, 0], sizes = [1, 1], strides = [1, 1]} : vector<16x1xf32> to vector<1x1xf32>
    %squeeze3A_571 = vector.extract %slice3A_570[0, 0] : f32 from vector<1x1xf32>
    %slice3A_572 = vector.extract_strided_slice %select_n3A_559 {offsets = [15, 0], sizes = [1, 1], strides = [1, 1]} : vector<16x1xf32> to vector<1x1xf32>
    %squeeze3A_573 = vector.extract %slice3A_572[0, 0] : f32 from vector<1x1xf32>
    %gt3A_574 = arith.constant 0.000000e+00 : f32
    %gt3A_575 = vector.broadcast %gt3A_574 : f32 to vector<16x128xf32>
    %gt3A_576 = arith.cmpf ogt, %concatenate3A_567, %gt3A_575 : vector<16x128xf32>
    %max3A_577 = vector.broadcast %select_n3A_559 : vector<16x1xf32> to vector<16x128xf32>
    %max3A_578 = arith.maximumf %concatenate3A_563, %max3A_577 : vector<16x128xf32>
    %select_n3A_579 = arith.select %gt3A_576, %concatenate3A_563, %max3A_578 : vector<16x128xi1>, vector<16x128xf32>
    %gt3A_580 = arith.constant 0.000000e+00 : f32
    %gt3A_581 = arith.cmpf ogt, %squeeze3A_571, %gt3A_580 : f32
    %max3A_582 = arith.maximumf %squeeze3A_569, %squeeze3A_573 : f32
    %select_n3A_583 = arith.select %gt3A_581, %squeeze3A_569, %max3A_582 : f32
    %gt3A_584 = arith.constant 0.000000e+00 : f32
    %gt3A_585 = vector.broadcast %gt3A_584 : f32 to vector<128x16x128xf32>
    %gt3A_586 = arith.cmpf ogt, %max3A_396, %gt3A_585 : vector<128x16x128xf32>
    %broadcast_in_dim3A_587 = vector.shape_cast %select_n3A_579 : vector<16x128xf32> to vector<1x16x128xf32>
    %max3A_588 = vector.broadcast %broadcast_in_dim3A_587 : vector<1x16x128xf32> to vector<128x16x128xf32>
    %max3A_589 = arith.maximumf %select_n3A_395, %max3A_588 : vector<128x16x128xf32>
    %select_n3A_590 = arith.select %gt3A_586, %select_n3A_395, %max3A_589 : vector<128x16x128xi1>, vector<128x16x128xf32>
    %reshape3A_591 = vector.shape_cast %select_n3A_590 : vector<128x16x128xf32> to vector<128x2048xf32>
    %swap3A_592 = arith.constant 0 : index
    %swap3A_593 = arith.constant 0 : index
    %swap3A_594 = vector.load %arg6[%swap3A_592, %swap3A_593] : memref<128x2048xf32, #tpu.memory_space<vmem>>, vector<128x2048xf32>
    tpu.vector_store %arg6[%swap3A_592, %swap3A_593], %reshape3A_591 {strides = array<i32>} : memref<128x2048xf32, #tpu.memory_space<vmem>>, vector<128x2048xf32>,
    %swap3A_595 = arith.constant 0 : index
    %swap3A_596 = memref.load %arg10[%swap3A_595] : memref<1xf32, #tpu.memory_space<smem>>
    memref.store %select_n3A_583, %arg10[%swap3A_595] : memref<1xf32, #tpu.memory_space<smem>>
    return
  }
  func.func @transform_0(%arg0: i32) -> (i32, i32) {
    %c0_i32 = arith.constant 0 : i32
    %c0_i32_0 = arith.constant 0 : i32
    return %arg0, %c0_i32 : i32, i32
  }
  func.func @transform_1(%arg0: i32) -> (i32, i32) {
    %c0_i32 = arith.constant 0 : i32
    %c0_i32_0 = arith.constant 0 : i32
    return %arg0, %c0_i32 : i32, i32
  }
  func.func @transform_2(%arg0: i32) -> (i32, i32) {
    %c0_i32 = arith.constant 0 : i32
    %c0_i32_0 = arith.constant 0 : i32
    return %arg0, %c0_i32 : i32, i32
  }
  func.func @transform_3(%arg0: i32) -> (i32, i32) {
    %c0_i32 = arith.constant 0 : i32
    %c0_i32_0 = arith.constant 0 : i32
    return %arg0, %c0_i32 : i32, i32
  }
  func.func @transform_4(%arg0: i32) -> (i32, i32) {
    %c0_i32 = arith.constant 0 : i32
    %c0_i32_0 = arith.constant 0 : i32
    return %arg0, %c0_i32 : i32, i32
  }
  func.func @transform_5(%arg0: i32) -> (i32, i32) {
    %c0_i32 = arith.constant 0 : i32
    %c0_i32_0 = arith.constant 0 : i32
    return %arg0, %c0_i32 : i32, i32
  }
}

module attributes {stable_mosaic.version = 14 : i64} {
  func.func @_bwd_body(%arg0: i32, %arg1: memref<128x2048xf32, #tpu.memory_space<vmem>>, %arg2: memref<128x2048xf32, #tpu.memory_space<vmem>>, %arg3: memref<2048x128xi32, #tpu.memory_space<vmem>>, %arg4: memref<2048x128xi32, #tpu.memory_space<vmem>>, %arg5: memref<2048x128xf32, #tpu.memory_space<vmem>>, %arg6: memref<2048x128xf32, #tpu.memory_space<vmem>>, %arg7: memref<128x16x128xf32, #tpu.memory_space<vmem>>, %arg8: memref<1xf32, #tpu.memory_space<smem>>) attributes {dimension_semantics = [#tpu.dimension_semantics<arbitrary>], iteration_bounds = array<i64: 16>, scalar_prefetch = 0 : i64, scratch_operands = 2 : i64, tpu.core_type = #tpu.core_type<tc>, window_params = [{transform_indices = @transform_0, window_bounds = array<i64: 128, 2048>}, {transform_indices = @transform_1, window_bounds = array<i64: 128, 2048>}, {transform_indices = @transform_2, window_bounds = array<i64: 2048, 128>}, {transform_indices = @transform_3, window_bounds = array<i64: 2048, 128>}, {transform_indices = @transform_4, window_bounds = array<i64: 2048, 128>}, {transform_indices = @transform_5, window_bounds = array<i64: 2048, 128>}]} {
    %get3A = arith.constant 0 : index
    %get3A_0 = arith.constant 0 : index
    %get3A_1 = vector.load %arg3[%get3A, %get3A_0] : memref<2048x128xi32, #tpu.memory_space<vmem>>, vector<2048x128xi32>
    %get3A_2 = arith.constant 0 : index
    %get3A_3 = arith.constant 0 : index
    %get3A_4 = vector.load %arg4[%get3A_2, %get3A_3] : memref<2048x128xi32, #tpu.memory_space<vmem>>, vector<2048x128xi32>
    %ne3A = arith.cmpi ne, %get3A_1, %get3A_4 : vector<2048x128xi32>
    %convert_element_type3A = arith.extui %ne3A : vector<2048x128xi1> to vector<2048x128xi32>
    %convert_element_type3A_5 = arith.sitofp %convert_element_type3A : vector<2048x128xi32> to vector<2048x128xf32>
    %slice3A = vector.extract_strided_slice %convert_element_type3A_5 {offsets = [0, 0], sizes = [128, 128], strides = [1, 1]} : vector<2048x128xf32> to vector<128x128xf32>
    %transpose3A = tpu.transpose %slice3A, [1, 0] : vector<128x128xf32> -> vector<128x128xf32>
    %swap3A = arith.constant 0 : index
    %swap3A_6 = arith.constant 0 : index
    %swap3A_7 = arith.constant 0 : index
    %swap3A_8 = vector.load %arg7[%swap3A, %swap3A_6, %swap3A_7] : memref<128x16x128xf32, #tpu.memory_space<vmem>>, vector<128x1x128xf32>
    %swap3A_9 = vector.shape_cast %swap3A_8 : vector<128x1x128xf32> to vector<128x128xf32>
    %swap3A_10 = vector.shape_cast %transpose3A : vector<128x128xf32> to vector<128x1x128xf32>
    tpu.vector_store %arg7[%swap3A, %swap3A_6, %swap3A_7], %swap3A_10 {strides = array<i32>} : memref<128x16x128xf32, #tpu.memory_space<vmem>>, vector<128x1x128xf32>,
    %slice3A_11 = vector.extract_strided_slice %convert_element_type3A_5 {offsets = [128, 0], sizes = [128, 128], strides = [1, 1]} : vector<2048x128xf32> to vector<128x128xf32>
    %transpose3A_12 = tpu.transpose %slice3A_11, [1, 0] : vector<128x128xf32> -> vector<128x128xf32>
    %swap3A_13 = arith.constant 0 : index
    %swap3A_14 = arith.constant 1 : index
    %swap3A_15 = arith.constant 0 : index
    %swap3A_16 = vector.load %arg7[%swap3A_13, %swap3A_14, %swap3A_15] : memref<128x16x128xf32, #tpu.memory_space<vmem>>, vector<128x1x128xf32>
    %swap3A_17 = vector.shape_cast %swap3A_16 : vector<128x1x128xf32> to vector<128x128xf32>
    %swap3A_18 = vector.shape_cast %transpose3A_12 : vector<128x128xf32> to vector<128x1x128xf32>
    tpu.vector_store %arg7[%swap3A_13, %swap3A_14, %swap3A_15], %swap3A_18 {strides = array<i32>} : memref<128x16x128xf32, #tpu.memory_space<vmem>>, vector<128x1x128xf32>,
    %slice3A_19 = vector.extract_strided_slice %convert_element_type3A_5 {offsets = [256, 0], sizes = [128, 128], strides = [1, 1]} : vector<2048x128xf32> to vector<128x128xf32>
    %transpose3A_20 = tpu.transpose %slice3A_19, [1, 0] : vector<128x128xf32> -> vector<128x128xf32>
    %swap3A_21 = arith.constant 0 : index
    %swap3A_22 = arith.constant 2 : index
    %swap3A_23 = arith.constant 0 : index
    %swap3A_24 = vector.load %arg7[%swap3A_21, %swap3A_22, %swap3A_23] : memref<128x16x128xf32, #tpu.memory_space<vmem>>, vector<128x1x128xf32>
    %swap3A_25 = vector.shape_cast %swap3A_24 : vector<128x1x128xf32> to vector<128x128xf32>
    %swap3A_26 = vector.shape_cast %transpose3A_20 : vector<128x128xf32> to vector<128x1x128xf32>
    tpu.vector_store %arg7[%swap3A_21, %swap3A_22, %swap3A_23], %swap3A_26 {strides = array<i32>} : memref<128x16x128xf32, #tpu.memory_space<vmem>>, vector<128x1x128xf32>,
    %slice3A_27 = vector.extract_strided_slice %convert_element_type3A_5 {offsets = [384, 0], sizes = [128, 128], strides = [1, 1]} : vector<2048x128xf32> to vector<128x128xf32>
    %transpose3A_28 = tpu.transpose %slice3A_27, [1, 0] : vector<128x128xf32> -> vector<128x128xf32>
    %swap3A_29 = arith.constant 0 : index
    %swap3A_30 = arith.constant 3 : index
    %swap3A_31 = arith.constant 0 : index
    %swap3A_32 = vector.load %arg7[%swap3A_29, %swap3A_30, %swap3A_31] : memref<128x16x128xf32, #tpu.memory_space<vmem>>, vector<128x1x128xf32>
    %swap3A_33 = vector.shape_cast %swap3A_32 : vector<128x1x128xf32> to vector<128x128xf32>
    %swap3A_34 = vector.shape_cast %transpose3A_28 : vector<128x128xf32> to vector<128x1x128xf32>
    tpu.vector_store %arg7[%swap3A_29, %swap3A_30, %swap3A_31], %swap3A_34 {strides = array<i32>} : memref<128x16x128xf32, #tpu.memory_space<vmem>>, vector<128x1x128xf32>,
    %slice3A_35 = vector.extract_strided_slice %convert_element_type3A_5 {offsets = [512, 0], sizes = [128, 128], strides = [1, 1]} : vector<2048x128xf32> to vector<128x128xf32>
    %transpose3A_36 = tpu.transpose %slice3A_35, [1, 0] : vector<128x128xf32> -> vector<128x128xf32>
    %swap3A_37 = arith.constant 0 : index
    %swap3A_38 = arith.constant 4 : index
    %swap3A_39 = arith.constant 0 : index
    %swap3A_40 = vector.load %arg7[%swap3A_37, %swap3A_38, %swap3A_39] : memref<128x16x128xf32, #tpu.memory_space<vmem>>, vector<128x1x128xf32>
    %swap3A_41 = vector.shape_cast %swap3A_40 : vector<128x1x128xf32> to vector<128x128xf32>
    %swap3A_42 = vector.shape_cast %transpose3A_36 : vector<128x128xf32> to vector<128x1x128xf32>
    tpu.vector_store %arg7[%swap3A_37, %swap3A_38, %swap3A_39], %swap3A_42 {strides = array<i32>} : memref<128x16x128xf32, #tpu.memory_space<vmem>>, vector<128x1x128xf32>,
    %slice3A_43 = vector.extract_strided_slice %convert_element_type3A_5 {offsets = [640, 0], sizes = [128, 128], strides = [1, 1]} : vector<2048x128xf32> to vector<128x128xf32>
    %transpose3A_44 = tpu.transpose %slice3A_43, [1, 0] : vector<128x128xf32> -> vector<128x128xf32>
    %swap3A_45 = arith.constant 0 : index
    %swap3A_46 = arith.constant 5 : index
    %swap3A_47 = arith.constant 0 : index
    %swap3A_48 = vector.load %arg7[%swap3A_45, %swap3A_46, %swap3A_47] : memref<128x16x128xf32, #tpu.memory_space<vmem>>, vector<128x1x128xf32>
    %swap3A_49 = vector.shape_cast %swap3A_48 : vector<128x1x128xf32> to vector<128x128xf32>
    %swap3A_50 = vector.shape_cast %transpose3A_44 : vector<128x128xf32> to vector<128x1x128xf32>
    tpu.vector_store %arg7[%swap3A_45, %swap3A_46, %swap3A_47], %swap3A_50 {strides = array<i32>} : memref<128x16x128xf32, #tpu.memory_space<vmem>>, vector<128x1x128xf32>,
    %slice3A_51 = vector.extract_strided_slice %convert_element_type3A_5 {offsets = [768, 0], sizes = [128, 128], strides = [1, 1]} : vector<2048x128xf32> to vector<128x128xf32>
    %transpose3A_52 = tpu.transpose %slice3A_51, [1, 0] : vector<128x128xf32> -> vector<128x128xf32>
    %swap3A_53 = arith.constant 0 : index
    %swap3A_54 = arith.constant 6 : index
    %swap3A_55 = arith.constant 0 : index
    %swap3A_56 = vector.load %arg7[%swap3A_53, %swap3A_54, %swap3A_55] : memref<128x16x128xf32, #tpu.memory_space<vmem>>, vector<128x1x128xf32>
    %swap3A_57 = vector.shape_cast %swap3A_56 : vector<128x1x128xf32> to vector<128x128xf32>
    %swap3A_58 = vector.shape_cast %transpose3A_52 : vector<128x128xf32> to vector<128x1x128xf32>
    tpu.vector_store %arg7[%swap3A_53, %swap3A_54, %swap3A_55], %swap3A_58 {strides = array<i32>} : memref<128x16x128xf32, #tpu.memory_space<vmem>>, vector<128x1x128xf32>,
    %slice3A_59 = vector.extract_strided_slice %convert_element_type3A_5 {offsets = [896, 0], sizes = [128, 128], strides = [1, 1]} : vector<2048x128xf32> to vector<128x128xf32>
    %transpose3A_60 = tpu.transpose %slice3A_59, [1, 0] : vector<128x128xf32> -> vector<128x128xf32>
    %swap3A_61 = arith.constant 0 : index
    %swap3A_62 = arith.constant 7 : index
    %swap3A_63 = arith.constant 0 : index
    %swap3A_64 = vector.load %arg7[%swap3A_61, %swap3A_62, %swap3A_63] : memref<128x16x128xf32, #tpu.memory_space<vmem>>, vector<128x1x128xf32>
    %swap3A_65 = vector.shape_cast %swap3A_64 : vector<128x1x128xf32> to vector<128x128xf32>
    %swap3A_66 = vector.shape_cast %transpose3A_60 : vector<128x128xf32> to vector<128x1x128xf32>
    tpu.vector_store %arg7[%swap3A_61, %swap3A_62, %swap3A_63], %swap3A_66 {strides = array<i32>} : memref<128x16x128xf32, #tpu.memory_space<vmem>>, vector<128x1x128xf32>,
    %slice3A_67 = vector.extract_strided_slice %convert_element_type3A_5 {offsets = [1024, 0], sizes = [128, 128], strides = [1, 1]} : vector<2048x128xf32> to vector<128x128xf32>
    %transpose3A_68 = tpu.transpose %slice3A_67, [1, 0] : vector<128x128xf32> -> vector<128x128xf32>
    %swap3A_69 = arith.constant 0 : index
    %swap3A_70 = arith.constant 8 : index
    %swap3A_71 = arith.constant 0 : index
    %swap3A_72 = vector.load %arg7[%swap3A_69, %swap3A_70, %swap3A_71] : memref<128x16x128xf32, #tpu.memory_space<vmem>>, vector<128x1x128xf32>
    %swap3A_73 = vector.shape_cast %swap3A_72 : vector<128x1x128xf32> to vector<128x128xf32>
    %swap3A_74 = vector.shape_cast %transpose3A_68 : vector<128x128xf32> to vector<128x1x128xf32>
    tpu.vector_store %arg7[%swap3A_69, %swap3A_70, %swap3A_71], %swap3A_74 {strides = array<i32>} : memref<128x16x128xf32, #tpu.memory_space<vmem>>, vector<128x1x128xf32>,
    %slice3A_75 = vector.extract_strided_slice %convert_element_type3A_5 {offsets = [1152, 0], sizes = [128, 128], strides = [1, 1]} : vector<2048x128xf32> to vector<128x128xf32>
    %transpose3A_76 = tpu.transpose %slice3A_75, [1, 0] : vector<128x128xf32> -> vector<128x128xf32>
    %swap3A_77 = arith.constant 0 : index
    %swap3A_78 = arith.constant 9 : index
    %swap3A_79 = arith.constant 0 : index
    %swap3A_80 = vector.load %arg7[%swap3A_77, %swap3A_78, %swap3A_79] : memref<128x16x128xf32, #tpu.memory_space<vmem>>, vector<128x1x128xf32>
    %swap3A_81 = vector.shape_cast %swap3A_80 : vector<128x1x128xf32> to vector<128x128xf32>
    %swap3A_82 = vector.shape_cast %transpose3A_76 : vector<128x128xf32> to vector<128x1x128xf32>
    tpu.vector_store %arg7[%swap3A_77, %swap3A_78, %swap3A_79], %swap3A_82 {strides = array<i32>} : memref<128x16x128xf32, #tpu.memory_space<vmem>>, vector<128x1x128xf32>,
    %slice3A_83 = vector.extract_strided_slice %convert_element_type3A_5 {offsets = [1280, 0], sizes = [128, 128], strides = [1, 1]} : vector<2048x128xf32> to vector<128x128xf32>
    %transpose3A_84 = tpu.transpose %slice3A_83, [1, 0] : vector<128x128xf32> -> vector<128x128xf32>
    %swap3A_85 = arith.constant 0 : index
    %swap3A_86 = arith.constant 10 : index
    %swap3A_87 = arith.constant 0 : index
    %swap3A_88 = vector.load %arg7[%swap3A_85, %swap3A_86, %swap3A_87] : memref<128x16x128xf32, #tpu.memory_space<vmem>>, vector<128x1x128xf32>
    %swap3A_89 = vector.shape_cast %swap3A_88 : vector<128x1x128xf32> to vector<128x128xf32>
    %swap3A_90 = vector.shape_cast %transpose3A_84 : vector<128x128xf32> to vector<128x1x128xf32>
    tpu.vector_store %arg7[%swap3A_85, %swap3A_86, %swap3A_87], %swap3A_90 {strides = array<i32>} : memref<128x16x128xf32, #tpu.memory_space<vmem>>, vector<128x1x128xf32>,
    %slice3A_91 = vector.extract_strided_slice %convert_element_type3A_5 {offsets = [1408, 0], sizes = [128, 128], strides = [1, 1]} : vector<2048x128xf32> to vector<128x128xf32>
    %transpose3A_92 = tpu.transpose %slice3A_91, [1, 0] : vector<128x128xf32> -> vector<128x128xf32>
    %swap3A_93 = arith.constant 0 : index
    %swap3A_94 = arith.constant 11 : index
    %swap3A_95 = arith.constant 0 : index
    %swap3A_96 = vector.load %arg7[%swap3A_93, %swap3A_94, %swap3A_95] : memref<128x16x128xf32, #tpu.memory_space<vmem>>, vector<128x1x128xf32>
    %swap3A_97 = vector.shape_cast %swap3A_96 : vector<128x1x128xf32> to vector<128x128xf32>
    %swap3A_98 = vector.shape_cast %transpose3A_92 : vector<128x128xf32> to vector<128x1x128xf32>
    tpu.vector_store %arg7[%swap3A_93, %swap3A_94, %swap3A_95], %swap3A_98 {strides = array<i32>} : memref<128x16x128xf32, #tpu.memory_space<vmem>>, vector<128x1x128xf32>,
    %slice3A_99 = vector.extract_strided_slice %convert_element_type3A_5 {offsets = [1536, 0], sizes = [128, 128], strides = [1, 1]} : vector<2048x128xf32> to vector<128x128xf32>
    %transpose3A_100 = tpu.transpose %slice3A_99, [1, 0] : vector<128x128xf32> -> vector<128x128xf32>
    %swap3A_101 = arith.constant 0 : index
    %swap3A_102 = arith.constant 12 : index
    %swap3A_103 = arith.constant 0 : index
    %swap3A_104 = vector.load %arg7[%swap3A_101, %swap3A_102, %swap3A_103] : memref<128x16x128xf32, #tpu.memory_space<vmem>>, vector<128x1x128xf32>
    %swap3A_105 = vector.shape_cast %swap3A_104 : vector<128x1x128xf32> to vector<128x128xf32>
    %swap3A_106 = vector.shape_cast %transpose3A_100 : vector<128x128xf32> to vector<128x1x128xf32>
    tpu.vector_store %arg7[%swap3A_101, %swap3A_102, %swap3A_103], %swap3A_106 {strides = array<i32>} : memref<128x16x128xf32, #tpu.memory_space<vmem>>, vector<128x1x128xf32>,
    %slice3A_107 = vector.extract_strided_slice %convert_element_type3A_5 {offsets = [1664, 0], sizes = [128, 128], strides = [1, 1]} : vector<2048x128xf32> to vector<128x128xf32>
    %transpose3A_108 = tpu.transpose %slice3A_107, [1, 0] : vector<128x128xf32> -> vector<128x128xf32>
    %swap3A_109 = arith.constant 0 : index
    %swap3A_110 = arith.constant 13 : index
    %swap3A_111 = arith.constant 0 : index
    %swap3A_112 = vector.load %arg7[%swap3A_109, %swap3A_110, %swap3A_111] : memref<128x16x128xf32, #tpu.memory_space<vmem>>, vector<128x1x128xf32>
    %swap3A_113 = vector.shape_cast %swap3A_112 : vector<128x1x128xf32> to vector<128x128xf32>
    %swap3A_114 = vector.shape_cast %transpose3A_108 : vector<128x128xf32> to vector<128x1x128xf32>
    tpu.vector_store %arg7[%swap3A_109, %swap3A_110, %swap3A_111], %swap3A_114 {strides = array<i32>} : memref<128x16x128xf32, #tpu.memory_space<vmem>>, vector<128x1x128xf32>,
    %slice3A_115 = vector.extract_strided_slice %convert_element_type3A_5 {offsets = [1792, 0], sizes = [128, 128], strides = [1, 1]} : vector<2048x128xf32> to vector<128x128xf32>
    %transpose3A_116 = tpu.transpose %slice3A_115, [1, 0] : vector<128x128xf32> -> vector<128x128xf32>
    %swap3A_117 = arith.constant 0 : index
    %swap3A_118 = arith.constant 14 : index
    %swap3A_119 = arith.constant 0 : index
    %swap3A_120 = vector.load %arg7[%swap3A_117, %swap3A_118, %swap3A_119] : memref<128x16x128xf32, #tpu.memory_space<vmem>>, vector<128x1x128xf32>
    %swap3A_121 = vector.shape_cast %swap3A_120 : vector<128x1x128xf32> to vector<128x128xf32>
    %swap3A_122 = vector.shape_cast %transpose3A_116 : vector<128x128xf32> to vector<128x1x128xf32>
    tpu.vector_store %arg7[%swap3A_117, %swap3A_118, %swap3A_119], %swap3A_122 {strides = array<i32>} : memref<128x16x128xf32, #tpu.memory_space<vmem>>, vector<128x1x128xf32>,
    %slice3A_123 = vector.extract_strided_slice %convert_element_type3A_5 {offsets = [1920, 0], sizes = [128, 128], strides = [1, 1]} : vector<2048x128xf32> to vector<128x128xf32>
    %transpose3A_124 = tpu.transpose %slice3A_123, [1, 0] : vector<128x128xf32> -> vector<128x128xf32>
    %swap3A_125 = arith.constant 0 : index
    %swap3A_126 = arith.constant 15 : index
    %swap3A_127 = arith.constant 0 : index
    %swap3A_128 = vector.load %arg7[%swap3A_125, %swap3A_126, %swap3A_127] : memref<128x16x128xf32, #tpu.memory_space<vmem>>, vector<128x1x128xf32>
    %swap3A_129 = vector.shape_cast %swap3A_128 : vector<128x1x128xf32> to vector<128x128xf32>
    %swap3A_130 = vector.shape_cast %transpose3A_124 : vector<128x128xf32> to vector<128x1x128xf32>
    tpu.vector_store %arg7[%swap3A_125, %swap3A_126, %swap3A_127], %swap3A_130 {strides = array<i32>} : memref<128x16x128xf32, #tpu.memory_space<vmem>>, vector<128x1x128xf32>,
    %eq3A = arith.constant 0 : i32
    %eq3A_131 = arith.cmpi eq, %arg0, %eq3A : i32
    %convert_element_type3A_132 = arith.extui %eq3A_131 : i1 to i32
    %cond3A = arith.constant 0 : i32
    %cond3A_133 = arith.cmpi ne, %convert_element_type3A_132, %cond3A : i32
    scf.if %cond3A_133 {
      %swap3A_736 = arith.constant 0xFF800000 : f32
      %swap3A_737 = arith.constant 0 : index
      %swap3A_738 = memref.load %arg8[%swap3A_737] : memref<1xf32, #tpu.memory_space<smem>>
      memref.store %swap3A_736, %arg8[%swap3A_737] : memref<1xf32, #tpu.memory_space<smem>>
    } else {
    }
    %get3A_134 = arith.constant 0 : index
    %get3A_135 = arith.constant 0 : index
    %get3A_136 = vector.load %arg1[%get3A_134, %get3A_135] : memref<128x2048xf32, #tpu.memory_space<vmem>>, vector<128x2048xf32>
    %reshape3A = vector.shape_cast %get3A_136 : vector<128x2048xf32> to vector<128x16x128xf32>
    %get3A_137 = arith.constant 0 : index
    %get3A_138 = arith.constant 0 : index
    %get3A_139 = arith.constant 0 : index
    %get3A_140 = vector.load %arg7[%get3A_137, %get3A_138, %get3A_139] : memref<128x16x128xf32, #tpu.memory_space<vmem>>, vector<128x16x128xf32>
    %broadcast_in_dim3A = arith.constant 0xFF800000 : f32
    %broadcast_in_dim3A_141 = vector.broadcast %broadcast_in_dim3A : f32 to vector<1x16x128xf32>
    %broadcast_in_dim3A_142 = arith.constant 0.000000e+00 : f32
    %broadcast_in_dim3A_143 = vector.broadcast %broadcast_in_dim3A_142 : f32 to vector<1x16x128xf32>
    %slice3A_144 = vector.extract_strided_slice %reshape3A {offsets = [1, 0, 0], sizes = [127, 16, 128], strides = [1, 1, 1]} : vector<128x16x128xf32> to vector<127x16x128xf32>
    %concatenate3A = tpu.concatenate %slice3A_144, %broadcast_in_dim3A_141 in 0 : vector<127x16x128xf32>, vector<1x16x128xf32> -> vector<128x16x128xf32>
    %slice3A_145 = vector.extract_strided_slice %get3A_140 {offsets = [1, 0, 0], sizes = [127, 16, 128], strides = [1, 1, 1]} : vector<128x16x128xf32> to vector<127x16x128xf32>
    %concatenate3A_146 = tpu.concatenate %slice3A_145, %broadcast_in_dim3A_143 in 0 : vector<127x16x128xf32>, vector<1x16x128xf32> -> vector<128x16x128xf32>
    %gt3A = arith.constant 0.000000e+00 : f32
    %gt3A_147 = vector.broadcast %gt3A : f32 to vector<128x16x128xf32>
    %gt3A_148 = arith.cmpf ogt, %get3A_140, %gt3A_147 : vector<128x16x128xf32>
    %max3A = arith.maximumf %reshape3A, %concatenate3A : vector<128x16x128xf32>
    %select_n3A = arith.select %gt3A_148, %reshape3A, %max3A : vector<128x16x128xi1>, vector<128x16x128xf32>
    %max3A_149 = arith.maximumf %get3A_140, %concatenate3A_146 : vector<128x16x128xf32>
    %broadcast_in_dim3A_150 = arith.constant 0xFF800000 : f32
    %broadcast_in_dim3A_151 = vector.broadcast %broadcast_in_dim3A_150 : f32 to vector<2x16x128xf32>
    %broadcast_in_dim3A_152 = arith.constant 0.000000e+00 : f32
    %broadcast_in_dim3A_153 = vector.broadcast %broadcast_in_dim3A_152 : f32 to vector<2x16x128xf32>
    %slice3A_154 = vector.extract_strided_slice %select_n3A {offsets = [2, 0, 0], sizes = [126, 16, 128], strides = [1, 1, 1]} : vector<128x16x128xf32> to vector<126x16x128xf32>
    %concatenate3A_155 = tpu.concatenate %slice3A_154, %broadcast_in_dim3A_151 in 0 : vector<126x16x128xf32>, vector<2x16x128xf32> -> vector<128x16x128xf32>
    %slice3A_156 = vector.extract_strided_slice %max3A_149 {offsets = [2, 0, 0], sizes = [126, 16, 128], strides = [1, 1, 1]} : vector<128x16x128xf32> to vector<126x16x128xf32>
    %concatenate3A_157 = tpu.concatenate %slice3A_156, %broadcast_in_dim3A_153 in 0 : vector<126x16x128xf32>, vector<2x16x128xf32> -> vector<128x16x128xf32>
    %gt3A_158 = arith.constant 0.000000e+00 : f32
    %gt3A_159 = vector.broadcast %gt3A_158 : f32 to vector<128x16x128xf32>
    %gt3A_160 = arith.cmpf ogt, %max3A_149, %gt3A_159 : vector<128x16x128xf32>
    %max3A_161 = arith.maximumf %select_n3A, %concatenate3A_155 : vector<128x16x128xf32>
    %select_n3A_162 = arith.select %gt3A_160, %select_n3A, %max3A_161 : vector<128x16x128xi1>, vector<128x16x128xf32>
    %max3A_163 = arith.maximumf %max3A_149, %concatenate3A_157 : vector<128x16x128xf32>
    %broadcast_in_dim3A_164 = arith.constant 0xFF800000 : f32
    %broadcast_in_dim3A_165 = vector.broadcast %broadcast_in_dim3A_164 : f32 to vector<4x16x128xf32>
    %broadcast_in_dim3A_166 = arith.constant 0.000000e+00 : f32
    %broadcast_in_dim3A_167 = vector.broadcast %broadcast_in_dim3A_166 : f32 to vector<4x16x128xf32>
    %slice3A_168 = vector.extract_strided_slice %select_n3A_162 {offsets = [4, 0, 0], sizes = [124, 16, 128], strides = [1, 1, 1]} : vector<128x16x128xf32> to vector<124x16x128xf32>
    %concatenate3A_169 = tpu.concatenate %slice3A_168, %broadcast_in_dim3A_165 in 0 : vector<124x16x128xf32>, vector<4x16x128xf32> -> vector<128x16x128xf32>
    %slice3A_170 = vector.extract_strided_slice %max3A_163 {offsets = [4, 0, 0], sizes = [124, 16, 128], strides = [1, 1, 1]} : vector<128x16x128xf32> to vector<124x16x128xf32>
    %concatenate3A_171 = tpu.concatenate %slice3A_170, %broadcast_in_dim3A_167 in 0 : vector<124x16x128xf32>, vector<4x16x128xf32> -> vector<128x16x128xf32>
    %gt3A_172 = arith.constant 0.000000e+00 : f32
    %gt3A_173 = vector.broadcast %gt3A_172 : f32 to vector<128x16x128xf32>
    %gt3A_174 = arith.cmpf ogt, %max3A_163, %gt3A_173 : vector<128x16x128xf32>
    %max3A_175 = arith.maximumf %select_n3A_162, %concatenate3A_169 : vector<128x16x128xf32>
    %select_n3A_176 = arith.select %gt3A_174, %select_n3A_162, %max3A_175 : vector<128x16x128xi1>, vector<128x16x128xf32>
    %max3A_177 = arith.maximumf %max3A_163, %concatenate3A_171 : vector<128x16x128xf32>
    %broadcast_in_dim3A_178 = arith.constant 0xFF800000 : f32
    %broadcast_in_dim3A_179 = vector.broadcast %broadcast_in_dim3A_178 : f32 to vector<8x16x128xf32>
    %broadcast_in_dim3A_180 = arith.constant 0.000000e+00 : f32
    %broadcast_in_dim3A_181 = vector.broadcast %broadcast_in_dim3A_180 : f32 to vector<8x16x128xf32>
    %slice3A_182 = vector.extract_strided_slice %select_n3A_176 {offsets = [8, 0, 0], sizes = [120, 16, 128], strides = [1, 1, 1]} : vector<128x16x128xf32> to vector<120x16x128xf32>
    %concatenate3A_183 = tpu.concatenate %slice3A_182, %broadcast_in_dim3A_179 in 0 : vector<120x16x128xf32>, vector<8x16x128xf32> -> vector<128x16x128xf32>
    %slice3A_184 = vector.extract_strided_slice %max3A_177 {offsets = [8, 0, 0], sizes = [120, 16, 128], strides = [1, 1, 1]} : vector<128x16x128xf32> to vector<120x16x128xf32>
    %concatenate3A_185 = tpu.concatenate %slice3A_184, %broadcast_in_dim3A_181 in 0 : vector<120x16x128xf32>, vector<8x16x128xf32> -> vector<128x16x128xf32>
    %gt3A_186 = arith.constant 0.000000e+00 : f32
    %gt3A_187 = vector.broadcast %gt3A_186 : f32 to vector<128x16x128xf32>
    %gt3A_188 = arith.cmpf ogt, %max3A_177, %gt3A_187 : vector<128x16x128xf32>
    %max3A_189 = arith.maximumf %select_n3A_176, %concatenate3A_183 : vector<128x16x128xf32>
    %select_n3A_190 = arith.select %gt3A_188, %select_n3A_176, %max3A_189 : vector<128x16x128xi1>, vector<128x16x128xf32>
    %max3A_191 = arith.maximumf %max3A_177, %concatenate3A_185 : vector<128x16x128xf32>
    %broadcast_in_dim3A_192 = arith.constant 0xFF800000 : f32
    %broadcast_in_dim3A_193 = vector.broadcast %broadcast_in_dim3A_192 : f32 to vector<16x16x128xf32>
    %broadcast_in_dim3A_194 = arith.constant 0.000000e+00 : f32
    %broadcast_in_dim3A_195 = vector.broadcast %broadcast_in_dim3A_194 : f32 to vector<16x16x128xf32>
    %slice3A_196 = vector.extract_strided_slice %select_n3A_190 {offsets = [16, 0, 0], sizes = [112, 16, 128], strides = [1, 1, 1]} : vector<128x16x128xf32> to vector<112x16x128xf32>
    %concatenate3A_197 = tpu.concatenate %slice3A_196, %broadcast_in_dim3A_193 in 0 : vector<112x16x128xf32>, vector<16x16x128xf32> -> vector<128x16x128xf32>
    %slice3A_198 = vector.extract_strided_slice %max3A_191 {offsets = [16, 0, 0], sizes = [112, 16, 128], strides = [1, 1, 1]} : vector<128x16x128xf32> to vector<112x16x128xf32>
    %concatenate3A_199 = tpu.concatenate %slice3A_198, %broadcast_in_dim3A_195 in 0 : vector<112x16x128xf32>, vector<16x16x128xf32> -> vector<128x16x128xf32>
    %gt3A_200 = arith.constant 0.000000e+00 : f32
    %gt3A_201 = vector.broadcast %gt3A_200 : f32 to vector<128x16x128xf32>
    %gt3A_202 = arith.cmpf ogt, %max3A_191, %gt3A_201 : vector<128x16x128xf32>
    %max3A_203 = arith.maximumf %select_n3A_190, %concatenate3A_197 : vector<128x16x128xf32>
    %select_n3A_204 = arith.select %gt3A_202, %select_n3A_190, %max3A_203 : vector<128x16x128xi1>, vector<128x16x128xf32>
    %max3A_205 = arith.maximumf %max3A_191, %concatenate3A_199 : vector<128x16x128xf32>
    %broadcast_in_dim3A_206 = arith.constant 0xFF800000 : f32
    %broadcast_in_dim3A_207 = vector.broadcast %broadcast_in_dim3A_206 : f32 to vector<32x16x128xf32>
    %broadcast_in_dim3A_208 = arith.constant 0.000000e+00 : f32
    %broadcast_in_dim3A_209 = vector.broadcast %broadcast_in_dim3A_208 : f32 to vector<32x16x128xf32>
    %slice3A_210 = vector.extract_strided_slice %select_n3A_204 {offsets = [32, 0, 0], sizes = [96, 16, 128], strides = [1, 1, 1]} : vector<128x16x128xf32> to vector<96x16x128xf32>
    %concatenate3A_211 = tpu.concatenate %slice3A_210, %broadcast_in_dim3A_207 in 0 : vector<96x16x128xf32>, vector<32x16x128xf32> -> vector<128x16x128xf32>
    %slice3A_212 = vector.extract_strided_slice %max3A_205 {offsets = [32, 0, 0], sizes = [96, 16, 128], strides = [1, 1, 1]} : vector<128x16x128xf32> to vector<96x16x128xf32>
    %concatenate3A_213 = tpu.concatenate %slice3A_212, %broadcast_in_dim3A_209 in 0 : vector<96x16x128xf32>, vector<32x16x128xf32> -> vector<128x16x128xf32>
    %gt3A_214 = arith.constant 0.000000e+00 : f32
    %gt3A_215 = vector.broadcast %gt3A_214 : f32 to vector<128x16x128xf32>
    %gt3A_216 = arith.cmpf ogt, %max3A_205, %gt3A_215 : vector<128x16x128xf32>
    %max3A_217 = arith.maximumf %select_n3A_204, %concatenate3A_211 : vector<128x16x128xf32>
    %select_n3A_218 = arith.select %gt3A_216, %select_n3A_204, %max3A_217 : vector<128x16x128xi1>, vector<128x16x128xf32>
    %max3A_219 = arith.maximumf %max3A_205, %concatenate3A_213 : vector<128x16x128xf32>
    %broadcast_in_dim3A_220 = arith.constant 0xFF800000 : f32
    %broadcast_in_dim3A_221 = vector.broadcast %broadcast_in_dim3A_220 : f32 to vector<64x16x128xf32>
    %broadcast_in_dim3A_222 = arith.constant 0.000000e+00 : f32
    %broadcast_in_dim3A_223 = vector.broadcast %broadcast_in_dim3A_222 : f32 to vector<64x16x128xf32>
    %slice3A_224 = vector.extract_strided_slice %select_n3A_218 {offsets = [64, 0, 0], sizes = [64, 16, 128], strides = [1, 1, 1]} : vector<128x16x128xf32> to vector<64x16x128xf32>
    %concatenate3A_225 = tpu.concatenate %slice3A_224, %broadcast_in_dim3A_221 in 0 : vector<64x16x128xf32>, vector<64x16x128xf32> -> vector<128x16x128xf32>
    %slice3A_226 = vector.extract_strided_slice %max3A_219 {offsets = [64, 0, 0], sizes = [64, 16, 128], strides = [1, 1, 1]} : vector<128x16x128xf32> to vector<64x16x128xf32>
    %concatenate3A_227 = tpu.concatenate %slice3A_226, %broadcast_in_dim3A_223 in 0 : vector<64x16x128xf32>, vector<64x16x128xf32> -> vector<128x16x128xf32>
    %gt3A_228 = arith.constant 0.000000e+00 : f32
    %gt3A_229 = vector.broadcast %gt3A_228 : f32 to vector<128x16x128xf32>
    %gt3A_230 = arith.cmpf ogt, %max3A_219, %gt3A_229 : vector<128x16x128xf32>
    %max3A_231 = arith.maximumf %select_n3A_218, %concatenate3A_225 : vector<128x16x128xf32>
    %select_n3A_232 = arith.select %gt3A_230, %select_n3A_218, %max3A_231 : vector<128x16x128xi1>, vector<128x16x128xf32>
    %max3A_233 = arith.maximumf %max3A_219, %concatenate3A_227 : vector<128x16x128xf32>
    %get3A_234 = arith.constant 0 : index
    %get3A_235 = memref.load %arg8[%get3A_234] : memref<1xf32, #tpu.memory_space<smem>>
    %slice3A_236 = vector.extract_strided_slice %select_n3A_232 {offsets = [0, 0, 0], sizes = [1, 16, 128], strides = [1, 1, 1]} : vector<128x16x128xf32> to vector<1x16x128xf32>
    %squeeze3A = vector.shape_cast %slice3A_236 : vector<1x16x128xf32> to vector<16x128xf32>
    %slice3A_237 = vector.extract_strided_slice %max3A_233 {offsets = [0, 0, 0], sizes = [1, 16, 128], strides = [1, 1, 1]} : vector<128x16x128xf32> to vector<1x16x128xf32>
    %squeeze3A_238 = vector.shape_cast %slice3A_237 : vector<1x16x128xf32> to vector<16x128xf32>
    %broadcast_in_dim3A_239 = arith.constant 0xFF800000 : f32
    %broadcast_in_dim3A_240 = vector.broadcast %broadcast_in_dim3A_239 : f32 to vector<16x1xf32>
    %broadcast_in_dim3A_241 = arith.constant 0.000000e+00 : f32
    %broadcast_in_dim3A_242 = vector.broadcast %broadcast_in_dim3A_241 : f32 to vector<16x1xf32>
    %slice3A_243 = vector.extract_strided_slice %squeeze3A {offsets = [0, 1], sizes = [16, 127], strides = [1, 1]} : vector<16x128xf32> to vector<16x127xf32>
    %concatenate3A_244 = tpu.concatenate %slice3A_243, %broadcast_in_dim3A_240 in 1 : vector<16x127xf32>, vector<16x1xf32> -> vector<16x128xf32>
    %slice3A_245 = vector.extract_strided_slice %squeeze3A_238 {offsets = [0, 1], sizes = [16, 127], strides = [1, 1]} : vector<16x128xf32> to vector<16x127xf32>
    %concatenate3A_246 = tpu.concatenate %slice3A_245, %broadcast_in_dim3A_242 in 1 : vector<16x127xf32>, vector<16x1xf32> -> vector<16x128xf32>
    %gt3A_247 = arith.constant 0.000000e+00 : f32
    %gt3A_248 = vector.broadcast %gt3A_247 : f32 to vector<16x128xf32>
    %gt3A_249 = arith.cmpf ogt, %squeeze3A_238, %gt3A_248 : vector<16x128xf32>
    %max3A_250 = arith.maximumf %squeeze3A, %concatenate3A_244 : vector<16x128xf32>
    %select_n3A_251 = arith.select %gt3A_249, %squeeze3A, %max3A_250 : vector<16x128xi1>, vector<16x128xf32>
    %max3A_252 = arith.maximumf %squeeze3A_238, %concatenate3A_246 : vector<16x128xf32>
    %broadcast_in_dim3A_253 = arith.constant 0xFF800000 : f32
    %broadcast_in_dim3A_254 = vector.broadcast %broadcast_in_dim3A_253 : f32 to vector<16x2xf32>
    %broadcast_in_dim3A_255 = arith.constant 0.000000e+00 : f32
    %broadcast_in_dim3A_256 = vector.broadcast %broadcast_in_dim3A_255 : f32 to vector<16x2xf32>
    %slice3A_257 = vector.extract_strided_slice %select_n3A_251 {offsets = [0, 2], sizes = [16, 126], strides = [1, 1]} : vector<16x128xf32> to vector<16x126xf32>
    %concatenate3A_258 = tpu.concatenate %slice3A_257, %broadcast_in_dim3A_254 in 1 : vector<16x126xf32>, vector<16x2xf32> -> vector<16x128xf32>
    %slice3A_259 = vector.extract_strided_slice %max3A_252 {offsets = [0, 2], sizes = [16, 126], strides = [1, 1]} : vector<16x128xf32> to vector<16x126xf32>
    %concatenate3A_260 = tpu.concatenate %slice3A_259, %broadcast_in_dim3A_256 in 1 : vector<16x126xf32>, vector<16x2xf32> -> vector<16x128xf32>
    %gt3A_261 = arith.constant 0.000000e+00 : f32
    %gt3A_262 = vector.broadcast %gt3A_261 : f32 to vector<16x128xf32>
    %gt3A_263 = arith.cmpf ogt, %max3A_252, %gt3A_262 : vector<16x128xf32>
    %max3A_264 = arith.maximumf %select_n3A_251, %concatenate3A_258 : vector<16x128xf32>
    %select_n3A_265 = arith.select %gt3A_263, %select_n3A_251, %max3A_264 : vector<16x128xi1>, vector<16x128xf32>
    %max3A_266 = arith.maximumf %max3A_252, %concatenate3A_260 : vector<16x128xf32>
    %broadcast_in_dim3A_267 = arith.constant 0xFF800000 : f32
    %broadcast_in_dim3A_268 = vector.broadcast %broadcast_in_dim3A_267 : f32 to vector<16x4xf32>
    %broadcast_in_dim3A_269 = arith.constant 0.000000e+00 : f32
    %broadcast_in_dim3A_270 = vector.broadcast %broadcast_in_dim3A_269 : f32 to vector<16x4xf32>
    %slice3A_271 = vector.extract_strided_slice %select_n3A_265 {offsets = [0, 4], sizes = [16, 124], strides = [1, 1]} : vector<16x128xf32> to vector<16x124xf32>
    %concatenate3A_272 = tpu.concatenate %slice3A_271, %broadcast_in_dim3A_268 in 1 : vector<16x124xf32>, vector<16x4xf32> -> vector<16x128xf32>
    %slice3A_273 = vector.extract_strided_slice %max3A_266 {offsets = [0, 4], sizes = [16, 124], strides = [1, 1]} : vector<16x128xf32> to vector<16x124xf32>
    %concatenate3A_274 = tpu.concatenate %slice3A_273, %broadcast_in_dim3A_270 in 1 : vector<16x124xf32>, vector<16x4xf32> -> vector<16x128xf32>
    %gt3A_275 = arith.constant 0.000000e+00 : f32
    %gt3A_276 = vector.broadcast %gt3A_275 : f32 to vector<16x128xf32>
    %gt3A_277 = arith.cmpf ogt, %max3A_266, %gt3A_276 : vector<16x128xf32>
    %max3A_278 = arith.maximumf %select_n3A_265, %concatenate3A_272 : vector<16x128xf32>
    %select_n3A_279 = arith.select %gt3A_277, %select_n3A_265, %max3A_278 : vector<16x128xi1>, vector<16x128xf32>
    %max3A_280 = arith.maximumf %max3A_266, %concatenate3A_274 : vector<16x128xf32>
    %broadcast_in_dim3A_281 = arith.constant 0xFF800000 : f32
    %broadcast_in_dim3A_282 = vector.broadcast %broadcast_in_dim3A_281 : f32 to vector<16x8xf32>
    %broadcast_in_dim3A_283 = arith.constant 0.000000e+00 : f32
    %broadcast_in_dim3A_284 = vector.broadcast %broadcast_in_dim3A_283 : f32 to vector<16x8xf32>
    %slice3A_285 = vector.extract_strided_slice %select_n3A_279 {offsets = [0, 8], sizes = [16, 120], strides = [1, 1]} : vector<16x128xf32> to vector<16x120xf32>
    %concatenate3A_286 = tpu.concatenate %slice3A_285, %broadcast_in_dim3A_282 in 1 : vector<16x120xf32>, vector<16x8xf32> -> vector<16x128xf32>
    %slice3A_287 = vector.extract_strided_slice %max3A_280 {offsets = [0, 8], sizes = [16, 120], strides = [1, 1]} : vector<16x128xf32> to vector<16x120xf32>
    %concatenate3A_288 = tpu.concatenate %slice3A_287, %broadcast_in_dim3A_284 in 1 : vector<16x120xf32>, vector<16x8xf32> -> vector<16x128xf32>
    %gt3A_289 = arith.constant 0.000000e+00 : f32
    %gt3A_290 = vector.broadcast %gt3A_289 : f32 to vector<16x128xf32>
    %gt3A_291 = arith.cmpf ogt, %max3A_280, %gt3A_290 : vector<16x128xf32>
    %max3A_292 = arith.maximumf %select_n3A_279, %concatenate3A_286 : vector<16x128xf32>
    %select_n3A_293 = arith.select %gt3A_291, %select_n3A_279, %max3A_292 : vector<16x128xi1>, vector<16x128xf32>
    %max3A_294 = arith.maximumf %max3A_280, %concatenate3A_288 : vector<16x128xf32>
    %broadcast_in_dim3A_295 = arith.constant 0xFF800000 : f32
    %broadcast_in_dim3A_296 = vector.broadcast %broadcast_in_dim3A_295 : f32 to vector<16x16xf32>
    %broadcast_in_dim3A_297 = arith.constant 0.000000e+00 : f32
    %broadcast_in_dim3A_298 = vector.broadcast %broadcast_in_dim3A_297 : f32 to vector<16x16xf32>
    %slice3A_299 = vector.extract_strided_slice %select_n3A_293 {offsets = [0, 16], sizes = [16, 112], strides = [1, 1]} : vector<16x128xf32> to vector<16x112xf32>
    %concatenate3A_300 = tpu.concatenate %slice3A_299, %broadcast_in_dim3A_296 in 1 : vector<16x112xf32>, vector<16x16xf32> -> vector<16x128xf32>
    %slice3A_301 = vector.extract_strided_slice %max3A_294 {offsets = [0, 16], sizes = [16, 112], strides = [1, 1]} : vector<16x128xf32> to vector<16x112xf32>
    %concatenate3A_302 = tpu.concatenate %slice3A_301, %broadcast_in_dim3A_298 in 1 : vector<16x112xf32>, vector<16x16xf32> -> vector<16x128xf32>
    %gt3A_303 = arith.constant 0.000000e+00 : f32
    %gt3A_304 = vector.broadcast %gt3A_303 : f32 to vector<16x128xf32>
    %gt3A_305 = arith.cmpf ogt, %max3A_294, %gt3A_304 : vector<16x128xf32>
    %max3A_306 = arith.maximumf %select_n3A_293, %concatenate3A_300 : vector<16x128xf32>
    %select_n3A_307 = arith.select %gt3A_305, %select_n3A_293, %max3A_306 : vector<16x128xi1>, vector<16x128xf32>
    %max3A_308 = arith.maximumf %max3A_294, %concatenate3A_302 : vector<16x128xf32>
    %broadcast_in_dim3A_309 = arith.constant 0xFF800000 : f32
    %broadcast_in_dim3A_310 = vector.broadcast %broadcast_in_dim3A_309 : f32 to vector<16x32xf32>
    %broadcast_in_dim3A_311 = arith.constant 0.000000e+00 : f32
    %broadcast_in_dim3A_312 = vector.broadcast %broadcast_in_dim3A_311 : f32 to vector<16x32xf32>
    %slice3A_313 = vector.extract_strided_slice %select_n3A_307 {offsets = [0, 32], sizes = [16, 96], strides = [1, 1]} : vector<16x128xf32> to vector<16x96xf32>
    %concatenate3A_314 = tpu.concatenate %slice3A_313, %broadcast_in_dim3A_310 in 1 : vector<16x96xf32>, vector<16x32xf32> -> vector<16x128xf32>
    %slice3A_315 = vector.extract_strided_slice %max3A_308 {offsets = [0, 32], sizes = [16, 96], strides = [1, 1]} : vector<16x128xf32> to vector<16x96xf32>
    %concatenate3A_316 = tpu.concatenate %slice3A_315, %broadcast_in_dim3A_312 in 1 : vector<16x96xf32>, vector<16x32xf32> -> vector<16x128xf32>
    %gt3A_317 = arith.constant 0.000000e+00 : f32
    %gt3A_318 = vector.broadcast %gt3A_317 : f32 to vector<16x128xf32>
    %gt3A_319 = arith.cmpf ogt, %max3A_308, %gt3A_318 : vector<16x128xf32>
    %max3A_320 = arith.maximumf %select_n3A_307, %concatenate3A_314 : vector<16x128xf32>
    %select_n3A_321 = arith.select %gt3A_319, %select_n3A_307, %max3A_320 : vector<16x128xi1>, vector<16x128xf32>
    %max3A_322 = arith.maximumf %max3A_308, %concatenate3A_316 : vector<16x128xf32>
    %broadcast_in_dim3A_323 = arith.constant 0xFF800000 : f32
    %broadcast_in_dim3A_324 = vector.broadcast %broadcast_in_dim3A_323 : f32 to vector<16x64xf32>
    %broadcast_in_dim3A_325 = arith.constant 0.000000e+00 : f32
    %broadcast_in_dim3A_326 = vector.broadcast %broadcast_in_dim3A_325 : f32 to vector<16x64xf32>
    %slice3A_327 = vector.extract_strided_slice %select_n3A_321 {offsets = [0, 64], sizes = [16, 64], strides = [1, 1]} : vector<16x128xf32> to vector<16x64xf32>
    %concatenate3A_328 = tpu.concatenate %slice3A_327, %broadcast_in_dim3A_324 in 1 : vector<16x64xf32>, vector<16x64xf32> -> vector<16x128xf32>
    %slice3A_329 = vector.extract_strided_slice %max3A_322 {offsets = [0, 64], sizes = [16, 64], strides = [1, 1]} : vector<16x128xf32> to vector<16x64xf32>
    %concatenate3A_330 = tpu.concatenate %slice3A_329, %broadcast_in_dim3A_326 in 1 : vector<16x64xf32>, vector<16x64xf32> -> vector<16x128xf32>
    %gt3A_331 = arith.constant 0.000000e+00 : f32
    %gt3A_332 = vector.broadcast %gt3A_331 : f32 to vector<16x128xf32>
    %gt3A_333 = arith.cmpf ogt, %max3A_322, %gt3A_332 : vector<16x128xf32>
    %max3A_334 = arith.maximumf %select_n3A_321, %concatenate3A_328 : vector<16x128xf32>
    %select_n3A_335 = arith.select %gt3A_333, %select_n3A_321, %max3A_334 : vector<16x128xi1>, vector<16x128xf32>
    %max3A_336 = arith.maximumf %max3A_322, %concatenate3A_330 : vector<16x128xf32>
    %slice3A_337 = vector.extract_strided_slice %select_n3A_335 {offsets = [0, 0], sizes = [16, 1], strides = [1, 1]} : vector<16x128xf32> to vector<16x1xf32>
    %slice3A_338 = vector.extract_strided_slice %max3A_336 {offsets = [0, 0], sizes = [16, 1], strides = [1, 1]} : vector<16x128xf32> to vector<16x1xf32>
    %slice3A_339 = vector.extract_strided_slice %slice3A_337 {offsets = [1, 0], sizes = [15, 1], strides = [1, 1]} : vector<16x1xf32> to vector<15x1xf32>
    %broadcast_in_dim3A_340 = vector.broadcast %get3A_235 : f32 to vector<1x1xf32>
    %concatenate3A_341 = tpu.concatenate %slice3A_339, %broadcast_in_dim3A_340 in 0 : vector<15x1xf32>, vector<1x1xf32> -> vector<16x1xf32>
    %slice3A_342 = vector.extract_strided_slice %slice3A_338 {offsets = [1, 0], sizes = [15, 1], strides = [1, 1]} : vector<16x1xf32> to vector<15x1xf32>
    %broadcast_in_dim3A_343 = arith.constant 0.000000e+00 : f32
    %broadcast_in_dim3A_344 = vector.broadcast %broadcast_in_dim3A_343 : f32 to vector<1x1xf32>
    %concatenate3A_345 = tpu.concatenate %slice3A_342, %broadcast_in_dim3A_344 in 0 : vector<15x1xf32>, vector<1x1xf32> -> vector<16x1xf32>
    %broadcast_in_dim3A_346 = arith.constant 0xFF800000 : f32
    %broadcast_in_dim3A_347 = vector.broadcast %broadcast_in_dim3A_346 : f32 to vector<1x1xf32>
    %broadcast_in_dim3A_348 = arith.constant 0.000000e+00 : f32
    %broadcast_in_dim3A_349 = vector.broadcast %broadcast_in_dim3A_348 : f32 to vector<1x1xf32>
    %slice3A_350 = vector.extract_strided_slice %concatenate3A_341 {offsets = [1, 0], sizes = [15, 1], strides = [1, 1]} : vector<16x1xf32> to vector<15x1xf32>
    %concatenate3A_351 = tpu.concatenate %slice3A_350, %broadcast_in_dim3A_347 in 0 : vector<15x1xf32>, vector<1x1xf32> -> vector<16x1xf32>
    %slice3A_352 = vector.extract_strided_slice %concatenate3A_345 {offsets = [1, 0], sizes = [15, 1], strides = [1, 1]} : vector<16x1xf32> to vector<15x1xf32>
    %concatenate3A_353 = tpu.concatenate %slice3A_352, %broadcast_in_dim3A_349 in 0 : vector<15x1xf32>, vector<1x1xf32> -> vector<16x1xf32>
    %gt3A_354 = arith.constant 0.000000e+00 : f32
    %gt3A_355 = vector.broadcast %gt3A_354 : f32 to vector<16x1xf32>
    %gt3A_356 = arith.cmpf ogt, %concatenate3A_345, %gt3A_355 : vector<16x1xf32>
    %max3A_357 = arith.maximumf %concatenate3A_341, %concatenate3A_351 : vector<16x1xf32>
    %select_n3A_358 = arith.select %gt3A_356, %concatenate3A_341, %max3A_357 : vector<16x1xi1>, vector<16x1xf32>
    %max3A_359 = arith.maximumf %concatenate3A_345, %concatenate3A_353 : vector<16x1xf32>
    %broadcast_in_dim3A_360 = arith.constant 0xFF800000 : f32
    %broadcast_in_dim3A_361 = vector.broadcast %broadcast_in_dim3A_360 : f32 to vector<2x1xf32>
    %broadcast_in_dim3A_362 = arith.constant 0.000000e+00 : f32
    %broadcast_in_dim3A_363 = vector.broadcast %broadcast_in_dim3A_362 : f32 to vector<2x1xf32>
    %slice3A_364 = vector.extract_strided_slice %select_n3A_358 {offsets = [2, 0], sizes = [14, 1], strides = [1, 1]} : vector<16x1xf32> to vector<14x1xf32>
    %concatenate3A_365 = tpu.concatenate %slice3A_364, %broadcast_in_dim3A_361 in 0 : vector<14x1xf32>, vector<2x1xf32> -> vector<16x1xf32>
    %slice3A_366 = vector.extract_strided_slice %max3A_359 {offsets = [2, 0], sizes = [14, 1], strides = [1, 1]} : vector<16x1xf32> to vector<14x1xf32>
    %concatenate3A_367 = tpu.concatenate %slice3A_366, %broadcast_in_dim3A_363 in 0 : vector<14x1xf32>, vector<2x1xf32> -> vector<16x1xf32>
    %gt3A_368 = arith.constant 0.000000e+00 : f32
    %gt3A_369 = vector.broadcast %gt3A_368 : f32 to vector<16x1xf32>
    %gt3A_370 = arith.cmpf ogt, %max3A_359, %gt3A_369 : vector<16x1xf32>
    %max3A_371 = arith.maximumf %select_n3A_358, %concatenate3A_365 : vector<16x1xf32>
    %select_n3A_372 = arith.select %gt3A_370, %select_n3A_358, %max3A_371 : vector<16x1xi1>, vector<16x1xf32>
    %max3A_373 = arith.maximumf %max3A_359, %concatenate3A_367 : vector<16x1xf32>
    %broadcast_in_dim3A_374 = arith.constant 0xFF800000 : f32
    %broadcast_in_dim3A_375 = vector.broadcast %broadcast_in_dim3A_374 : f32 to vector<4x1xf32>
    %broadcast_in_dim3A_376 = arith.constant 0.000000e+00 : f32
    %broadcast_in_dim3A_377 = vector.broadcast %broadcast_in_dim3A_376 : f32 to vector<4x1xf32>
    %slice3A_378 = vector.extract_strided_slice %select_n3A_372 {offsets = [4, 0], sizes = [12, 1], strides = [1, 1]} : vector<16x1xf32> to vector<12x1xf32>
    %concatenate3A_379 = tpu.concatenate %slice3A_378, %broadcast_in_dim3A_375 in 0 : vector<12x1xf32>, vector<4x1xf32> -> vector<16x1xf32>
    %slice3A_380 = vector.extract_strided_slice %max3A_373 {offsets = [4, 0], sizes = [12, 1], strides = [1, 1]} : vector<16x1xf32> to vector<12x1xf32>
    %concatenate3A_381 = tpu.concatenate %slice3A_380, %broadcast_in_dim3A_377 in 0 : vector<12x1xf32>, vector<4x1xf32> -> vector<16x1xf32>
    %gt3A_382 = arith.constant 0.000000e+00 : f32
    %gt3A_383 = vector.broadcast %gt3A_382 : f32 to vector<16x1xf32>
    %gt3A_384 = arith.cmpf ogt, %max3A_373, %gt3A_383 : vector<16x1xf32>
    %max3A_385 = arith.maximumf %select_n3A_372, %concatenate3A_379 : vector<16x1xf32>
    %select_n3A_386 = arith.select %gt3A_384, %select_n3A_372, %max3A_385 : vector<16x1xi1>, vector<16x1xf32>
    %max3A_387 = arith.maximumf %max3A_373, %concatenate3A_381 : vector<16x1xf32>
    %broadcast_in_dim3A_388 = arith.constant 0xFF800000 : f32
    %broadcast_in_dim3A_389 = vector.broadcast %broadcast_in_dim3A_388 : f32 to vector<8x1xf32>
    %slice3A_390 = vector.extract_strided_slice %select_n3A_386 {offsets = [8, 0], sizes = [8, 1], strides = [1, 1]} : vector<16x1xf32> to vector<8x1xf32>
    %concatenate3A_391 = tpu.concatenate %slice3A_390, %broadcast_in_dim3A_389 in 0 : vector<8x1xf32>, vector<8x1xf32> -> vector<16x1xf32>
    %gt3A_392 = arith.constant 0.000000e+00 : f32
    %gt3A_393 = vector.broadcast %gt3A_392 : f32 to vector<16x1xf32>
    %gt3A_394 = arith.cmpf ogt, %max3A_387, %gt3A_393 : vector<16x1xf32>
    %max3A_395 = arith.maximumf %select_n3A_386, %concatenate3A_391 : vector<16x1xf32>
    %select_n3A_396 = arith.select %gt3A_394, %select_n3A_386, %max3A_395 : vector<16x1xi1>, vector<16x1xf32>
    %slice3A_397 = vector.extract_strided_slice %select_n3A_335 {offsets = [0, 1], sizes = [16, 127], strides = [1, 1]} : vector<16x128xf32> to vector<16x127xf32>
    %broadcast_in_dim3A_398 = arith.constant 0xFF800000 : f32
    %broadcast_in_dim3A_399 = vector.broadcast %broadcast_in_dim3A_398 : f32 to vector<16x1xf32>
    %concatenate3A_400 = tpu.concatenate %slice3A_397, %broadcast_in_dim3A_399 in 1 : vector<16x127xf32>, vector<16x1xf32> -> vector<16x128xf32>
    %slice3A_401 = vector.extract_strided_slice %max3A_336 {offsets = [0, 1], sizes = [16, 127], strides = [1, 1]} : vector<16x128xf32> to vector<16x127xf32>
    %broadcast_in_dim3A_402 = arith.constant 0.000000e+00 : f32
    %broadcast_in_dim3A_403 = vector.broadcast %broadcast_in_dim3A_402 : f32 to vector<16x1xf32>
    %concatenate3A_404 = tpu.concatenate %slice3A_401, %broadcast_in_dim3A_403 in 1 : vector<16x127xf32>, vector<16x1xf32> -> vector<16x128xf32>
    %slice3A_405 = vector.extract_strided_slice %slice3A_337 {offsets = [0, 0], sizes = [1, 1], strides = [1, 1]} : vector<16x1xf32> to vector<1x1xf32>
    %squeeze3A_406 = vector.extract %slice3A_405[0, 0] : f32 from vector<1x1xf32>
    %slice3A_407 = vector.extract_strided_slice %slice3A_338 {offsets = [0, 0], sizes = [1, 1], strides = [1, 1]} : vector<16x1xf32> to vector<1x1xf32>
    %squeeze3A_408 = vector.extract %slice3A_407[0, 0] : f32 from vector<1x1xf32>
    %slice3A_409 = vector.extract_strided_slice %select_n3A_396 {offsets = [0, 0], sizes = [1, 1], strides = [1, 1]} : vector<16x1xf32> to vector<1x1xf32>
    %squeeze3A_410 = vector.extract %slice3A_409[0, 0] : f32 from vector<1x1xf32>
    %gt3A_411 = arith.constant 0.000000e+00 : f32
    %gt3A_412 = vector.broadcast %gt3A_411 : f32 to vector<16x128xf32>
    %gt3A_413 = arith.cmpf ogt, %concatenate3A_404, %gt3A_412 : vector<16x128xf32>
    %max3A_414 = vector.broadcast %select_n3A_396 : vector<16x1xf32> to vector<16x128xf32>
    %max3A_415 = arith.maximumf %concatenate3A_400, %max3A_414 : vector<16x128xf32>
    %select_n3A_416 = arith.select %gt3A_413, %concatenate3A_400, %max3A_415 : vector<16x128xi1>, vector<16x128xf32>
    %gt3A_417 = arith.constant 0.000000e+00 : f32
    %gt3A_418 = arith.cmpf ogt, %squeeze3A_408, %gt3A_417 : f32
    %max3A_419 = arith.maximumf %squeeze3A_406, %squeeze3A_410 : f32
    %select_n3A_420 = arith.select %gt3A_418, %squeeze3A_406, %max3A_419 : f32
    %gt3A_421 = arith.constant 0.000000e+00 : f32
    %gt3A_422 = vector.broadcast %gt3A_421 : f32 to vector<128x16x128xf32>
    %gt3A_423 = arith.cmpf ogt, %max3A_233, %gt3A_422 : vector<128x16x128xf32>
    %broadcast_in_dim3A_424 = vector.shape_cast %select_n3A_416 : vector<16x128xf32> to vector<1x16x128xf32>
    %max3A_425 = vector.broadcast %broadcast_in_dim3A_424 : vector<1x16x128xf32> to vector<128x16x128xf32>
    %max3A_426 = arith.maximumf %select_n3A_232, %max3A_425 : vector<128x16x128xf32>
    %select_n3A_427 = arith.select %gt3A_423, %select_n3A_232, %max3A_426 : vector<128x16x128xi1>, vector<128x16x128xf32>
    %swap3A_428 = arith.constant 0 : index
    %swap3A_429 = memref.load %arg8[%swap3A_428] : memref<1xf32, #tpu.memory_space<smem>>
    memref.store %select_n3A_420, %arg8[%swap3A_428] : memref<1xf32, #tpu.memory_space<smem>>
    %get3A_430 = arith.constant 0 : index
    %get3A_431 = arith.constant 0 : index
    %get3A_432 = vector.load %arg2[%get3A_430, %get3A_431] : memref<128x2048xf32, #tpu.memory_space<vmem>>, vector<128x2048xf32>
    %reshape3A_433 = vector.shape_cast %get3A_432 : vector<128x2048xf32> to vector<128x16x128xf32>
    %max3A_434 = arith.maximumf %reshape3A_433, %select_n3A_427 : vector<128x16x128xf32>
    %sub3A = arith.subf %reshape3A, %max3A_434 : vector<128x16x128xf32>
    %exp3A = math.exp %sub3A : vector<128x16x128xf32>
    %slice3A_435 = vector.extract_strided_slice %exp3A {offsets = [0, 0, 0], sizes = [128, 1, 128], strides = [1, 1, 1]} : vector<128x16x128xf32> to vector<128x1x128xf32>
    %squeeze3A_436 = vector.shape_cast %slice3A_435 : vector<128x1x128xf32> to vector<128x128xf32>
    %transpose3A_437 = tpu.transpose %squeeze3A_436, [1, 0] : vector<128x128xf32> -> vector<128x128xf32>
    %get3A_438 = arith.constant 0 : index
    %get3A_439 = arith.constant 0 : index
    %get3A_440 = vector.load %arg5[%get3A_438, %get3A_439] : memref<2048x128xf32, #tpu.memory_space<vmem>>, vector<128x128xf32>
    %jit3A = arith.constant 9.99999974E-5 : f32
    %jit3A_441 = arith.constant 0.999899983 : f32
    %max3A_442 = vector.broadcast %jit3A : f32 to vector<128x128xf32>
    %max3A_443 = arith.maximumf %max3A_442, %get3A_440 : vector<128x128xf32>
    %min3A = vector.broadcast %jit3A_441 : f32 to vector<128x128xf32>
    %min3A_444 = arith.minimumf %min3A, %max3A_443 : vector<128x128xf32>
    %sub3A_445 = arith.constant 1.000000e+00 : f32
    %sub3A_446 = vector.broadcast %sub3A_445 : f32 to vector<128x128xf32>
    %sub3A_447 = arith.subf %sub3A_446, %min3A_444 : vector<128x128xf32>
    %mul3A = arith.mulf %transpose3A_437, %sub3A_447 : vector<128x128xf32>
    %swap3A_448 = arith.constant 0 : index
    %swap3A_449 = arith.constant 0 : index
    %swap3A_450 = vector.load %arg6[%swap3A_448, %swap3A_449] : memref<2048x128xf32, #tpu.memory_space<vmem>>, vector<128x128xf32>
    tpu.vector_store %arg6[%swap3A_448, %swap3A_449], %mul3A {strides = array<i32>} : memref<2048x128xf32, #tpu.memory_space<vmem>>, vector<128x128xf32>,
    %slice3A_451 = vector.extract_strided_slice %exp3A {offsets = [0, 1, 0], sizes = [128, 1, 128], strides = [1, 1, 1]} : vector<128x16x128xf32> to vector<128x1x128xf32>
    %squeeze3A_452 = vector.shape_cast %slice3A_451 : vector<128x1x128xf32> to vector<128x128xf32>
    %transpose3A_453 = tpu.transpose %squeeze3A_452, [1, 0] : vector<128x128xf32> -> vector<128x128xf32>
    %get3A_454 = arith.constant 128 : index
    %get3A_455 = arith.constant 0 : index
    %get3A_456 = vector.load %arg5[%get3A_454, %get3A_455] : memref<2048x128xf32, #tpu.memory_space<vmem>>, vector<128x128xf32>
    %jit3A_457 = arith.constant 9.99999974E-5 : f32
    %jit3A_458 = arith.constant 0.999899983 : f32
    %max3A_459 = vector.broadcast %jit3A_457 : f32 to vector<128x128xf32>
    %max3A_460 = arith.maximumf %max3A_459, %get3A_456 : vector<128x128xf32>
    %min3A_461 = vector.broadcast %jit3A_458 : f32 to vector<128x128xf32>
    %min3A_462 = arith.minimumf %min3A_461, %max3A_460 : vector<128x128xf32>
    %sub3A_463 = arith.constant 1.000000e+00 : f32
    %sub3A_464 = vector.broadcast %sub3A_463 : f32 to vector<128x128xf32>
    %sub3A_465 = arith.subf %sub3A_464, %min3A_462 : vector<128x128xf32>
    %mul3A_466 = arith.mulf %transpose3A_453, %sub3A_465 : vector<128x128xf32>
    %swap3A_467 = arith.constant 128 : index
    %swap3A_468 = arith.constant 0 : index
    %swap3A_469 = vector.load %arg6[%swap3A_467, %swap3A_468] : memref<2048x128xf32, #tpu.memory_space<vmem>>, vector<128x128xf32>
    tpu.vector_store %arg6[%swap3A_467, %swap3A_468], %mul3A_466 {strides = array<i32>} : memref<2048x128xf32, #tpu.memory_space<vmem>>, vector<128x128xf32>,
    %slice3A_470 = vector.extract_strided_slice %exp3A {offsets = [0, 2, 0], sizes = [128, 1, 128], strides = [1, 1, 1]} : vector<128x16x128xf32> to vector<128x1x128xf32>
    %squeeze3A_471 = vector.shape_cast %slice3A_470 : vector<128x1x128xf32> to vector<128x128xf32>
    %transpose3A_472 = tpu.transpose %squeeze3A_471, [1, 0] : vector<128x128xf32> -> vector<128x128xf32>
    %get3A_473 = arith.constant 256 : index
    %get3A_474 = arith.constant 0 : index
    %get3A_475 = vector.load %arg5[%get3A_473, %get3A_474] : memref<2048x128xf32, #tpu.memory_space<vmem>>, vector<128x128xf32>
    %jit3A_476 = arith.constant 9.99999974E-5 : f32
    %jit3A_477 = arith.constant 0.999899983 : f32
    %max3A_478 = vector.broadcast %jit3A_476 : f32 to vector<128x128xf32>
    %max3A_479 = arith.maximumf %max3A_478, %get3A_475 : vector<128x128xf32>
    %min3A_480 = vector.broadcast %jit3A_477 : f32 to vector<128x128xf32>
    %min3A_481 = arith.minimumf %min3A_480, %max3A_479 : vector<128x128xf32>
    %sub3A_482 = arith.constant 1.000000e+00 : f32
    %sub3A_483 = vector.broadcast %sub3A_482 : f32 to vector<128x128xf32>
    %sub3A_484 = arith.subf %sub3A_483, %min3A_481 : vector<128x128xf32>
    %mul3A_485 = arith.mulf %transpose3A_472, %sub3A_484 : vector<128x128xf32>
    %swap3A_486 = arith.constant 256 : index
    %swap3A_487 = arith.constant 0 : index
    %swap3A_488 = vector.load %arg6[%swap3A_486, %swap3A_487] : memref<2048x128xf32, #tpu.memory_space<vmem>>, vector<128x128xf32>
    tpu.vector_store %arg6[%swap3A_486, %swap3A_487], %mul3A_485 {strides = array<i32>} : memref<2048x128xf32, #tpu.memory_space<vmem>>, vector<128x128xf32>,
    %slice3A_489 = vector.extract_strided_slice %exp3A {offsets = [0, 3, 0], sizes = [128, 1, 128], strides = [1, 1, 1]} : vector<128x16x128xf32> to vector<128x1x128xf32>
    %squeeze3A_490 = vector.shape_cast %slice3A_489 : vector<128x1x128xf32> to vector<128x128xf32>
    %transpose3A_491 = tpu.transpose %squeeze3A_490, [1, 0] : vector<128x128xf32> -> vector<128x128xf32>
    %get3A_492 = arith.constant 384 : index
    %get3A_493 = arith.constant 0 : index
    %get3A_494 = vector.load %arg5[%get3A_492, %get3A_493] : memref<2048x128xf32, #tpu.memory_space<vmem>>, vector<128x128xf32>
    %jit3A_495 = arith.constant 9.99999974E-5 : f32
    %jit3A_496 = arith.constant 0.999899983 : f32
    %max3A_497 = vector.broadcast %jit3A_495 : f32 to vector<128x128xf32>
    %max3A_498 = arith.maximumf %max3A_497, %get3A_494 : vector<128x128xf32>
    %min3A_499 = vector.broadcast %jit3A_496 : f32 to vector<128x128xf32>
    %min3A_500 = arith.minimumf %min3A_499, %max3A_498 : vector<128x128xf32>
    %sub3A_501 = arith.constant 1.000000e+00 : f32
    %sub3A_502 = vector.broadcast %sub3A_501 : f32 to vector<128x128xf32>
    %sub3A_503 = arith.subf %sub3A_502, %min3A_500 : vector<128x128xf32>
    %mul3A_504 = arith.mulf %transpose3A_491, %sub3A_503 : vector<128x128xf32>
    %swap3A_505 = arith.constant 384 : index
    %swap3A_506 = arith.constant 0 : index
    %swap3A_507 = vector.load %arg6[%swap3A_505, %swap3A_506] : memref<2048x128xf32, #tpu.memory_space<vmem>>, vector<128x128xf32>
    tpu.vector_store %arg6[%swap3A_505, %swap3A_506], %mul3A_504 {strides = array<i32>} : memref<2048x128xf32, #tpu.memory_space<vmem>>, vector<128x128xf32>,
    %slice3A_508 = vector.extract_strided_slice %exp3A {offsets = [0, 4, 0], sizes = [128, 1, 128], strides = [1, 1, 1]} : vector<128x16x128xf32> to vector<128x1x128xf32>
    %squeeze3A_509 = vector.shape_cast %slice3A_508 : vector<128x1x128xf32> to vector<128x128xf32>
    %transpose3A_510 = tpu.transpose %squeeze3A_509, [1, 0] : vector<128x128xf32> -> vector<128x128xf32>
    %get3A_511 = arith.constant 512 : index
    %get3A_512 = arith.constant 0 : index
    %get3A_513 = vector.load %arg5[%get3A_511, %get3A_512] : memref<2048x128xf32, #tpu.memory_space<vmem>>, vector<128x128xf32>
    %jit3A_514 = arith.constant 9.99999974E-5 : f32
    %jit3A_515 = arith.constant 0.999899983 : f32
    %max3A_516 = vector.broadcast %jit3A_514 : f32 to vector<128x128xf32>
    %max3A_517 = arith.maximumf %max3A_516, %get3A_513 : vector<128x128xf32>
    %min3A_518 = vector.broadcast %jit3A_515 : f32 to vector<128x128xf32>
    %min3A_519 = arith.minimumf %min3A_518, %max3A_517 : vector<128x128xf32>
    %sub3A_520 = arith.constant 1.000000e+00 : f32
    %sub3A_521 = vector.broadcast %sub3A_520 : f32 to vector<128x128xf32>
    %sub3A_522 = arith.subf %sub3A_521, %min3A_519 : vector<128x128xf32>
    %mul3A_523 = arith.mulf %transpose3A_510, %sub3A_522 : vector<128x128xf32>
    %swap3A_524 = arith.constant 512 : index
    %swap3A_525 = arith.constant 0 : index
    %swap3A_526 = vector.load %arg6[%swap3A_524, %swap3A_525] : memref<2048x128xf32, #tpu.memory_space<vmem>>, vector<128x128xf32>
    tpu.vector_store %arg6[%swap3A_524, %swap3A_525], %mul3A_523 {strides = array<i32>} : memref<2048x128xf32, #tpu.memory_space<vmem>>, vector<128x128xf32>,
    %slice3A_527 = vector.extract_strided_slice %exp3A {offsets = [0, 5, 0], sizes = [128, 1, 128], strides = [1, 1, 1]} : vector<128x16x128xf32> to vector<128x1x128xf32>
    %squeeze3A_528 = vector.shape_cast %slice3A_527 : vector<128x1x128xf32> to vector<128x128xf32>
    %transpose3A_529 = tpu.transpose %squeeze3A_528, [1, 0] : vector<128x128xf32> -> vector<128x128xf32>
    %get3A_530 = arith.constant 640 : index
    %get3A_531 = arith.constant 0 : index
    %get3A_532 = vector.load %arg5[%get3A_530, %get3A_531] : memref<2048x128xf32, #tpu.memory_space<vmem>>, vector<128x128xf32>
    %jit3A_533 = arith.constant 9.99999974E-5 : f32
    %jit3A_534 = arith.constant 0.999899983 : f32
    %max3A_535 = vector.broadcast %jit3A_533 : f32 to vector<128x128xf32>
    %max3A_536 = arith.maximumf %max3A_535, %get3A_532 : vector<128x128xf32>
    %min3A_537 = vector.broadcast %jit3A_534 : f32 to vector<128x128xf32>
    %min3A_538 = arith.minimumf %min3A_537, %max3A_536 : vector<128x128xf32>
    %sub3A_539 = arith.constant 1.000000e+00 : f32
    %sub3A_540 = vector.broadcast %sub3A_539 : f32 to vector<128x128xf32>
    %sub3A_541 = arith.subf %sub3A_540, %min3A_538 : vector<128x128xf32>
    %mul3A_542 = arith.mulf %transpose3A_529, %sub3A_541 : vector<128x128xf32>
    %swap3A_543 = arith.constant 640 : index
    %swap3A_544 = arith.constant 0 : index
    %swap3A_545 = vector.load %arg6[%swap3A_543, %swap3A_544] : memref<2048x128xf32, #tpu.memory_space<vmem>>, vector<128x128xf32>
    tpu.vector_store %arg6[%swap3A_543, %swap3A_544], %mul3A_542 {strides = array<i32>} : memref<2048x128xf32, #tpu.memory_space<vmem>>, vector<128x128xf32>,
    %slice3A_546 = vector.extract_strided_slice %exp3A {offsets = [0, 6, 0], sizes = [128, 1, 128], strides = [1, 1, 1]} : vector<128x16x128xf32> to vector<128x1x128xf32>
    %squeeze3A_547 = vector.shape_cast %slice3A_546 : vector<128x1x128xf32> to vector<128x128xf32>
    %transpose3A_548 = tpu.transpose %squeeze3A_547, [1, 0] : vector<128x128xf32> -> vector<128x128xf32>
    %get3A_549 = arith.constant 768 : index
    %get3A_550 = arith.constant 0 : index
    %get3A_551 = vector.load %arg5[%get3A_549, %get3A_550] : memref<2048x128xf32, #tpu.memory_space<vmem>>, vector<128x128xf32>
    %jit3A_552 = arith.constant 9.99999974E-5 : f32
    %jit3A_553 = arith.constant 0.999899983 : f32
    %max3A_554 = vector.broadcast %jit3A_552 : f32 to vector<128x128xf32>
    %max3A_555 = arith.maximumf %max3A_554, %get3A_551 : vector<128x128xf32>
    %min3A_556 = vector.broadcast %jit3A_553 : f32 to vector<128x128xf32>
    %min3A_557 = arith.minimumf %min3A_556, %max3A_555 : vector<128x128xf32>
    %sub3A_558 = arith.constant 1.000000e+00 : f32
    %sub3A_559 = vector.broadcast %sub3A_558 : f32 to vector<128x128xf32>
    %sub3A_560 = arith.subf %sub3A_559, %min3A_557 : vector<128x128xf32>
    %mul3A_561 = arith.mulf %transpose3A_548, %sub3A_560 : vector<128x128xf32>
    %swap3A_562 = arith.constant 768 : index
    %swap3A_563 = arith.constant 0 : index
    %swap3A_564 = vector.load %arg6[%swap3A_562, %swap3A_563] : memref<2048x128xf32, #tpu.memory_space<vmem>>, vector<128x128xf32>
    tpu.vector_store %arg6[%swap3A_562, %swap3A_563], %mul3A_561 {strides = array<i32>} : memref<2048x128xf32, #tpu.memory_space<vmem>>, vector<128x128xf32>,
    %slice3A_565 = vector.extract_strided_slice %exp3A {offsets = [0, 7, 0], sizes = [128, 1, 128], strides = [1, 1, 1]} : vector<128x16x128xf32> to vector<128x1x128xf32>
    %squeeze3A_566 = vector.shape_cast %slice3A_565 : vector<128x1x128xf32> to vector<128x128xf32>
    %transpose3A_567 = tpu.transpose %squeeze3A_566, [1, 0] : vector<128x128xf32> -> vector<128x128xf32>
    %get3A_568 = arith.constant 896 : index
    %get3A_569 = arith.constant 0 : index
    %get3A_570 = vector.load %arg5[%get3A_568, %get3A_569] : memref<2048x128xf32, #tpu.memory_space<vmem>>, vector<128x128xf32>
    %jit3A_571 = arith.constant 9.99999974E-5 : f32
    %jit3A_572 = arith.constant 0.999899983 : f32
    %max3A_573 = vector.broadcast %jit3A_571 : f32 to vector<128x128xf32>
    %max3A_574 = arith.maximumf %max3A_573, %get3A_570 : vector<128x128xf32>
    %min3A_575 = vector.broadcast %jit3A_572 : f32 to vector<128x128xf32>
    %min3A_576 = arith.minimumf %min3A_575, %max3A_574 : vector<128x128xf32>
    %sub3A_577 = arith.constant 1.000000e+00 : f32
    %sub3A_578 = vector.broadcast %sub3A_577 : f32 to vector<128x128xf32>
    %sub3A_579 = arith.subf %sub3A_578, %min3A_576 : vector<128x128xf32>
    %mul3A_580 = arith.mulf %transpose3A_567, %sub3A_579 : vector<128x128xf32>
    %swap3A_581 = arith.constant 896 : index
    %swap3A_582 = arith.constant 0 : index
    %swap3A_583 = vector.load %arg6[%swap3A_581, %swap3A_582] : memref<2048x128xf32, #tpu.memory_space<vmem>>, vector<128x128xf32>
    tpu.vector_store %arg6[%swap3A_581, %swap3A_582], %mul3A_580 {strides = array<i32>} : memref<2048x128xf32, #tpu.memory_space<vmem>>, vector<128x128xf32>,
    %slice3A_584 = vector.extract_strided_slice %exp3A {offsets = [0, 8, 0], sizes = [128, 1, 128], strides = [1, 1, 1]} : vector<128x16x128xf32> to vector<128x1x128xf32>
    %squeeze3A_585 = vector.shape_cast %slice3A_584 : vector<128x1x128xf32> to vector<128x128xf32>
    %transpose3A_586 = tpu.transpose %squeeze3A_585, [1, 0] : vector<128x128xf32> -> vector<128x128xf32>
    %get3A_587 = arith.constant 1024 : index
    %get3A_588 = arith.constant 0 : index
    %get3A_589 = vector.load %arg5[%get3A_587, %get3A_588] : memref<2048x128xf32, #tpu.memory_space<vmem>>, vector<128x128xf32>
    %jit3A_590 = arith.constant 9.99999974E-5 : f32
    %jit3A_591 = arith.constant 0.999899983 : f32
    %max3A_592 = vector.broadcast %jit3A_590 : f32 to vector<128x128xf32>
    %max3A_593 = arith.maximumf %max3A_592, %get3A_589 : vector<128x128xf32>
    %min3A_594 = vector.broadcast %jit3A_591 : f32 to vector<128x128xf32>
    %min3A_595 = arith.minimumf %min3A_594, %max3A_593 : vector<128x128xf32>
    %sub3A_596 = arith.constant 1.000000e+00 : f32
    %sub3A_597 = vector.broadcast %sub3A_596 : f32 to vector<128x128xf32>
    %sub3A_598 = arith.subf %sub3A_597, %min3A_595 : vector<128x128xf32>
    %mul3A_599 = arith.mulf %transpose3A_586, %sub3A_598 : vector<128x128xf32>
    %swap3A_600 = arith.constant 1024 : index
    %swap3A_601 = arith.constant 0 : index
    %swap3A_602 = vector.load %arg6[%swap3A_600, %swap3A_601] : memref<2048x128xf32, #tpu.memory_space<vmem>>, vector<128x128xf32>
    tpu.vector_store %arg6[%swap3A_600, %swap3A_601], %mul3A_599 {strides = array<i32>} : memref<2048x128xf32, #tpu.memory_space<vmem>>, vector<128x128xf32>,
    %slice3A_603 = vector.extract_strided_slice %exp3A {offsets = [0, 9, 0], sizes = [128, 1, 128], strides = [1, 1, 1]} : vector<128x16x128xf32> to vector<128x1x128xf32>
    %squeeze3A_604 = vector.shape_cast %slice3A_603 : vector<128x1x128xf32> to vector<128x128xf32>
    %transpose3A_605 = tpu.transpose %squeeze3A_604, [1, 0] : vector<128x128xf32> -> vector<128x128xf32>
    %get3A_606 = arith.constant 1152 : index
    %get3A_607 = arith.constant 0 : index
    %get3A_608 = vector.load %arg5[%get3A_606, %get3A_607] : memref<2048x128xf32, #tpu.memory_space<vmem>>, vector<128x128xf32>
    %jit3A_609 = arith.constant 9.99999974E-5 : f32
    %jit3A_610 = arith.constant 0.999899983 : f32
    %max3A_611 = vector.broadcast %jit3A_609 : f32 to vector<128x128xf32>
    %max3A_612 = arith.maximumf %max3A_611, %get3A_608 : vector<128x128xf32>
    %min3A_613 = vector.broadcast %jit3A_610 : f32 to vector<128x128xf32>
    %min3A_614 = arith.minimumf %min3A_613, %max3A_612 : vector<128x128xf32>
    %sub3A_615 = arith.constant 1.000000e+00 : f32
    %sub3A_616 = vector.broadcast %sub3A_615 : f32 to vector<128x128xf32>
    %sub3A_617 = arith.subf %sub3A_616, %min3A_614 : vector<128x128xf32>
    %mul3A_618 = arith.mulf %transpose3A_605, %sub3A_617 : vector<128x128xf32>
    %swap3A_619 = arith.constant 1152 : index
    %swap3A_620 = arith.constant 0 : index
    %swap3A_621 = vector.load %arg6[%swap3A_619, %swap3A_620] : memref<2048x128xf32, #tpu.memory_space<vmem>>, vector<128x128xf32>
    tpu.vector_store %arg6[%swap3A_619, %swap3A_620], %mul3A_618 {strides = array<i32>} : memref<2048x128xf32, #tpu.memory_space<vmem>>, vector<128x128xf32>,
    %slice3A_622 = vector.extract_strided_slice %exp3A {offsets = [0, 10, 0], sizes = [128, 1, 128], strides = [1, 1, 1]} : vector<128x16x128xf32> to vector<128x1x128xf32>
    %squeeze3A_623 = vector.shape_cast %slice3A_622 : vector<128x1x128xf32> to vector<128x128xf32>
    %transpose3A_624 = tpu.transpose %squeeze3A_623, [1, 0] : vector<128x128xf32> -> vector<128x128xf32>
    %get3A_625 = arith.constant 1280 : index
    %get3A_626 = arith.constant 0 : index
    %get3A_627 = vector.load %arg5[%get3A_625, %get3A_626] : memref<2048x128xf32, #tpu.memory_space<vmem>>, vector<128x128xf32>
    %jit3A_628 = arith.constant 9.99999974E-5 : f32
    %jit3A_629 = arith.constant 0.999899983 : f32
    %max3A_630 = vector.broadcast %jit3A_628 : f32 to vector<128x128xf32>
    %max3A_631 = arith.maximumf %max3A_630, %get3A_627 : vector<128x128xf32>
    %min3A_632 = vector.broadcast %jit3A_629 : f32 to vector<128x128xf32>
    %min3A_633 = arith.minimumf %min3A_632, %max3A_631 : vector<128x128xf32>
    %sub3A_634 = arith.constant 1.000000e+00 : f32
    %sub3A_635 = vector.broadcast %sub3A_634 : f32 to vector<128x128xf32>
    %sub3A_636 = arith.subf %sub3A_635, %min3A_633 : vector<128x128xf32>
    %mul3A_637 = arith.mulf %transpose3A_624, %sub3A_636 : vector<128x128xf32>
    %swap3A_638 = arith.constant 1280 : index
    %swap3A_639 = arith.constant 0 : index
    %swap3A_640 = vector.load %arg6[%swap3A_638, %swap3A_639] : memref<2048x128xf32, #tpu.memory_space<vmem>>, vector<128x128xf32>
    tpu.vector_store %arg6[%swap3A_638, %swap3A_639], %mul3A_637 {strides = array<i32>} : memref<2048x128xf32, #tpu.memory_space<vmem>>, vector<128x128xf32>,
    %slice3A_641 = vector.extract_strided_slice %exp3A {offsets = [0, 11, 0], sizes = [128, 1, 128], strides = [1, 1, 1]} : vector<128x16x128xf32> to vector<128x1x128xf32>
    %squeeze3A_642 = vector.shape_cast %slice3A_641 : vector<128x1x128xf32> to vector<128x128xf32>
    %transpose3A_643 = tpu.transpose %squeeze3A_642, [1, 0] : vector<128x128xf32> -> vector<128x128xf32>
    %get3A_644 = arith.constant 1408 : index
    %get3A_645 = arith.constant 0 : index
    %get3A_646 = vector.load %arg5[%get3A_644, %get3A_645] : memref<2048x128xf32, #tpu.memory_space<vmem>>, vector<128x128xf32>
    %jit3A_647 = arith.constant 9.99999974E-5 : f32
    %jit3A_648 = arith.constant 0.999899983 : f32
    %max3A_649 = vector.broadcast %jit3A_647 : f32 to vector<128x128xf32>
    %max3A_650 = arith.maximumf %max3A_649, %get3A_646 : vector<128x128xf32>
    %min3A_651 = vector.broadcast %jit3A_648 : f32 to vector<128x128xf32>
    %min3A_652 = arith.minimumf %min3A_651, %max3A_650 : vector<128x128xf32>
    %sub3A_653 = arith.constant 1.000000e+00 : f32
    %sub3A_654 = vector.broadcast %sub3A_653 : f32 to vector<128x128xf32>
    %sub3A_655 = arith.subf %sub3A_654, %min3A_652 : vector<128x128xf32>
    %mul3A_656 = arith.mulf %transpose3A_643, %sub3A_655 : vector<128x128xf32>
    %swap3A_657 = arith.constant 1408 : index
    %swap3A_658 = arith.constant 0 : index
    %swap3A_659 = vector.load %arg6[%swap3A_657, %swap3A_658] : memref<2048x128xf32, #tpu.memory_space<vmem>>, vector<128x128xf32>
    tpu.vector_store %arg6[%swap3A_657, %swap3A_658], %mul3A_656 {strides = array<i32>} : memref<2048x128xf32, #tpu.memory_space<vmem>>, vector<128x128xf32>,
    %slice3A_660 = vector.extract_strided_slice %exp3A {offsets = [0, 12, 0], sizes = [128, 1, 128], strides = [1, 1, 1]} : vector<128x16x128xf32> to vector<128x1x128xf32>
    %squeeze3A_661 = vector.shape_cast %slice3A_660 : vector<128x1x128xf32> to vector<128x128xf32>
    %transpose3A_662 = tpu.transpose %squeeze3A_661, [1, 0] : vector<128x128xf32> -> vector<128x128xf32>
    %get3A_663 = arith.constant 1536 : index
    %get3A_664 = arith.constant 0 : index
    %get3A_665 = vector.load %arg5[%get3A_663, %get3A_664] : memref<2048x128xf32, #tpu.memory_space<vmem>>, vector<128x128xf32>
    %jit3A_666 = arith.constant 9.99999974E-5 : f32
    %jit3A_667 = arith.constant 0.999899983 : f32
    %max3A_668 = vector.broadcast %jit3A_666 : f32 to vector<128x128xf32>
    %max3A_669 = arith.maximumf %max3A_668, %get3A_665 : vector<128x128xf32>
    %min3A_670 = vector.broadcast %jit3A_667 : f32 to vector<128x128xf32>
    %min3A_671 = arith.minimumf %min3A_670, %max3A_669 : vector<128x128xf32>
    %sub3A_672 = arith.constant 1.000000e+00 : f32
    %sub3A_673 = vector.broadcast %sub3A_672 : f32 to vector<128x128xf32>
    %sub3A_674 = arith.subf %sub3A_673, %min3A_671 : vector<128x128xf32>
    %mul3A_675 = arith.mulf %transpose3A_662, %sub3A_674 : vector<128x128xf32>
    %swap3A_676 = arith.constant 1536 : index
    %swap3A_677 = arith.constant 0 : index
    %swap3A_678 = vector.load %arg6[%swap3A_676, %swap3A_677] : memref<2048x128xf32, #tpu.memory_space<vmem>>, vector<128x128xf32>
    tpu.vector_store %arg6[%swap3A_676, %swap3A_677], %mul3A_675 {strides = array<i32>} : memref<2048x128xf32, #tpu.memory_space<vmem>>, vector<128x128xf32>,
    %slice3A_679 = vector.extract_strided_slice %exp3A {offsets = [0, 13, 0], sizes = [128, 1, 128], strides = [1, 1, 1]} : vector<128x16x128xf32> to vector<128x1x128xf32>
    %squeeze3A_680 = vector.shape_cast %slice3A_679 : vector<128x1x128xf32> to vector<128x128xf32>
    %transpose3A_681 = tpu.transpose %squeeze3A_680, [1, 0] : vector<128x128xf32> -> vector<128x128xf32>
    %get3A_682 = arith.constant 1664 : index
    %get3A_683 = arith.constant 0 : index
    %get3A_684 = vector.load %arg5[%get3A_682, %get3A_683] : memref<2048x128xf32, #tpu.memory_space<vmem>>, vector<128x128xf32>
    %jit3A_685 = arith.constant 9.99999974E-5 : f32
    %jit3A_686 = arith.constant 0.999899983 : f32
    %max3A_687 = vector.broadcast %jit3A_685 : f32 to vector<128x128xf32>
    %max3A_688 = arith.maximumf %max3A_687, %get3A_684 : vector<128x128xf32>
    %min3A_689 = vector.broadcast %jit3A_686 : f32 to vector<128x128xf32>
    %min3A_690 = arith.minimumf %min3A_689, %max3A_688 : vector<128x128xf32>
    %sub3A_691 = arith.constant 1.000000e+00 : f32
    %sub3A_692 = vector.broadcast %sub3A_691 : f32 to vector<128x128xf32>
    %sub3A_693 = arith.subf %sub3A_692, %min3A_690 : vector<128x128xf32>
    %mul3A_694 = arith.mulf %transpose3A_681, %sub3A_693 : vector<128x128xf32>
    %swap3A_695 = arith.constant 1664 : index
    %swap3A_696 = arith.constant 0 : index
    %swap3A_697 = vector.load %arg6[%swap3A_695, %swap3A_696] : memref<2048x128xf32, #tpu.memory_space<vmem>>, vector<128x128xf32>
    tpu.vector_store %arg6[%swap3A_695, %swap3A_696], %mul3A_694 {strides = array<i32>} : memref<2048x128xf32, #tpu.memory_space<vmem>>, vector<128x128xf32>,
    %slice3A_698 = vector.extract_strided_slice %exp3A {offsets = [0, 14, 0], sizes = [128, 1, 128], strides = [1, 1, 1]} : vector<128x16x128xf32> to vector<128x1x128xf32>
    %squeeze3A_699 = vector.shape_cast %slice3A_698 : vector<128x1x128xf32> to vector<128x128xf32>
    %transpose3A_700 = tpu.transpose %squeeze3A_699, [1, 0] : vector<128x128xf32> -> vector<128x128xf32>
    %get3A_701 = arith.constant 1792 : index
    %get3A_702 = arith.constant 0 : index
    %get3A_703 = vector.load %arg5[%get3A_701, %get3A_702] : memref<2048x128xf32, #tpu.memory_space<vmem>>, vector<128x128xf32>
    %jit3A_704 = arith.constant 9.99999974E-5 : f32
    %jit3A_705 = arith.constant 0.999899983 : f32
    %max3A_706 = vector.broadcast %jit3A_704 : f32 to vector<128x128xf32>
    %max3A_707 = arith.maximumf %max3A_706, %get3A_703 : vector<128x128xf32>
    %min3A_708 = vector.broadcast %jit3A_705 : f32 to vector<128x128xf32>
    %min3A_709 = arith.minimumf %min3A_708, %max3A_707 : vector<128x128xf32>
    %sub3A_710 = arith.constant 1.000000e+00 : f32
    %sub3A_711 = vector.broadcast %sub3A_710 : f32 to vector<128x128xf32>
    %sub3A_712 = arith.subf %sub3A_711, %min3A_709 : vector<128x128xf32>
    %mul3A_713 = arith.mulf %transpose3A_700, %sub3A_712 : vector<128x128xf32>
    %swap3A_714 = arith.constant 1792 : index
    %swap3A_715 = arith.constant 0 : index
    %swap3A_716 = vector.load %arg6[%swap3A_714, %swap3A_715] : memref<2048x128xf32, #tpu.memory_space<vmem>>, vector<128x128xf32>
    tpu.vector_store %arg6[%swap3A_714, %swap3A_715], %mul3A_713 {strides = array<i32>} : memref<2048x128xf32, #tpu.memory_space<vmem>>, vector<128x128xf32>,
    %slice3A_717 = vector.extract_strided_slice %exp3A {offsets = [0, 15, 0], sizes = [128, 1, 128], strides = [1, 1, 1]} : vector<128x16x128xf32> to vector<128x1x128xf32>
    %squeeze3A_718 = vector.shape_cast %slice3A_717 : vector<128x1x128xf32> to vector<128x128xf32>
    %transpose3A_719 = tpu.transpose %squeeze3A_718, [1, 0] : vector<128x128xf32> -> vector<128x128xf32>
    %get3A_720 = arith.constant 1920 : index
    %get3A_721 = arith.constant 0 : index
    %get3A_722 = vector.load %arg5[%get3A_720, %get3A_721] : memref<2048x128xf32, #tpu.memory_space<vmem>>, vector<128x128xf32>
    %jit3A_723 = arith.constant 9.99999974E-5 : f32
    %jit3A_724 = arith.constant 0.999899983 : f32
    %max3A_725 = vector.broadcast %jit3A_723 : f32 to vector<128x128xf32>
    %max3A_726 = arith.maximumf %max3A_725, %get3A_722 : vector<128x128xf32>
    %min3A_727 = vector.broadcast %jit3A_724 : f32 to vector<128x128xf32>
    %min3A_728 = arith.minimumf %min3A_727, %max3A_726 : vector<128x128xf32>
    %sub3A_729 = arith.constant 1.000000e+00 : f32
    %sub3A_730 = vector.broadcast %sub3A_729 : f32 to vector<128x128xf32>
    %sub3A_731 = arith.subf %sub3A_730, %min3A_728 : vector<128x128xf32>
    %mul3A_732 = arith.mulf %transpose3A_719, %sub3A_731 : vector<128x128xf32>
    %swap3A_733 = arith.constant 1920 : index
    %swap3A_734 = arith.constant 0 : index
    %swap3A_735 = vector.load %arg6[%swap3A_733, %swap3A_734] : memref<2048x128xf32, #tpu.memory_space<vmem>>, vector<128x128xf32>
    tpu.vector_store %arg6[%swap3A_733, %swap3A_734], %mul3A_732 {strides = array<i32>} : memref<2048x128xf32, #tpu.memory_space<vmem>>, vector<128x128xf32>,
    return
  }
  func.func @transform_0(%arg0: i32) -> (i32, i32) {
    %sub3A = arith.constant 15 : i32
    %sub3A_0 = arith.subi %sub3A, %arg0 : i32
    %c0_i32 = arith.constant 0 : i32
    %c0_i32_1 = arith.constant 0 : i32
    return %sub3A_0, %c0_i32 : i32, i32
  }
  func.func @transform_1(%arg0: i32) -> (i32, i32) {
    %sub3A = arith.constant 15 : i32
    %sub3A_0 = arith.subi %sub3A, %arg0 : i32
    %c0_i32 = arith.constant 0 : i32
    %c0_i32_1 = arith.constant 0 : i32
    return %sub3A_0, %c0_i32 : i32, i32
  }
  func.func @transform_2(%arg0: i32) -> (i32, i32) {
    %sub3A = arith.constant 15 : i32
    %sub3A_0 = arith.subi %sub3A, %arg0 : i32
    %c0_i32 = arith.constant 0 : i32
    %c0_i32_1 = arith.constant 0 : i32
    return %sub3A_0, %c0_i32 : i32, i32
  }
  func.func @transform_3(%arg0: i32) -> (i32, i32) {
    %sub3A = arith.constant 15 : i32
    %sub3A_0 = arith.subi %sub3A, %arg0 : i32
    %c0_i32 = arith.constant 0 : i32
    %c0_i32_1 = arith.constant 0 : i32
    return %sub3A_0, %c0_i32 : i32, i32
  }
  func.func @transform_4(%arg0: i32) -> (i32, i32) {
    %sub3A = arith.constant 15 : i32
    %sub3A_0 = arith.subi %sub3A, %arg0 : i32
    %c0_i32 = arith.constant 0 : i32
    %c0_i32_1 = arith.constant 0 : i32
    return %sub3A_0, %c0_i32 : i32, i32
  }
  func.func @transform_5(%arg0: i32) -> (i32, i32) {
    %sub3A = arith.constant 15 : i32
    %sub3A_0 = arith.subi %sub3A, %arg0 : i32
    %c0_i32 = arith.constant 0 : i32
    %c0_i32_1 = arith.constant 0 : i32
    return %sub3A_0, %c0_i32 : i32, i32
  }
}

</mosaic_0001>

<sc_bundles>
// kernel: scatter_offload_async_start
scs
__scs_entry_jumppad:
0x0: {  	(pc) =	sbr.rel $0x88, $3  }
0x1: {  	(tag) =	ssettag $0x0;
	lr =	simm.s32 $0x1  }
0x2: {  	[smem:$0x3F9E] =	sst lr;
	_ =	strace $0xD0000000  }
0x3: {  	_ = 	snop  }
0x4: {  	_ = 	snop  }
0x5: {  	_ = 	snop  }
0x6: {  	_ = 	snop  }
0x7: {  	_ = 	snop  }
__scs_overlays_trampoline_lowered:
0x8: {  	[smem:$0x3FAD] =	sst s0  }
0x9: {  	[smem:$0x3FAE] =	sst s1  }
0xa: {  	[smem:$0x3FAF] =	sst s2  }
0xb: {  	[smem:$0x3FB0] =	sst s3  }
0xc: {  	[smem:$0x3FB1] =	sst s4  }
0xd: {  	[smem:$0x3FB2] =	sst s5  }
0xe: {  	[smem:$0x3FB3] =	sst s6  }
0xf: {  	[smem:$0x3FB4] =	sst s7  }
0x10: {  	[smem:$0x3FB5] =	sst s8  }
0x11: {  	[smem:$0x3FB6] =	sst s9;
	s0 =	simm.s32 @!p0 $0x0  }
0x12: {  	s1 =	sld [smem:$0x3F9C];
	s0 =	simm.s32 @p0 $0x1  }
0x13: {  	[smem:$0x3FB7] =	sst s0;
	s0 =	simm.s32 @!p1 $0x0  }
0x14: {  	s2 =	sld [smem:$0x3F9B];
	s0 =	simm.s32 @p1 $0x1  }
0x15: {  	[smem:$0x3FB8] =	sst s0;
	s0 =	simm.s32 @!p2 $0x0  }
0x16: {  	s3 =	sld [smem:$0x3FDB];
	s0 =	simm.s32 @p2 $0x1  }
0x17: {  	s4 =	simm.s32 $0x1BF5;
	[smem:$0x3FBA] =	sst s0  }
0x18: {  	s0 =	sld [smem:$0x3F9D];
	_ =	swait.ge [sflag:s4], $0x0  }
0x19: {  	s7 =	sld [smem:$0x3F9E]  }
0x1a: {  	s8 =	sadd.s32 $0xFFFFE003, lr  }
0x1b: {  	s9 =	sadd.s32 $0xFFFFFEF7, lr;
	s5 =	simm.s32 $0xFFFFFFFF;
	p2 =	slt.u32 s8, $0xFFFFF086  }
0x1c: {  	p1 =	slt.u32 s9, $0xF7A;
	s5 =	simm.s32 @!p2 $0x0  }
0x1d: {  	s5 =	simm.s32 @p1 $0x1;
	p0 =	seq.s32 s7, s2  }
0x1e: {  	s7 =	smul.u32 @!p0 $0xF7A, s2;
	p2 =	seq.s32 @!p0 s5, $0x0  }
0x1f: {  	s9 =	smul.u32 $0xF7A, s1;
	s8 =	simm.s32 @!p0 $0x1BF5;
	p2 =	por !p2, p0  }
0x20: {  	[sflag:s8] =	ssyncset.s32 @!p0 $0xFFFFF086;
	s6 =	sadd.s32 @!p0 s3, s7;
	s7 =	simm.s32 @!p0 $0x108  }
0x21: {  	s3 =	sadd.s32 s3, s9;
	s6 =	sadd.s32 @!p0 $0x88, s6;
	s7 =	simm.s32 @p2 $0x1082  }
0x22: {  	[simem:s7], [sflag:s8] =	dma.local @!p0 [hbm:s6], $0xF7A  }
0x23: {  	s9 =	sor.u32 $0xD0000000, s2;
	s6 =	simm.s32 $0x108;
	_ =	swait.ge @!p0 [sflag:s8], $0x0  }
0x24: {  	s3 =	sadd.s32 $0x88, s3;
	s6 =	simm.s32 @!p1 $0x1082;
	[sflag:s4] =	ssyncset.s32 $0xFFFFF086  }
0x25: {  	[simem:s6], [sflag:s4] =	dma.local [hbm:s3], $0xF7A  }
0x26: {  	[smem:$0x3F9E] =	sst s1;
	(tag) =	ssettag s2;
	_ =	strace s9  }
0x27: {  	s1 =	sld [smem:$0x3FAE]  }
0x28: {  	s2 =	sld [smem:$0x3FAF]  }
0x29: {  	s4 =	sld [smem:$0x3FB1]  }
0x2a: {  	p0 =	seq.s32 s5, $0x0;
	s5 =	sld [smem:$0x3FB2]  }
0x2b: {  	s6 =	sld [smem:$0x3FB3]  }
0x2c: {  	s7 =	sld [smem:$0x3FB4]  }
0x2d: {  	s3 =	simm.s32 $0x108;
	s8 =	sld [smem:$0x3FB5]  }
0x2e: {  	s3 =	simm.s32 @!p0 $0x1082;
	s9 =	sld [smem:$0x3FB6]  }
0x2f: {  	lr =	sadd.s32 s0, s3;
	s0 =	sld [smem:$0x3FAD]  }
0x30: {  	s3 =	sld [smem:$0x3FB0]  }
0x31: {  	[smem:$0x3FB9] =	sst s10  }
0x32: {  	s10 =	sld [smem:$0x3FB7];
	_ =	sdelay $0x3  }
0x33: {  	p0 =	seq.s32 s10, $0x1;
	s10 =	sld [smem:$0x3FB9];
	_ =	sdelay $0x3  }
0x34: {  	[smem:$0x3FB9] =	sst s10  }
0x35: {  	s10 =	sld [smem:$0x3FB8];
	_ =	sdelay $0x3  }
0x36: {  	p1 =	seq.s32 s10, $0x1;
	s10 =	sld [smem:$0x3FB9];
	_ =	sdelay $0x3  }
0x37: {  	[smem:$0x3FB9] =	sst s10  }
0x38: {  	s10 =	sld [smem:$0x3FBA]  }
0x39: {  	_ = 	snop;
	(pc) =	sbr.ind lr, $3  }
0x3a: {  	_ = 	snop  }
0x3b: {  	_ = 	snop  }
0x3c: {  	p2 =	seq.s32 s10, $0x1;
	s10 =	sld [smem:$0x3FB9]  }
0x3d: {  	_ =	shalt  }
0x3e: {  	_ =	shalt  }
0x3f: {  	_ =	shalt  }
0x40: {  	_ =	shalt  }
0x41: {  	_ =	shalt  }
0x42: {  	_ =	shalt  }
0x43: {  	_ =	shalt  }
0x44: {  	_ =	shalt  }
0x45: {  	_ =	shalt  }
0x46: {  	_ =	shalt  }
0x47: {  	_ =	shalt  }
0x48: {  	_ =	shalt  }
0x49: {  	_ =	shalt  }
0x4a: {  	_ =	shalt  }
0x4b: {  	_ =	shalt  }
0x4c: {  	_ =	shalt  }
0x4d: {  	_ =	shalt  }
0x4e: {  	_ =	shalt  }
0x4f: {  	_ =	shalt  }
0x50: {  	_ =	shalt  }
0x51: {  	_ =	shalt  }
0x52: {  	_ =	shalt  }
0x53: {  	_ =	shalt  }
0x54: {  	_ =	shalt  }
0x55: {  	_ =	shalt  }
0x56: {  	_ =	shalt  }
0x57: {  	_ =	shalt  }
0x58: {  	_ =	shalt  }
0x59: {  	_ =	shalt  }
0x5a: {  	_ =	shalt  }
0x5b: {  	_ =	shalt  }
0x5c: {  	_ =	shalt  }
0x5d: {  	_ =	shalt  }
0x5e: {  	_ =	shalt  }
0x5f: {  	_ =	shalt  }
0x60: {  	_ =	shalt  }
0x61: {  	_ =	shalt  }
0x62: {  	_ =	shalt  }
0x63: {  	_ =	shalt  }
0x64: {  	_ =	shalt  }
0x65: {  	_ =	shalt  }
0x66: {  	_ =	shalt  }
0x67: {  	_ =	shalt  }
0x68: {  	_ =	shalt  }
0x69: {  	_ =	shalt  }
0x6a: {  	_ =	shalt  }
0x6b: {  	_ =	shalt  }
0x6c: {  	_ =	shalt  }
0x6d: {  	_ =	shalt  }
0x6e: {  	_ =	shalt  }
0x6f: {  	_ =	shalt  }
0x70: {  	_ =	shalt  }
0x71: {  	_ =	shalt  }
0x72: {  	_ =	shalt  }
0x73: {  	_ =	shalt  }
0x74: {  	_ =	shalt  }
0x75: {  	_ =	shalt  }
0x76: {  	_ =	shalt  }
0x77: {  	_ =	shalt  }
0x78: {  	_ =	shalt  }
0x79: {  	_ =	shalt  }
0x7a: {  	_ =	shalt  }
0x7b: {  	_ =	shalt  }
0x7c: {  	_ =	shalt  }
0x7d: {  	_ =	shalt  }
0x7e: {  	_ =	shalt  }
0x7f: {  	_ =	shalt  }
0x80: {  	_ =	shalt  }
0x81: {  	_ =	shalt  }
0x82: {  	_ =	shalt  }
0x83: {  	_ =	shalt  }
0x84: {  	_ =	shalt  }
0x85: {  	_ =	shalt  }
0x86: {  	_ =	shalt  }
0x87: {  	_ =	shalt  }
.Lfunc_end0:
.L_simem_size_0:
called_computation_lowered:
.L_overlay_start_0:
0x88: {  	s2 =	sld [smem:$0x3FD9]  }
0x89: {  	s3 =	sld [smem:$0x3FFE];
	_ =	sdelay $0x1  }
0x8a: {  	s1 =	srdreg.scid  }
0x8b: {  	s0 =	sand.u32 $0x1, s1  }
0x8c: {  	s16 =	sshll.u32 s0, $0xA;
	s2 =	sadd.s32 s3, s2  }
0x8d: {  	s2 =	sadd.s32 s2, s16  }
0x8e: {  	[smem:$0x3FC5] =	sst s2  }
0x8f: {  	_ = 	snop  }
0x90: {  	s2 =	sld [smem:$0x3FC7];
	(tm) =	ssettm $0x1  }
0x91: {  	s17 =	sld [smem:$0x3FFB];
	_ =	sdelay $0x3  }
0x92: {  	_ =	strace s17  }
0x93: {  	s3 =	sld [smem:$0x3FFC];
	_ =	sdelay $0x3  }
0x94: {  	_ =	strace s3  }
0x95: {  	s3 =	sld [smem:$0x3FFD];
	_ =	sdelay $0x3  }
0x96: {  	_ =	strace s3  }
0x97: {  	_ =	strace $0x8FFFFFFF  }
0x98: {  	s18 =	sld [smem:$0x3FDB];
	_ =	sdelay $0x1  }
0x99: {  	s4 =	simm.s32 $_scs_section_size  }
0x9a: {  	s5 =	simm.s32 $_size__tile_overlayer_lowered;
	s6 =	simm.s32 $_tile_overlayer_lowered  }
0x9b: {  	s21 =	simm.s32 $0x1BFF;
	s20 =	sshll.u32 s6, $0x1;
	s3 =	sadd.s32 s4, s18  }
0x9c: {  	s7 =	simm.s32 $0x0;
	s19 =	sshll.u32 s5, $0x1;
	s5 =	sadd.s32 s20, s3  }
0x9d: {  	[timem:s7], [sflag:s21] =	dma.local [hbm:s5], s19  }
0x9e: {  	_ =	swait.ge [sflag:s21], s19  }
0x9f: {  	s4 =	ssub.s32 $0x0, s19;
	[sflag:s21] =	ssyncset.done $0x0  }
0xa0: {  	[sflag:s21] =	ssyncadd.s32 s4;
	_ =	sdelay $0x1  }
0xa1: {  	s22 =	simm.s32 $0x1B8B  }
0xa2: {  	_ =	swait.ge [sflag:s22], $0x1  }
0xa3: {  	[sflag:s22] =	ssyncset.done $0x0  }
0xa4: {  	s23 =	sld [smem:$0x3FFE];
	[sflag:s22] =	ssyncadd.s32 $0xFFFFFFFF  }
0xa5: {  	s25 =	simm.s32 $0x1B8E;
	s24 =	sld [smem:$0x0]  }
0xa6: {  	s26 =	simm.s32 $execute0_lowered;
	[smem:$0x3FD2] =	sst s25  }
0xa7: {  	s6 =	sshll.u32 s26, $0x1;
	_ =	strace $0x80000049;
	[dreg:$0x1] =	wrdreg $0xFFFFFFFF  }
0xa8: {  	s28 =	simm.s32 $_size_execute0_lowered;
	s3 =	sadd.s32 s3, s6;
	[dreg:$0x0] =	wrdreg $0x0  }
0xa9: {  	s6 =	sshll.u32 s28, $0x1;
	[dreg:$0x2] =	wrdreg s3  }
0xaa: {  	[dreg:$0x3] =	wrdreg s6  }
0xab: {  	[dreg:$0x4] =	wrdreg $0xC0  }
0xac: {  	_ =	task [dreg:s7], $0x5FFFF  }
0xad: {  	[dreg:$0x1] =	wrdreg $0xFFFFFFFF  }
0xae: {  	[dreg:$0x0] =	wrdreg $0x60  }
0xaf: {  	[dreg:$0x2] =	wrdreg s23  }
0xb0: {  	[dreg:$0x3] =	wrdreg s2  }
0xb1: {  	[dreg:$0x4] =	wrdreg s1  }
0xb2: {  	[dreg:$0x5] =	wrdreg s24  }
0xb3: {  	[dreg:$0x6] =	wrdreg $0x9  }
0xb4: {  	_ =	task.clear_ibuf [dreg:s7], $0x7FFFF;
	_ =	strace $0x90000049  }
0xb5: {  	s29 =	simm.s32 $0x9;
	_ =	strace $0x8000004B  }
0xb6: {  	_ =	swait.ge [sflag:s29], $0x1  }
0xb7: {  	[sflag:s29] =	ssyncadd.s32 $0xFFFFFFFF  }
0xb8: {  	_ =	strace $0x9000004B  }
0xb9: {  	_ =	sfence  }
0xba: {  	s30 =	sld [smem:$0x0];
	_ =	sdelay $0x2  }
0xbb: {  	s31 =	sshll.u32 s1, $0xD;
	s1 =	sshrl.u32 s1, $0x2  }
0xbc: {  	s3 =	sand.u32 $0x4000, s31;
	s1 =	sadd.s32 s1, s30  }
0xbd: {  	s0 =	sor.u32 s3, s0;
	s1 =	sshll.u32 s1, $0x11  }
0xbe: {  	s0 =	sor.u32 s1, s0  }
0xbf: {  	s0 =	sadd.s32 $0x8F2B, s0  }
0xc0: {  	[sflag:s0] =	ssyncadd.remote.s32 $0x1  }
0xc1: {  	_ =	sfence.sel $0xFFFF  }
0xc2: {  	[dreg:$0x0] =	wrdreg $0xFFFFFFFF;
	(pc) =	sbr.abs _section_cstart, $3  }
0xc3: {  	[dreg:$0x1] =	wrdreg $0xFFFFFFFF  }
0xc4: {  	_ =	task.clear_ibuf [dreg:s7], $0x2FFFF;
	_ =	strace $0x9FFFFFFF  }
0xc5: {  	(tm) =	ssettm $0x7FFFFFFF  }
tec
execute0_lowered:
.L_overlay_start_1:
0x0: {  	(tag) =	ssettag $0x1  }
0x1: {  	s7 =	rddreg [dreg:$0x0]  }
0x2: {  	s4 =	rddreg [dreg:$0x1];
	_ =	strace $0x8000004A;
	s6 =	simm.s32 $0x1  }
0x3: {  	v0 =	vimm.s32 $0x0;
	[sflag:s6] =	ssyncpa.u1 $0x0  }
0x4: {  	[tilespmem:$0x28] =	vst v0  }
0x5: {  	[tilespmem:$0x38] =	vst v0  }
0x6: {  	[tilespmem:$0x48] =	vst v0  }
0x7: {  	[tilespmem:$0x58] =	vst v0  }
0x8: {  	[tilespmem:$0x68] =	vst v0  }
0x9: {  	[tilespmem:$0x78] =	vst v0  }
0xa: {  	[tilespmem:$0x88] =	vst v0  }
0xb: {  	[tilespmem:$0x98] =	vst v0  }
0xc: {  	[tilespmem:$0xA8] =	vst v0  }
0xd: {  	[tilespmem:$0xB8] =	vst v0  }
0xe: {  	[tilespmem:$0xC8] =	vst v0  }
0xf: {  	[tilespmem:$0xD8] =	vst v0  }
0x10: {  	[tilespmem:$0xE8] =	vst v0  }
0x11: {  	[tilespmem:$0xF8] =	vst v0  }
0x12: {  	[tilespmem:$0x108] =	vst v0  }
0x13: {  	[tilespmem:$0x118] =	vst v0  }
0x14: {  	[tilespmem:$0x128] =	vst v0  }
0x15: {  	[tilespmem:$0x138] =	vst v0  }
0x16: {  	[tilespmem:$0x148] =	vst v0  }
0x17: {  	[tilespmem:$0x158] =	vst v0  }
0x18: {  	[tilespmem:$0x168] =	vst v0  }
0x19: {  	[tilespmem:$0x178] =	vst v0  }
0x1a: {  	[tilespmem:$0x188] =	vst v0  }
0x1b: {  	[tilespmem:$0x198] =	vst v0  }
0x1c: {  	[tilespmem:$0x1A8] =	vst v0  }
0x1d: {  	[tilespmem:$0x1B8] =	vst v0  }
0x1e: {  	[tilespmem:$0x1C8] =	vst v0  }
0x1f: {  	[tilespmem:$0x1D8] =	vst v0  }
0x20: {  	[tilespmem:$0x1E8] =	vst v0  }
0x21: {  	[tilespmem:$0x1F8] =	vst v0  }
0x22: {  	[tilespmem:$0x208] =	vst v0  }
0x23: {  	[tilespmem:$0x218] =	vst v0  }
0x24: {  	[tilespmem:$0x228] =	vst v0  }
0x25: {  	[tilespmem:$0x238] =	vst v0  }
0x26: {  	[tilespmem:$0x248] =	vst v0  }
0x27: {  	[tilespmem:$0x258] =	vst v0  }
0x28: {  	[tilespmem:$0x268] =	vst v0  }
0x29: {  	[tilespmem:$0x278] =	vst v0  }
0x2a: {  	[tilespmem:$0x288] =	vst v0  }
0x2b: {  	[tilespmem:$0x298] =	vst v0  }
0x2c: {  	[tilespmem:$0x2A8] =	vst v0  }
0x2d: {  	[tilespmem:$0x2B8] =	vst v0  }
0x2e: {  	[tilespmem:$0x2C8] =	vst v0  }
0x2f: {  	[tilespmem:$0x2D8] =	vst v0  }
0x30: {  	[tilespmem:$0x2E8] =	vst v0  }
0x31: {  	[tilespmem:$0x2F8] =	vst v0  }
0x32: {  	[tilespmem:$0x308] =	vst v0  }
0x33: {  	[tilespmem:$0x318] =	vst v0  }
0x34: {  	[tilespmem:$0x328] =	vst v0  }
0x35: {  	[tilespmem:$0x338] =	vst v0  }
0x36: {  	[tilespmem:$0x348] =	vst v0  }
0x37: {  	[tilespmem:$0x358] =	vst v0  }
0x38: {  	[tilespmem:$0x368] =	vst v0  }
0x39: {  	[tilespmem:$0x378] =	vst v0  }
0x3a: {  	[tilespmem:$0x388] =	vst v0  }
0x3b: {  	[tilespmem:$0x398] =	vst v0  }
0x3c: {  	[tilespmem:$0x3A8] =	vst v0  }
0x3d: {  	[tilespmem:$0x3B8] =	vst v0  }
0x3e: {  	[tilespmem:$0x3C8] =	vst v0  }
0x3f: {  	[tilespmem:$0x3D8] =	vst v0  }
0x40: {  	[tilespmem:$0x3E8] =	vst v0  }
0x41: {  	[tilespmem:$0x3F8] =	vst v0  }
0x42: {  	[tilespmem:$0x408] =	vst v0  }
0x43: {  	[tilespmem:$0x418] =	vst v0  }
0x44: {  	[tilespmem:$0x428] =	vst v0  }
0x45: {  	[tilespmem:$0x438] =	vst v0  }
0x46: {  	[tilespmem:$0x448] =	vst v0  }
0x47: {  	[tilespmem:$0x458] =	vst v0  }
0x48: {  	[tilespmem:$0x468] =	vst v0  }
0x49: {  	[tilespmem:$0x478] =	vst v0  }
0x4a: {  	[tilespmem:$0x488] =	vst v0  }
0x4b: {  	[tilespmem:$0x498] =	vst v0  }
0x4c: {  	[tilespmem:$0x4A8] =	vst v0  }
0x4d: {  	[tilespmem:$0x4B8] =	vst v0  }
0x4e: {  	[tilespmem:$0x4C8] =	vst v0  }
0x4f: {  	[tilespmem:$0x4D8] =	vst v0  }
0x50: {  	[tilespmem:$0x4E8] =	vst v0  }
0x51: {  	[tilespmem:$0x4F8] =	vst v0  }
0x52: {  	[tilespmem:$0x508] =	vst v0  }
0x53: {  	[tilespmem:$0x518] =	vst v0  }
0x54: {  	[tilespmem:$0x528] =	vst v0  }
0x55: {  	[tilespmem:$0x538] =	vst v0  }
0x56: {  	[tilespmem:$0x548] =	vst v0  }
0x57: {  	[tilespmem:$0x558] =	vst v0  }
0x58: {  	[tilespmem:$0x568] =	vst v0  }
0x59: {  	[tilespmem:$0x578] =	vst v0  }
0x5a: {  	[tilespmem:$0x588] =	vst v0  }
0x5b: {  	[tilespmem:$0x598] =	vst v0  }
0x5c: {  	[tilespmem:$0x5A8] =	vst v0  }
0x5d: {  	[tilespmem:$0x5B8] =	vst v0  }
0x5e: {  	[tilespmem:$0x5C8] =	vst v0  }
0x5f: {  	[tilespmem:$0x5D8] =	vst v0  }
0x60: {  	[tilespmem:$0x5E8] =	vst v0  }
0x61: {  	[tilespmem:$0x5F8] =	vst v0  }
0x62: {  	[tilespmem:$0x608] =	vst v0  }
0x63: {  	[tilespmem:$0x618] =	vst v0  }
0x64: {  	[tilespmem:$0x628] =	vst v0  }
0x65: {  	[tilespmem:$0x638] =	vst v0  }
0x66: {  	[tilespmem:$0x648] =	vst v0  }
0x67: {  	[tilespmem:$0x658] =	vst v0  }
0x68: {  	[tilespmem:$0x668] =	vst v0  }
0x69: {  	[tilespmem:$0x678] =	vst v0  }
0x6a: {  	[tilespmem:$0x688] =	vst v0  }
0x6b: {  	[tilespmem:$0x698] =	vst v0  }
0x6c: {  	[tilespmem:$0x6A8] =	vst v0  }
0x6d: {  	[tilespmem:$0x6B8] =	vst v0  }
0x6e: {  	[tilespmem:$0x6C8] =	vst v0  }
0x6f: {  	[tilespmem:$0x6D8] =	vst v0  }
0x70: {  	[tilespmem:$0x6E8] =	vst v0  }
0x71: {  	[tilespmem:$0x6F8] =	vst v0  }
0x72: {  	[tilespmem:$0x708] =	vst v0  }
0x73: {  	[tilespmem:$0x718] =	vst v0  }
0x74: {  	[tilespmem:$0x728] =	vst v0  }
0x75: {  	[tilespmem:$0x738] =	vst v0  }
0x76: {  	[tilespmem:$0x748] =	vst v0  }
0x77: {  	[tilespmem:$0x758] =	vst v0  }
0x78: {  	[tilespmem:$0x768] =	vst v0  }
0x79: {  	[tilespmem:$0x778] =	vst v0  }
0x7a: {  	[tilespmem:$0x788] =	vst v0  }
0x7b: {  	[tilespmem:$0x798] =	vst v0  }
0x7c: {  	[tilespmem:$0x7A8] =	vst v0  }
0x7d: {  	[tilespmem:$0x7B8] =	vst v0  }
0x7e: {  	[tilespmem:$0x7C8] =	vst v0  }
0x7f: {  	[tilespmem:$0x7D8] =	vst v0  }
0x80: {  	[tilespmem:$0x7E8] =	vst v0  }
0x81: {  	[tilespmem:$0x7F8] =	vst v0  }
0x82: {  	[tilespmem:$0x808] =	vst v0  }
0x83: {  	[tilespmem:$0x818] =	vst v0  }
0x84: {  	[tilespmem:$0x828] =	vst v0  }
0x85: {  	[tilespmem:$0x838] =	vst v0  }
0x86: {  	[tilespmem:$0x848] =	vst v0  }
0x87: {  	[tilespmem:$0x858] =	vst v0  }
0x88: {  	[tilespmem:$0x868] =	vst v0  }
0x89: {  	[tilespmem:$0x878] =	vst v0  }
0x8a: {  	[tilespmem:$0x888] =	vst v0  }
0x8b: {  	[tilespmem:$0x898] =	vst v0  }
0x8c: {  	[tilespmem:$0x8A8] =	vst v0  }
0x8d: {  	[tilespmem:$0x8B8] =	vst v0  }
0x8e: {  	[tilespmem:$0x8C8] =	vst v0  }
0x8f: {  	[tilespmem:$0x8D8] =	vst v0  }
0x90: {  	[tilespmem:$0x8E8] =	vst v0  }
0x91: {  	[tilespmem:$0x8F8] =	vst v0  }
0x92: {  	[tilespmem:$0x908] =	vst v0  }
0x93: {  	[tilespmem:$0x918] =	vst v0  }
0x94: {  	[tilespmem:$0x928] =	vst v0  }
0x95: {  	[tilespmem:$0x938] =	vst v0  }
0x96: {  	[tilespmem:$0x948] =	vst v0  }
0x97: {  	[tilespmem:$0x958] =	vst v0  }
0x98: {  	[tilespmem:$0x968] =	vst v0  }
0x99: {  	[tilespmem:$0x978] =	vst v0  }
0x9a: {  	[tilespmem:$0x988] =	vst v0  }
0x9b: {  	[tilespmem:$0x998] =	vst v0  }
0x9c: {  	[tilespmem:$0x9A8] =	vst v0  }
0x9d: {  	[tilespmem:$0x9B8] =	vst v0  }
0x9e: {  	[tilespmem:$0x9C8] =	vst v0  }
0x9f: {  	[tilespmem:$0x9D8] =	vst v0  }
0xa0: {  	[tilespmem:$0x9E8] =	vst v0  }
0xa1: {  	[tilespmem:$0x9F8] =	vst v0  }
0xa2: {  	[tilespmem:$0xA08] =	vst v0  }
0xa3: {  	[tilespmem:$0xA18] =	vst v0  }
0xa4: {  	[tilespmem:$0xA28] =	vst v0  }
0xa5: {  	[tilespmem:$0xA38] =	vst v0  }
0xa6: {  	[tilespmem:$0xA48] =	vst v0  }
0xa7: {  	[tilespmem:$0xA58] =	vst v0  }
0xa8: {  	[tilespmem:$0xA68] =	vst v0  }
0xa9: {  	[tilespmem:$0xA78] =	vst v0  }
0xaa: {  	[tilespmem:$0xA88] =	vst v0  }
0xab: {  	[tilespmem:$0xA98] =	vst v0  }
0xac: {  	[tilespmem:$0xAA8] =	vst v0  }
0xad: {  	[tilespmem:$0xAB8] =	vst v0  }
0xae: {  	[tilespmem:$0xAC8] =	vst v0  }
0xaf: {  	[tilespmem:$0xAD8] =	vst v0  }
0xb0: {  	[tilespmem:$0xAE8] =	vst v0  }
0xb1: {  	[tilespmem:$0xAF8] =	vst v0  }
0xb2: {  	[tilespmem:$0xB08] =	vst v0  }
0xb3: {  	[tilespmem:$0xB18] =	vst v0  }
0xb4: {  	[tilespmem:$0xB28] =	vst v0  }
0xb5: {  	[tilespmem:$0xB38] =	vst v0  }
0xb6: {  	[tilespmem:$0xB48] =	vst v0  }
0xb7: {  	[tilespmem:$0xB58] =	vst v0  }
0xb8: {  	[tilespmem:$0xB68] =	vst v0  }
0xb9: {  	[tilespmem:$0xB78] =	vst v0  }
0xba: {  	[tilespmem:$0xB88] =	vst v0  }
0xbb: {  	[tilespmem:$0xB98] =	vst v0  }
0xbc: {  	[tilespmem:$0xBA8] =	vst v0  }
0xbd: {  	[tilespmem:$0xBB8] =	vst v0  }
0xbe: {  	[tilespmem:$0xBC8] =	vst v0  }
0xbf: {  	[tilespmem:$0xBD8] =	vst v0  }
0xc0: {  	[tilespmem:$0xBE8] =	vst v0  }
0xc1: {  	[tilespmem:$0xBF8] =	vst v0  }
0xc2: {  	[tilespmem:$0xC08] =	vst v0  }
0xc3: {  	[tilespmem:$0xC18] =	vst v0  }
0xc4: {  	[tilespmem:$0xC28] =	vst v0  }
0xc5: {  	[tilespmem:$0xC38] =	vst v0  }
0xc6: {  	[tilespmem:$0xC48] =	vst v0  }
0xc7: {  	[tilespmem:$0xC58] =	vst v0  }
0xc8: {  	[tilespmem:$0xC68] =	vst v0  }
0xc9: {  	[tilespmem:$0xC78] =	vst v0  }
0xca: {  	[tilespmem:$0xC88] =	vst v0  }
0xcb: {  	[tilespmem:$0xC98] =	vst v0  }
0xcc: {  	[tilespmem:$0xCA8] =	vst v0  }
0xcd: {  	[tilespmem:$0xCB8] =	vst v0  }
0xce: {  	[tilespmem:$0xCC8] =	vst v0  }
0xcf: {  	[tilespmem:$0xCD8] =	vst v0  }
0xd0: {  	[tilespmem:$0xCE8] =	vst v0  }
0xd1: {  	[tilespmem:$0xCF8] =	vst v0  }
0xd2: {  	[tilespmem:$0xD08] =	vst v0  }
0xd3: {  	[tilespmem:$0xD18] =	vst v0  }
0xd4: {  	[tilespmem:$0xD28] =	vst v0  }
0xd5: {  	[tilespmem:$0xD38] =	vst v0  }
0xd6: {  	[tilespmem:$0xD48] =	vst v0  }
0xd7: {  	[tilespmem:$0xD58] =	vst v0  }
0xd8: {  	[tilespmem:$0xD68] =	vst v0  }
0xd9: {  	[tilespmem:$0xD78] =	vst v0  }
0xda: {  	[tilespmem:$0xD88] =	vst v0  }
0xdb: {  	[tilespmem:$0xD98] =	vst v0  }
0xdc: {  	[tilespmem:$0xDA8] =	vst v0  }
0xdd: {  	[tilespmem:$0xDB8] =	vst v0  }
0xde: {  	[tilespmem:$0xDC8] =	vst v0  }
0xdf: {  	[tilespmem:$0xDD8] =	vst v0  }
0xe0: {  	[tilespmem:$0xDE8] =	vst v0  }
0xe1: {  	[tilespmem:$0xDF8] =	vst v0  }
0xe2: {  	[tilespmem:$0xE08] =	vst v0  }
0xe3: {  	[tilespmem:$0xE18] =	vst v0  }
0xe4: {  	[tilespmem:$0xE28] =	vst v0  }
0xe5: {  	[tilespmem:$0xE38] =	vst v0  }
0xe6: {  	[tilespmem:$0xE48] =	vst v0  }
0xe7: {  	[tilespmem:$0xE58] =	vst v0  }
0xe8: {  	[tilespmem:$0xE68] =	vst v0  }
0xe9: {  	[tilespmem:$0xE78] =	vst v0  }
0xea: {  	[tilespmem:$0xE88] =	vst v0  }
0xeb: {  	[tilespmem:$0xE98] =	vst v0  }
0xec: {  	[tilespmem:$0xEA8] =	vst v0  }
0xed: {  	[tilespmem:$0xEB8] =	vst v0  }
0xee: {  	[tilespmem:$0xEC8] =	vst v0  }
0xef: {  	[tilespmem:$0xED8] =	vst v0  }
0xf0: {  	[tilespmem:$0xEE8] =	vst v0  }
0xf1: {  	[tilespmem:$0xEF8] =	vst v0  }
0xf2: {  	[tilespmem:$0xF08] =	vst v0  }
0xf3: {  	[tilespmem:$0xF18] =	vst v0  }
0xf4: {  	[tilespmem:$0xF28] =	vst v0  }
0xf5: {  	[tilespmem:$0xF38] =	vst v0  }
0xf6: {  	[tilespmem:$0xF48] =	vst v0  }
0xf7: {  	[tilespmem:$0xF58] =	vst v0  }
0xf8: {  	[tilespmem:$0xF68] =	vst v0  }
0xf9: {  	[tilespmem:$0xF78] =	vst v0  }
0xfa: {  	[tilespmem:$0xF88] =	vst v0  }
0xfb: {  	[tilespmem:$0xF98] =	vst v0  }
0xfc: {  	[tilespmem:$0xFA8] =	vst v0  }
0xfd: {  	[tilespmem:$0xFB8] =	vst v0  }
0xfe: {  	[tilespmem:$0xFC8] =	vst v0  }
0xff: {  	[tilespmem:$0xFD8] =	vst v0  }
0x100: {  	[tilespmem:$0xFE8] =	vst v0  }
0x101: {  	[tilespmem:$0xFF8] =	vst v0  }
0x102: {  	[tilespmem:$0x1008] =	vst v0  }
0x103: {  	[tilespmem:$0x10E8] =	vst v0  }
0x104: {  	[tilespmem:$0x1C28] =	vst v0  }
0x105: {  	[tilespmem:$0x1C18] =	vst v0  }
0x106: {  	[tilespmem:$0x1C08] =	vst v0  }
0x107: {  	[tilespmem:$0x1BF8] =	vst v0  }
0x108: {  	[tilespmem:$0x1BE8] =	vst v0  }
0x109: {  	[tilespmem:$0x1BD8] =	vst v0  }
0x10a: {  	[tilespmem:$0x1BC8] =	vst v0  }
0x10b: {  	[tilespmem:$0x1BB8] =	vst v0  }
0x10c: {  	[tilespmem:$0x1BA8] =	vst v0  }
0x10d: {  	[tilespmem:$0x1B98] =	vst v0  }
0x10e: {  	[tilespmem:$0x1B88] =	vst v0  }
0x10f: {  	[tilespmem:$0x1B78] =	vst v0  }
0x110: {  	[tilespmem:$0x1B68] =	vst v0  }
0x111: {  	[tilespmem:$0x1B58] =	vst v0  }
0x112: {  	[tilespmem:$0x1B48] =	vst v0  }
0x113: {  	[tilespmem:$0x1B38] =	vst v0  }
0x114: {  	[tilespmem:$0x1B28] =	vst v0  }
0x115: {  	[tilespmem:$0x1B18] =	vst v0  }
0x116: {  	[tilespmem:$0x1B08] =	vst v0  }
0x117: {  	[tilespmem:$0x1AF8] =	vst v0  }
0x118: {  	[tilespmem:$0x1AE8] =	vst v0  }
0x119: {  	[tilespmem:$0x1AD8] =	vst v0  }
0x11a: {  	[tilespmem:$0x1AC8] =	vst v0  }
0x11b: {  	[tilespmem:$0x1AB8] =	vst v0  }
0x11c: {  	[tilespmem:$0x1AA8] =	vst v0  }
0x11d: {  	[tilespmem:$0x1A98] =	vst v0  }
0x11e: {  	[tilespmem:$0x1A88] =	vst v0  }
0x11f: {  	[tilespmem:$0x1A78] =	vst v0  }
0x120: {  	[tilespmem:$0x1A68] =	vst v0  }
0x121: {  	[tilespmem:$0x1A58] =	vst v0  }
0x122: {  	[tilespmem:$0x1A48] =	vst v0  }
0x123: {  	[tilespmem:$0x1A38] =	vst v0  }
0x124: {  	[tilespmem:$0x1A28] =	vst v0  }
0x125: {  	[tilespmem:$0x1A18] =	vst v0  }
0x126: {  	[tilespmem:$0x1A08] =	vst v0  }
0x127: {  	[tilespmem:$0x19F8] =	vst v0  }
0x128: {  	[tilespmem:$0x19E8] =	vst v0  }
0x129: {  	[tilespmem:$0x19D8] =	vst v0  }
0x12a: {  	[tilespmem:$0x19C8] =	vst v0  }
0x12b: {  	[tilespmem:$0x19B8] =	vst v0  }
0x12c: {  	[tilespmem:$0x19A8] =	vst v0  }
0x12d: {  	[tilespmem:$0x1998] =	vst v0  }
0x12e: {  	[tilespmem:$0x1988] =	vst v0  }
0x12f: {  	[tilespmem:$0x1978] =	vst v0  }
0x130: {  	[tilespmem:$0x1968] =	vst v0  }
0x131: {  	[tilespmem:$0x1958] =	vst v0  }
0x132: {  	[tilespmem:$0x1948] =	vst v0  }
0x133: {  	[tilespmem:$0x1938] =	vst v0  }
0x134: {  	[tilespmem:$0x1928] =	vst v0  }
0x135: {  	[tilespmem:$0x1918] =	vst v0  }
0x136: {  	[tilespmem:$0x1908] =	vst v0  }
0x137: {  	[tilespmem:$0x18F8] =	vst v0  }
0x138: {  	[tilespmem:$0x18E8] =	vst v0  }
0x139: {  	[tilespmem:$0x18D8] =	vst v0  }
0x13a: {  	[tilespmem:$0x18C8] =	vst v0  }
0x13b: {  	[tilespmem:$0x18B8] =	vst v0  }
0x13c: {  	[tilespmem:$0x18A8] =	vst v0  }
0x13d: {  	[tilespmem:$0x1898] =	vst v0  }
0x13e: {  	[tilespmem:$0x1888] =	vst v0  }
0x13f: {  	[tilespmem:$0x1878] =	vst v0  }
0x140: {  	[tilespmem:$0x1868] =	vst v0  }
0x141: {  	[tilespmem:$0x1858] =	vst v0  }
0x142: {  	[tilespmem:$0x1848] =	vst v0  }
0x143: {  	[tilespmem:$0x1838] =	vst v0  }
0x144: {  	[tilespmem:$0x1828] =	vst v0  }
0x145: {  	[tilespmem:$0x1818] =	vst v0  }
0x146: {  	[tilespmem:$0x1808] =	vst v0  }
0x147: {  	[tilespmem:$0x17F8] =	vst v0  }
0x148: {  	[tilespmem:$0x17E8] =	vst v0  }
0x149: {  	[tilespmem:$0x17D8] =	vst v0  }
0x14a: {  	[tilespmem:$0x17C8] =	vst v0  }
0x14b: {  	[tilespmem:$0x17B8] =	vst v0  }
0x14c: {  	[tilespmem:$0x17A8] =	vst v0  }
0x14d: {  	[tilespmem:$0x1798] =	vst v0  }
0x14e: {  	[tilespmem:$0x1788] =	vst v0  }
0x14f: {  	[tilespmem:$0x1778] =	vst v0  }
0x150: {  	[tilespmem:$0x1768] =	vst v0  }
0x151: {  	[tilespmem:$0x1758] =	vst v0  }
0x152: {  	[tilespmem:$0x1748] =	vst v0  }
0x153: {  	[tilespmem:$0x1738] =	vst v0  }
0x154: {  	[tilespmem:$0x1728] =	vst v0  }
0x155: {  	[tilespmem:$0x1718] =	vst v0  }
0x156: {  	[tilespmem:$0x1708] =	vst v0  }
0x157: {  	[tilespmem:$0x16F8] =	vst v0  }
0x158: {  	[tilespmem:$0x16E8] =	vst v0  }
0x159: {  	[tilespmem:$0x16D8] =	vst v0  }
0x15a: {  	[tilespmem:$0x16C8] =	vst v0  }
0x15b: {  	[tilespmem:$0x16B8] =	vst v0  }
0x15c: {  	[tilespmem:$0x16A8] =	vst v0  }
0x15d: {  	[tilespmem:$0x1698] =	vst v0  }
0x15e: {  	[tilespmem:$0x1688] =	vst v0  }
0x15f: {  	[tilespmem:$0x1678] =	vst v0  }
0x160: {  	[tilespmem:$0x1668] =	vst v0  }
0x161: {  	[tilespmem:$0x1658] =	vst v0  }
0x162: {  	[tilespmem:$0x1648] =	vst v0  }
0x163: {  	[tilespmem:$0x1638] =	vst v0  }
0x164: {  	[tilespmem:$0x1628] =	vst v0  }
0x165: {  	[tilespmem:$0x1618] =	vst v0  }
0x166: {  	[tilespmem:$0x1608] =	vst v0  }
0x167: {  	[tilespmem:$0x15F8] =	vst v0  }
0x168: {  	[tilespmem:$0x15E8] =	vst v0  }
0x169: {  	[tilespmem:$0x15D8] =	vst v0  }
0x16a: {  	[tilespmem:$0x15C8] =	vst v0  }
0x16b: {  	[tilespmem:$0x15B8] =	vst v0  }
0x16c: {  	[tilespmem:$0x15A8] =	vst v0  }
0x16d: {  	[tilespmem:$0x1598] =	vst v0  }
0x16e: {  	[tilespmem:$0x1588] =	vst v0  }
0x16f: {  	[tilespmem:$0x1578] =	vst v0  }
0x170: {  	[tilespmem:$0x1568] =	vst v0  }
0x171: {  	[tilespmem:$0x1558] =	vst v0  }
0x172: {  	[tilespmem:$0x1548] =	vst v0  }
0x173: {  	[tilespmem:$0x1538] =	vst v0  }
0x174: {  	[tilespmem:$0x1528] =	vst v0  }
0x175: {  	[tilespmem:$0x1518] =	vst v0  }
0x176: {  	[tilespmem:$0x1508] =	vst v0  }
0x177: {  	[tilespmem:$0x14F8] =	vst v0  }
0x178: {  	[tilespmem:$0x14E8] =	vst v0  }
0x179: {  	[tilespmem:$0x14D8] =	vst v0  }
0x17a: {  	[tilespmem:$0x14C8] =	vst v0  }
0x17b: {  	[tilespmem:$0x14B8] =	vst v0  }
0x17c: {  	[tilespmem:$0x14A8] =	vst v0  }
0x17d: {  	[tilespmem:$0x1498] =	vst v0  }
0x17e: {  	[tilespmem:$0x1488] =	vst v0  }
0x17f: {  	[tilespmem:$0x1478] =	vst v0  }
0x180: {  	[tilespmem:$0x1468] =	vst v0  }
0x181: {  	[tilespmem:$0x1458] =	vst v0  }
0x182: {  	[tilespmem:$0x1448] =	vst v0  }
0x183: {  	[tilespmem:$0x1438] =	vst v0  }
0x184: {  	[tilespmem:$0x1428] =	vst v0  }
0x185: {  	[tilespmem:$0x1418] =	vst v0  }
0x186: {  	[tilespmem:$0x1408] =	vst v0  }
0x187: {  	[tilespmem:$0x13F8] =	vst v0  }
0x188: {  	[tilespmem:$0x13E8] =	vst v0  }
0x189: {  	[tilespmem:$0x13D8] =	vst v0  }
0x18a: {  	[tilespmem:$0x13C8] =	vst v0  }
0x18b: {  	[tilespmem:$0x13B8] =	vst v0  }
0x18c: {  	[tilespmem:$0x13A8] =	vst v0  }
0x18d: {  	[tilespmem:$0x1398] =	vst v0  }
0x18e: {  	[tilespmem:$0x1388] =	vst v0  }
0x18f: {  	[tilespmem:$0x1378] =	vst v0  }
0x190: {  	[tilespmem:$0x1368] =	vst v0  }
0x191: {  	[tilespmem:$0x1358] =	vst v0  }
0x192: {  	[tilespmem:$0x1348] =	vst v0  }
0x193: {  	[tilespmem:$0x1338] =	vst v0  }
0x194: {  	[tilespmem:$0x1328] =	vst v0  }
0x195: {  	[tilespmem:$0x1318] =	vst v0  }
0x196: {  	[tilespmem:$0x1308] =	vst v0  }
0x197: {  	[tilespmem:$0x12F8] =	vst v0  }
0x198: {  	[tilespmem:$0x12E8] =	vst v0  }
0x199: {  	[tilespmem:$0x12D8] =	vst v0  }
0x19a: {  	[tilespmem:$0x12C8] =	vst v0  }
0x19b: {  	[tilespmem:$0x12B8] =	vst v0  }
0x19c: {  	[tilespmem:$0x12A8] =	vst v0  }
0x19d: {  	[tilespmem:$0x1298] =	vst v0  }
0x19e: {  	[tilespmem:$0x1288] =	vst v0  }
0x19f: {  	[tilespmem:$0x1278] =	vst v0  }
0x1a0: {  	[tilespmem:$0x1268] =	vst v0  }
0x1a1: {  	[tilespmem:$0x1258] =	vst v0  }
0x1a2: {  	[tilespmem:$0x1248] =	vst v0  }
0x1a3: {  	[tilespmem:$0x1238] =	vst v0  }
0x1a4: {  	[tilespmem:$0x1228] =	vst v0  }
0x1a5: {  	[tilespmem:$0x1218] =	vst v0  }
0x1a6: {  	[tilespmem:$0x1208] =	vst v0  }
0x1a7: {  	[tilespmem:$0x11F8] =	vst v0  }
0x1a8: {  	[tilespmem:$0x11E8] =	vst v0  }
0x1a9: {  	[tilespmem:$0x11D8] =	vst v0  }
0x1aa: {  	[tilespmem:$0x11C8] =	vst v0  }
0x1ab: {  	[tilespmem:$0x11B8] =	vst v0  }
0x1ac: {  	[tilespmem:$0x11A8] =	vst v0  }
0x1ad: {  	[tilespmem:$0x1198] =	vst v0  }
0x1ae: {  	[tilespmem:$0x1188] =	vst v0  }
0x1af: {  	[tilespmem:$0x1178] =	vst v0  }
0x1b0: {  	[tilespmem:$0x1168] =	vst v0  }
0x1b1: {  	[tilespmem:$0x1158] =	vst v0  }
0x1b2: {  	s3 =	srdreg.scid;
	[tilespmem:$0x1148] =	vst v0  }
0x1b3: {  	s3 =	sshll.u32 s3, $0x4;
	[tilespmem:$0x1138] =	vst v0  }
0x1b4: {  	s5 =	stileid.u32;
	s3 =	sand.u32 $0x10, s3;
	[tilespmem:$0x1128] =	vst v0  }
0x1b5: {  	[tilespmem:$0x1118] =	vst v0;
	s3 =	sor.u32 s5, s3  }
0x1b6: {  	s8 =	simm.s32 $0x1;
	[tilespmem:$0x1108] =	vst v0;
	p0 =	sne.s32 s3, $0x0;
	s9 =	smul.u32 $0x117, s3  }
0x1b7: {  	s8 =	simm.s32 @!p0 $0x0;
	[tilespmem:$0x10F8] =	vst v0  }
0x1b8: {  	[tilespmem:$0x10C8] =	vst v0;
	s8 =	sadd.s32 s8, s9  }
0x1b9: {  	[tilespmem:$0x10D8] =	vst v0;
	p0 =	seq.s32 s3, $0x0;
	s9 =	simm.s32 $0x1EA00;
	s8 =	smul.u32 $0x1C0, s8  }
0x1ba: {  	s9 =	simm.s32 @!p0 $0x1E840;
	[tilespmem:$0x10B8] =	vst v0  }
0x1bb: {  	[tilespmem:$0x1048] =	vst v0;
	s29 =	sadd.s32 s9, s8  }
0x1bc: {  	[tilespmem:$0x10A8] =	vst v0;
	s9 =	smin.u32 s29, $0x3D09C0  }
0x1bd: {  	[tilespmem:$0x1098] =	vst v0;
	s12 =	ssub.s32 s9, s8  }
0x1be: {  	[tilespmem:$0x1088] =	vst v0;
	p0 =	sgt.s32 s12, $0x0  }
0x1bf: {  	[tilespmem:$0x1078] =	vst v0;
	s12 =	simm.s32 @!p0 $0x0  }
0x1c0: {  	[tilespmem:$0x1068] =	vst v0;
	s30 =	smulhi.u32 $0x92492493, s12  }
0x1c1: {  	[tilespmem:$0x1058] =	vst v0  }
0x1c2: {  	[tilespmem:$0x1028] =	vst v0;
	s13 =	sshrl.u32 s30, $0x8  }
0x1c3: {  	s10 =	simm.s32 $0x2;
	s11 =	simm.s32 $0x9;
	[tilespmem:$0x1038] =	vst v0;
	s14 =	smul.u32 $0x1C0, s13  }
.Ltmp0:
0x1c4: {  	s31 =	sshll.u32 s5, $0x5;
	[tilespmem:$0x1018] =	vst v0;
	[sflag:s10] =	ssyncpa.u1 $0x0;
	v0 =	vimm.s32 $0xFFFFFFFF;
	(pc) =	sbr.rel .LBB2_1-.Ltmp0, $4  }
0x1c5: {  	s15 =	simm.s32 $0x0;
	[dreg:$0x5] =	wrdreg s31;
	[tilespmem:$0x3848] =	vst v0;
	[sflag:s11] =	ssyncpa.u1 $0x0  }
0x1c6: {  	s3 =	sadd.s32 $0x3EF3400, s7;
	s7 =	sadd.s32 $0x1EA400, s7;
	p0 =	sne.s32 s12, s14  }
0x1c7: {  	s12 =	simm.s32 $0xA;
	s14 =	simm.s32 $0x0;
	s6 =	simm.s32 @!p0 $0x0  }
0x1c8: {  	v0 =	vlaneseq.u32;
	p0 =	por $0x0, $0x0;
	s6 =	sadd.s32 s6, s13;
	s13 =	smov.u32 s8  }
.LBB2_12:
0x1c9: {  	_ =	swait.ge [sflag:s10], $0x0  }
0x1ca: {  	s16 =	simm.s32 $0x0;
	[sflag:s10] =	ssyncset.done $0x0  }
.LBB2_13:
0x1cb: {  	_ =	swait.ge [sflag:s12], s16  }
0x1cc: {  	s0 =	ssub.s32 $0x0, s16;
	v1 =	vmov s17;
	vm0 =	veq.s32 v0, $0x0;
	[sflag:s12] =	ssyncset.done $0x0  }
0x1cd: {  	vm15 =	veq.s32 v0, $0x2;
	v1 =	vsel vm0, s22, v1;
	[sflag:s12] =	ssyncadd.s32 s0  }
0x1ce: {  	v1 =	vsel vm15, s15, v1;
	[sflag:s12] =	ssyncpa.u1 $0x1  }
0x1cf: {  	[tilespmem:$0x3848] =	vst v1  }
.LBB2_14:
0x1d0: {  	s0 =	sadd.s32 $0x1C0, s13  }
0x1d1: {  	s1 =	smov.u32 s8;
	p1 =	slt.s32 s0, s9  }
0x1d2: {  	s1 =	smov.u32 @p1 s0;
	p1 =	sne.s32 s14, s6  }
.Ltmp1:
0x1d3: {  	_ = 	snop;
	(pc) =	sbr.rel @!p1 .LBB2_15-.Ltmp1, $3  }
0x1d4: {  	_ =	sdelay $0x1  }
0x1d5: {  	s31 =	sadd.s32 $0x1, s14;
	s15 =	smov.u32 s13  }
0x1d6: {  	p0 =	por !p0, !p0;
	s14 =	smov.u32 s31;
	s13 =	smov.u32 s1  }
.LBB2_1:
0x1d7: {  	p1 =	sge.u32 s14, s6  }
0x1d8: {  	p2 =	sgt.s32 @!p1 s13, $0x3D0800  }
0x1d9: {  	s16 =	smov.u32 s13;
	s17 =	sshra.s32 @!p1 s13, $0x1F;
	p2 =	por !p2, p1  }
0x1da: {  	s17 =	sand.u32 @!p1 s17, s13;
	s16 =	simm.s32 @p2 $0x3D0800  }
0x1db: {  	s16 =	ssub.s32 @!p1 s16, s17  }
0x1dc: {  	s17 =	sxor.u32 @!p1 $0xFFFFFFFF, s14;
	s16 =	sadd.s32 @!p1 $0xFFC2F800, s16  }
0x1dd: {  	s17 =	sand.u32 @!p1 $0x1, s17;
	s18 =	sshll.u32 @!p1 s16, $0x2  }
0x1de: {  	p2 =	sgt.s32 @!p1 s16, $0x1BF;
	s16 =	ssub.s32 @!p1 $0x700, s18;
	s18 =	smul.u32 @!p1 $0x700, s17  }
0x1df: {  	s19 =	sshrl.u32 @!p1 s13, $0x3;
	s20 =	sand.u32 @!p1 $0x7, s13  }
0x1e0: {  	p2 =	por !p2, p1;
	s16 =	sshrl.u32 @!p1 s16, $0x2;
	s18 =	sshrl.u32 @!p1 s18, $0x2  }
0x1e1: {  	s19 =	sadd.s32 @!p1 s4, s19;
	s16 =	simm.s32 @!p2 $0x0;
	s18 =	sadd.s32 @!p1 $0x3A88, s18  }
0x1e2: {  	[tilespmem:s18], [sflag:$0x9] =	stream.linear.gather @!p1 [hbm4b:s19+s20], s16, $0x38;
	[tilespmem:$0x1FE08] =	vst v63  }
0x1e3: {  	s16 =	ssub.s32 @!p1 $0x3D0900, s13  }
0x1e4: {  	p2 =	sgt.s32 @!p1 s16, $0x0  }
0x1e5: {  	s17 =	smul.u32 @!p1 $0x38000, s17;
	p2 =	por !p2, p1  }
0x1e6: {  	s16 =	simm.s32 @p2 $0x0  }
0x1e7: {  	s17 =	sshrl.u32 @!p1 s17, $0x2;
	s18 =	sshll.u32 @!p1 s13, $0x4;
	s16 =	smin.u32 @!p1 s16, $0x1C0  }
0x1e8: {  	s17 =	sadd.s32 @!p1 $0x3E08, s17;
	s18 =	sadd.s32 @!p1 s7, s18;
	s16 =	sshll.u32 @!p1 s16, $0x7  }
0x1e9: {  	[tilespmem:s17], [sflag:$0x9] =	stream.linear.gather @!p1 [hbm:s18], s16, $0x38;
	[tilespmem:$0x1FE08] =	vst v63  }
0x1ea: {  	p1 =	seq.s32 s14, $0x0  }
.Ltmp2:
0x1eb: {  	_ = 	snop;
	(pc) =	sbr.rel @p1 .LBB2_14-.Ltmp2, $1  }
0x1ec: {  	_ =	sdelay $0x3  }
0x1ed: {  	p1 =	sgt.s32 s15, $0x3D0800  }
0x1ee: {  	s16 =	smov.u32 s15;
	s17 =	sshra.s32 s15, $0x1F;
	s21 =	ssub.s32 $0x3D0900, s15  }
0x1ef: {  	s16 =	simm.s32 @!p1 $0x3D0800;
	s17 =	sand.u32 s17, s15;
	p1 =	sgt.s32 s21, $0x0  }
0x1f0: {  	s16 =	ssub.s32 s16, s17;
	s21 =	simm.s32 @!p1 $0x0  }
0x1f1: {  	s16 =	sadd.s32 $0xFFC2F800, s16;
	s29 =	smin.u32 s21, $0x1C0  }
0x1f2: {  	s18 =	sshll.u32 s16, $0x2;
	s17 =	sshll.u32 s29, $0x7  }
0x1f3: {  	p1 =	sgt.s32 s16, $0x1BF;
	s30 =	ssub.s32 $0x700, s18;
	_ =	swait.ge [sflag:s11], s17  }
0x1f4: {  	s17 =	ssub.s32 $0x0, s17;
	[sflag:s11] =	ssyncset.done $0x0;
	s16 =	sshrl.u32 s30, $0x2  }
0x1f5: {  	[sflag:s11] =	ssyncadd.s32 s17;
	s16 =	simm.s32 @p1 $0x0  }
0x1f6: {  	_ =	swait.ge [sflag:s11], s16  }
0x1f7: {  	s16 =	ssub.s32 $0x0, s16;
	[sflag:s11] =	ssyncset.done $0x0  }
0x1f8: {  	[sflag:s11] =	ssyncadd.s32 s16  }
0x1f9: {  	v1 =	vld [tilespmem:$0x3848];
	_ =	sdelay $0x4  }
0x1fa: {  	(v2sf) =	vpush v1, $0x0  }
0x1fb: {  	(v2sf) =	vpush v1, $0x1  }
0x1fc: {  	(v2sf) =	vpush v1, $0x2;
	_ =	sdelay $0x3  }
0x1fd: {  	s16 =	sadd.s32 $0x1C0, s15  }
0x1fe: {  	p1 =	slt.s32 s9, s16  }
0x1ff: {  	s16 =	smov.u32 @p1 s9  }
0x200: {  	s20 =	ssub.s32 s16, s15  }
0x201: {  	p1 =	slt.s32 s21, s20  }
0x202: {  	s20 =	smov.u32 @p1 s21  }
0x203: {  	s18 =	simm.s32 $0x1;
	p1 =	slt.s32 s20, $0x1  }
.Ltmp3:
0x204: {  	s18 =	simm.s32 @!p0 $0x0;
	(pc) =	sbr.rel @p1 .LBB2_6-.Ltmp3, $4  }
0x205: {  	s31 =	smul.u32 $0x700, s18  }
0x206: {  	s19 =	spop (v2sf)  }
0x207: {  	s15 =	sshrl.u32 s31, $0x2;
	s21 =	spop (v2sf)  }
0x208: {  	s16 =	sadd.s32 $0x3A88, s15;
	s15 =	spop (v2sf)  }
0x209: {  	s17 =	smin.u32 s20, $0x10  }
0x20a: {  	v1 =	vmov s17  }
0x20b: {  	p2 =	sgt.s32 s20, $0x10;
	vm1 =	vgt.u32 v1, v0  }
.Ltmp4:
0x20c: {  	_ = 	snop;
	(pc) =	sbr.rel @!p2 .LBB2_5-.Ltmp4, $2  }
0x20d: {  	_ =	sdelay $0x2  }
0x20e: {  	s22 =	simm.s32 $0x10;
	s23 =	sadd.s32 $0xFFFFFFF0, s20;
	s17 =	smov.u32 s16;
	vm0 =	vmmov vm1  }
.LBB2_4:
0x20f: {  	s24 =	smin.u32 s23, $0x10;
	s22 =	sadd.s32 $0x10, s22;
	v1 =	vld.msk [tilespmem:s17+$0x0 ss:$0x1], vm1  }
0x210: {  	v2 =	vmov s24;
	p2 =	slt.s32 s22, s20  }
0x211: {  	vm1 =	vgt.u32 v2, v0  }
.Ltmp5:
0x212: {  	(pc) =	sbr.rel @p2 .LBB2_4-.Ltmp5, $3  }
0x213: {  	_ =	sdelay $0x1  }
0x214: {  	v1 =	vshll.u32 v1, $0x4  }
0x215: {  	s23 =	sadd.s32 $0xFFFFFFF0, s23;
	[tilespmem:s17+$0x0] =	vst.msk vm0, v1;
	s17 =	sadd.s32 $0x10, s17;
	vm0 =	vmmov vm1  }
.LBB2_5:
0x216: {  	_ =	sdelay $0x4  }
0x217: {  	v1 =	vld.msk [tilespmem:s17+$0x0 ss:$0x1], vm1;
	_ =	sdelay $0x4  }
0x218: {  	v1 =	vshll.u32 v1, $0x4  }
0x219: {  	[tilespmem:s17+$0x0] =	vst.msk vm0, v1  }
.LBB2_6:
0x21a: {  	s17 =	sand.u32 $0x1, s14  }
0x21b: {  	s17 =	smul.u32 $0x1C0, s17  }
0x21c: {  	p2 =	sne.s32 s21, $0xFFFFFFFF  }
0x21d: {  	v1 =	vld.msk @!p2 [tilespmem:s17+$0x3A88], $0x1;
	_ =	sdelay $0x4  }
0x21e: {  	(v2sf) =	vpush @!p2 v1, $0x0;
	_ =	sdelay $0xc  }
.Ltmp6:
0x21f: {  	_ = 	snop;
	(pc) =	sbr.rel @p1 .LBB2_12-.Ltmp6, $4  }
0x220: {  	_ = 	snop  }
0x221: {  	s22 =	spop @!p2 (v2sf)  }
0x222: {  	s15 =	simm.s32 @!p2 $0x0;
	s17 =	smov.u32 s22  }
0x223: {  	[sflag:s12] =	ssyncpa.u1 $0x0;
	s22 =	smov.u32 @p2 s19;
	s17 =	smov.u32 @p2 s21  }
0x224: {  	v1 =	vld.msk [tilespmem:s16+$0x0], $0x1;
	_ =	sdelay $0x4  }
0x225: {  	(v2sf) =	vpush v1, $0x0;
	_ =	sdelay $0xe  }
0x226: {  	s24 =	spop (v2sf)  }
0x227: {  	p1 =	seq.s32 s22, s24  }
0x228: {  	p2 =	sgt.s32 @!p1 s22, $0x0  }
0x229: {  	s23 =	smov.u32 s22;
	s21 =	sadd.s32 $0xFFFFFFFF, s20;
	p2 =	por !p2, p1  }
0x22a: {  	s18 =	smul.u32 $0x38000, s18;
	s23 =	simm.s32 @p2 $0x0;
	p2 =	sne.s32 s21, $0x0  }
.Ltmp7:
0x22b: {  	_ = 	snop;
	(pc) =	sbr.rel @!p2 .LBB2_9-.Ltmp7, $4  }
0x22c: {  	s19 =	simm.s32 $0x0;
	s18 =	sshrl.u32 s18, $0x2  }
0x22d: {  	s18 =	sadd.s32 $0x3E08, s18;
	s25 =	simm.s32 @!p1 $0x1;
	s23 =	smin.u32 @!p1 s23, $0x3FFFFF  }
0x22e: {  	s26 =	simm.s32 @!p1 $0x1C38;
	s25 =	smov.u32 @p1 s19;
	s29 =	sand.u32 @!p1 $0x3FFFF8, s23  }
0x22f: {  	s28 =	sand.u32 @!p1 $0x7, s23;
	s23 =	sadd.s32 $0x1, s16;
	s29 =	sadd.s32 @!p1 s3, s29  }
.LBB2_8:
0x230: {  	s30 =	smov.u32 s25  }
0x231: {  	[tilespmem:s26], [sflag:$0x2] =	stream.linear.gather @!p1 [hbm4b:s29+s28], $0x3, $0x38;
	[tilespmem:$0x1FE08] =	vst v63  }
0x232: {  	s21 =	sadd.s32 $0xFFFFFFFF, s21;
	s28 =	smov.u32 s24;
	v1 =	vld.msk [tilespmem:s23+$0x0], $0x1  }
0x233: {  	p2 =	sne.s32 s21, $0x0;
	_ =	sdelay $0x3  }
0x234: {  	(v2sf) =	vpush v1, $0x0;
	_ =	sdelay $0xe  }
0x235: {  	s24 =	spop (v2sf)  }
0x236: {  	p1 =	seq.s32 s28, s24  }
0x237: {  	p3 =	sgt.s32 @!p1 s28, $0x0;
	s26 =	sshll.u32 @!p1 s25, $0x6;
	s25 =	sadd.s32 @!p1 $0x1, s25  }
.Ltmp8:
0x238: {  	p3 =	por !p3, p1;
	s26 =	sshra.s32 @!p1 s26, $0x2;
	(pc) =	sbr.rel @p2 .LBB2_8-.Ltmp8, $4  }
0x239: {  	s25 =	smov.u32 @p1 s30;
	s28 =	simm.s32 @p3 $0x0;
	s26 =	sadd.s32 @!p1 $0x1C38, s26  }
0x23a: {  	s28 =	smin.u32 @!p1 s28, $0x3FFFFF  }
0x23b: {  	s29 =	sand.u32 @!p1 $0x3FFFF8, s28;
	s28 =	sand.u32 @!p1 $0x7, s28  }
0x23c: {  	s23 =	sadd.s32 $0x1, s23;
	s29 =	sadd.s32 @!p1 s3, s29  }
.LBB2_9:
0x23d: {  	s21 =	smul.u32 $0xC, s25  }
0x23e: {  	[tilespmem:s26], [sflag:$0x2] =	stream.linear.gather @!p1 [hbm4b:s29+s28], $0x3, $0x38;
	[tilespmem:$0x1FE08] =	vst v63  }
0x23f: {  	s21 =	sshrl.u32 s21, $0x2  }
0x240: {  	_ =	swait.ge [sflag:s10], s21  }
0x241: {  	s21 =	ssub.s32 $0x0, s21;
	[sflag:s10] =	ssyncset.done $0x0  }
0x242: {  	[sflag:s10] =	ssyncadd.s32 s21  }
0x243: {  	v1 =	vld.msk [tilespmem:s16+$0x0], $0x1;
	_ =	sdelay $0x4  }
0x244: {  	(v2sf) =	vpush v1, $0x0;
	_ =	sdelay $0xe  }
0x245: {  	s21 =	spop (v2sf)  }
0x246: {  	p1 =	sne.s32 s22, s21  }
0x247: {  	p3 =	sne.s32 @p1 s22, s17  }
0x248: {  	p2 =	por !p3, !p1  }
0x249: {  	s23 =	simm.s32 @!p2 $0x0  }
0x24a: {  	v1 =	vld.msk @!p2 [tilespmem:s23+$0x1C38], $0x7  }
0x24b: {  	p4 =	sgt.u32 @!p2 s22, $0x3FFFFF  }
0x24c: {  	s24 =	sshll.u32 @!p2 s15, $0x6;
	p5 =	por @p1 p4, !p3  }
0x24d: {  	s24 =	sshra.s32 @!p2 s24, $0x2;
	p6 =	por p5, !p1;
	p5 =	por p3, !p1  }
0x24e: {  	s25 =	sadd.s32 @!p2 $0x28, s24;
	s26 =	sand.u32 @!p6 $0x3FFFF8, s22;
	s28 =	sshll.u32 @!p5 s15, $0x6  }
0x24f: {  	s22 =	sand.u32 @!p6 $0x7, s22;
	[tilespmem:s24+$0x28] =	vst.add.f32.msk @!p2 $0x7, v1;
	s24 =	sadd.s32 @!p6 s3, s26;
	s26 =	sshra.s32 @!p5 s28, $0x2  }
0x250: {  	[hbm4b:s24+s22] =	stream.linear.scatter @!p6 [tilespmem:s25], [sflag:$0xA], $0x3, $0x38;
	[tilespmem:$0x1FE08] =	vst v63  }
0x251: {  	s23 =	rddreg [dreg:$0x5];
	s22 =	sadd.s32 @!p5 $0x28, s26;
	s24 =	simm.s32 @!p5 $0x1  }
0x252: {  	[spmem:s23] =	stream.linear.scatter @!p5 [tilespmem:s22], [sflag:$0x1], $0x3, $0x38;
	[tilespmem:$0x1FE08] =	vst v63  }
0x253: {  	s22 =	sadd.s32 @p1 $0x1, s15;
	_ =	swait.ge @!p5 [sflag:s24], $0x3  }
0x254: {  	s23 =	sshrl.u32 @p1 s22, $0x6;
	[sflag:s24] =	ssyncset.done @!p5 $0x0  }
0x255: {  	s23 =	smulhi.u32 @p1 $0x24924925, s23;
	[sflag:s24] =	ssyncadd.s32 @!p5 $0xFFFFFFFD  }
0x256: {  	s20 =	sadd.s32 $0xFFFFFFFF, s20;
	v1 =	vld.msk @p1 [tilespmem:s18+$0x0], $0x7  }
0x257: {  	p4 =	por @p1 !p4, !p3;
	p3 =	sne.s32 s20, $0x0;
	s23 =	smul.u32 @p1 $0x1C0, s23  }
.Ltmp9:
0x258: {  	p4 =	por !p4, !p1;
	s24 =	simm.s32 @!p2 $0x0;
	(pc) =	sbr.rel @!p3 .LBB2_11-.Ltmp9, $4  }
0x259: {  	s25 =	sshll.u32 @!p1 s15, $0x6;
	s24 =	simm.s32 @!p4 $0xC;
	s22 =	ssub.s32 @p1 s22, s23  }
0x25a: {  	s26 =	simm.s32 @p1 $0x1;
	s24 =	sadd.s32 @!p2 $0x0, s24;
	s23 =	sshll.u32 @p1 s22, $0x4  }
0x25b: {  	s24 =	smov.u32 @p2 s19;
	s15 =	smov.u32 @p1 s22;
	s22 =	simm.s32 $0x0;
	[tilespmem:s23+$0x28] =	vst.msk @p1 $0x7, v1  }
0x25c: {  	s19 =	smov.u32 @p1 s26;
	s22 =	smov.u32 @p1 s24;
	s23 =	sshra.s32 @!p1 s25, $0x2;
	v1 =	vld.msk @!p1 [tilespmem:s18+$0x0], $0x7  }
.LBB2_10:
0x25d: {  	_ =	sdelay $0x3  }
0x25e: {  	s16 =	sadd.s32 $0x1, s16;
	[tilespmem:s23+$0x28] =	vst.add.f32.msk @!p1 $0x7, v1  }
0x25f: {  	v1 =	vld.msk [tilespmem:s16+$0x0], $0x1;
	_ =	sdelay $0x4  }
0x260: {  	(v2sf) =	vpush v1, $0x0;
	_ =	sdelay $0xe  }
0x261: {  	s24 =	smov.u32 s21;
	s21 =	spop (v2sf)  }
0x262: {  	p1 =	sne.s32 s24, s21  }
0x263: {  	p4 =	sne.s32 @p1 s24, s17  }
0x264: {  	p3 =	por !p4, !p1  }
0x265: {  	s29 =	sshll.u32 @!p3 s19, $0x6  }
0x266: {  	s29 =	sshra.s32 @!p3 s29, $0x2  }
0x267: {  	p5 =	sgt.u32 @!p3 s24, $0x3FFFFF;
	v1 =	vld.msk @!p3 [tilespmem:s29+$0x1C38], $0x7  }
0x268: {  	s30 =	sshll.u32 @!p3 s15, $0x6;
	p6 =	por @p1 p5, !p4;
	p5 =	por @p1 !p5, !p4  }
0x269: {  	s31 =	simm.s32 @!p3 $0x0;
	s30 =	sshra.s32 @!p3 s30, $0x2;
	p5 =	por !p5, !p1  }
0x26a: {  	p4 =	por p4, !p1;
	s31 =	simm.s32 @!p5 $0xC;
	p5 =	por p6, !p1  }
0x26b: {  	s29 =	sadd.s32 @!p3 $0x28, s30;
	s2 =	sshll.u32 @!p4 s15, $0x6;
	s1 =	sand.u32 @!p5 $0x3FFFF8, s24  }
0x26c: {  	s2 =	sshra.s32 @!p4 s2, $0x2;
	s24 =	sand.u32 @!p5 $0x7, s24;
	s1 =	sadd.s32 @!p5 s3, s1;
	[tilespmem:s30+$0x28] =	vst.add.f32.msk @!p3 $0x7, v1  }
0x26d: {  	[hbm4b:s1+s24] =	stream.linear.scatter @!p5 [tilespmem:s29], [sflag:$0xA], $0x3, $0x38;
	[tilespmem:$0x1FE08] =	vst v63  }
0x26e: {  	s25 =	rddreg [dreg:$0x5];
	s1 =	sadd.s32 @!p4 $0x28, s2;
	s2 =	simm.s32 @!p4 $0x1  }
0x26f: {  	[spmem:s25] =	stream.linear.scatter @!p4 [tilespmem:s1], [sflag:$0x1], $0x3, $0x38;
	[tilespmem:$0x1FE08] =	vst v63  }
0x270: {  	s26 =	sadd.s32 @p1 $0x1, s15;
	_ =	swait.ge @!p4 [sflag:s2], $0x3  }
0x271: {  	s28 =	sshrl.u32 @p1 s26, $0x6;
	[sflag:s2] =	ssyncset.done @!p4 $0x0  }
0x272: {  	s18 =	sadd.s32 $0x80, s18;
	s28 =	smulhi.u32 @p1 $0x24924925, s28;
	[sflag:s2] =	ssyncadd.s32 @!p4 $0xFFFFFFFD  }
0x273: {  	s20 =	sadd.s32 $0xFFFFFFFF, s20;
	v1 =	vld.msk @p1 [tilespmem:s18+$0x0], $0x7  }
0x274: {  	p2 =	sne.s32 s20, $0x0;
	s28 =	smul.u32 @p1 $0x1C0, s28  }
.Ltmp10:
0x275: {  	_ = 	snop;
	(pc) =	sbr.rel @p2 .LBB2_10-.Ltmp10, $4  }
0x276: {  	s26 =	ssub.s32 @p1 s26, s28  }
0x277: {  	s23 =	sshll.u32 @!p1 s15, $0x6;
	s31 =	sadd.s32 @!p3 s31, s22;
	s24 =	sshll.u32 @p1 s26, $0x4  }
0x278: {  	s0 =	sadd.s32 @p1 $0x1, s19;
	s23 =	sshra.s32 @!p1 s23, $0x2;
	s31 =	smov.u32 @p3 s22;
	[tilespmem:s24+$0x28] =	vst.msk @p1 $0x7, v1  }
0x279: {  	s19 =	smov.u32 @p1 s0;
	s15 =	smov.u32 @p1 s26;
	s22 =	smov.u32 @p1 s31;
	v1 =	vld.msk @!p1 [tilespmem:s18+$0x0], $0x7  }
.LBB2_11:
.Ltmp11:
0x27a: {  	_ = 	snop;
	(pc) =	sbr.rel .LBB2_13-.Ltmp11, $2  }
0x27b: {  	_ =	sdelay $0x2  }
0x27c: {  	s16 =	sshrl.u32 s22, $0x2;
	s22 =	smov.u32 s21;
	[tilespmem:s23+$0x28] =	vst.add.f32.msk @!p1 $0x7, v1  }
.LBB2_15:
0x27d: {  	_ =	sfence.sel $0x180000  }
0x27e: {  	s0 =	simm.s32 $0x9;
	[bflag:$0x0] =	sbarrier.arrive $0xFFFF  }
0x27f: {  	s26 =	simm.s32 $0x2;
	[sflag:s0] =	ssyncpa.u1 $0x1  }
0x280: {  	[sflag:s26] =	ssyncpa.u1 $0x1  }
0x281: {  	v0 =	vld [tilespmem:$0x3848];
	_ =	sdelay $0x4  }
0x282: {  	(v2sf) =	vpush v0, $0x0  }
0x283: {  	(v2sf) =	vpush v0, $0x1;
	_ =	sdelay $0x1  }
0x284: {  	(v2sf) =	vpush v0, $0x2;
	_ =	sdelay $0xb  }
0x285: {  	s0 =	spop (v2sf)  }
0x286: {  	s1 =	spop (v2sf)  }
0x287: {  	s2 =	smov.u32 s0;
	p0 =	sne.s32 s0, s1  }
0x288: {  	s4 =	spop (v2sf);
	s2 =	simm.s32 @!p0 $0xFFFFFFFF  }
0x289: {  	v2 =	vimm.s32 $0x1;
	v3 =	vlaneseq.u32;
	p0 =	seq.s32 s4, $0xFFFFFFFF;
	v1 =	vmov s2  }
0x28a: {  	v0 =	vperm.xlane v0, v2;
	p1 =	sne.s32 @!p0 s0, s1;
	v1 =	vperm.xlane v1, v3  }
0x28b: {  	vm0 =	vcmask $0x3F04;
	s7 =	simm.s32 $0x3848;
	s0 =	simm.s32 @!p0 $0x1;
	p1 =	por !p1, p0  }
0x28c: {  	s2 =	sshll.u32 s5, $0x1;
	s1 =	sshll.u32 @!p0 s4, $0x6;
	s0 =	simm.s32 @p1 $0x0;
	v0 =	vsel vm0, v1, v0  }
0x28d: {  	s6 =	sor.u32 $0x200, s2;
	s1 =	sshra.s32 @!p0 s1, $0x2;
	s0 =	sor.u32 @!p0 s0, s2;
	[tilespmem:$0x3848] =	vst v0  }
0x28e: {  	[spmem:s6] =	stream.linear.scatter [tilespmem:s7], [sflag:$0x1], $0x2, $0x38;
	[tilespmem:$0x1FE08] =	vst v63  }
0x28f: {  	s1 =	sadd.s32 @!p0 $0x28, s1;
	s0 =	sshll.u32 @!p0 s0, $0x4  }
0x290: {  	[spmem:s0] =	stream.linear.scatter @!p0 [tilespmem:s1], [sflag:$0x1], $0x10, $0x38;
	[tilespmem:$0x1FE08] =	vst v63  }
0x291: {  	s0 =	simm.s32 @!p0 $0x12  }
0x292: {  	s28 =	simm.s32 $0x1;
	s0 =	simm.s32 @p0 $0x2  }
0x293: {  	_ =	swait.ge [sflag:s28], s0  }
0x294: {  	s0 =	ssub.s32 $0x0, s0;
	[sflag:s28] =	ssyncset.done $0x0  }
0x295: {  	[sflag:s28] =	ssyncadd.s32 s0  }
0x296: {  	p0 =	sne.s32 s5, $0x0;
	_ =	sfence.stream.spmem  }
.Ltmp12:
0x297: {  	s29 =	simm.s32 $0x3;
	[bflag:$0x0] =	sbarrier.arrive $0xFFFF;
	(pc) =	sbr.rel @p0 .LBB2_32-.Ltmp12, $4  }
0x298: {  	s30 =	simm.s32 $0x4;
	[sflag:s29] =	ssyncpa.u1 $0x1  }
0x299: {  	[sflag:s30] =	ssyncpa.u1 $0x1  }
0x29a: {  	s31 =	simm.s32 $0x3C;
	s16 =	rddreg [dreg:$0x2]  }
0x29b: {  	[sflag:s31] =	ssyncpa.u1 $0x1;
	s4 =	sand.u32 $0x1, s16  }
0x29c: {  	_ =	sfence.stream.spmem;
	s0 =	simm.s32 $0x5  }
0x29d: {  	s1 =	simm.s32 $0x200;
	s2 =	simm.s32 $0x3858;
	[sflag:s0] =	ssyncpa.u1 $0x0  }
0x29e: {  	[tilespmem:s2], [sflag:$0x5] =	stream.linear.gather [spmem:s1], $0x20, $0x38;
	[tilespmem:$0x1FE08] =	vst v63  }
0x29f: {  	s26 =	simm.s32 $0x0;
	s28 =	simm.s32 $0x3878  }
0x2a0: {  	[tilespmem:s28], [sflag:$0x5] =	stream.linear.gather [spmem:s26], $0x200, $0x38;
	[tilespmem:$0x1FE08] =	vst v63  }
0x2a1: {  	_ =	swait.ge [sflag:s0], $0x220  }
0x2a2: {  	[sflag:s0] =	ssyncset.done $0x0  }
0x2a3: {  	s29 =	simm.s32 $0x0;
	[sflag:s0] =	ssyncadd.s32 $0xFFFFFDE0  }
0x2a4: {  	v0 =	vld.msk [tilespmem:s29+$0x3858], $0x1;
	_ =	sdelay $0x1  }
0x2a5: {  	s30 =	simm.s32 $0x1  }
0x2a6: {  	v1 =	vld.msk [tilespmem:s30+$0x3858], $0x1;
	_ =	sdelay $0x1  }
0x2a7: {  	(v2sf) =	vpush v0, $0x0;
	_ =	sdelay $0x2  }
0x2a8: {  	(v2sf) =	vpush v1, $0x0;
	_ =	sdelay $0x2  }
0x2a9: {  	s31 =	simm.s32 $0x2  }
0x2aa: {  	v0 =	vld.msk [tilespmem:s31+$0x3858], $0x1;
	_ =	sdelay $0x2  }
0x2ab: {  	s7 =	simm.s32 $0xFFFFFFFF;
	s6 =	simm.s32 $0xC;
	s8 =	simm.s32 $0xFFFFFFFF  }
.LBB2_17:
0x2ac: {  	s0 =	smov.u32 s8;
	s1 =	smov.u32 s7  }
0x2ad: {  	s2 =	sshra.s32 s6, $0x2;
	p1 =	sne.s32 s6, $0x7C;
	s6 =	sadd.s32 $0x4, s6;
	(v2sf) =	vpush v0, $0x0  }
0x2ae: {  	v0 =	vld.msk [tilespmem:s2+$0x3858], $0x1  }
.Ltmp13:
0x2af: {  	(pc) =	sbr.rel @p1 .LBB2_17-.Ltmp13, $4  }
0x2b0: {  	s8 =	spop (v2sf)  }
0x2b1: {  	p2 =	sne.s32 s7, $0xFFFFFFFF;
	s7 =	smov.u32 s8  }
0x2b2: {  	p3 =	seq.s32 s8, $0xFFFFFFFF;
	s7 =	smov.u32 @p2 s1  }
0x2b3: {  	s8 =	smov.u32 @p3 s0;
	s7 =	smov.u32 @p3 s1  }
0x2b4: {  	(v2sf) =	vpush v0, $0x0;
	_ =	sdelay $0x8  }
0x2b5: {  	s0 =	spop (v2sf)  }
0x2b6: {  	p1 =	sne.s32 s7, $0xFFFFFFFF;
	s1 =	smov.u32 s0  }
0x2b7: {  	s9 =	simm.s32 $0x6;
	p2 =	seq.s32 s0, $0xFFFFFFFF;
	s1 =	smov.u32 @p1 s7  }
0x2b8: {  	s10 =	simm.s32 $0x3838;
	s1 =	smov.u32 @p2 s7;
	s2 =	spop (v2sf)  }
0x2b9: {  	s0 =	smov.u32 @p2 s8;
	p1 =	sne.s32 s1, $0xFFFFFFFF;
	s6 =	smov.u32 s2  }
.Ltmp14:
0x2ba: {  	p2 =	seq.s32 s2, $0xFFFFFFFF;
	s6 =	smov.u32 @p1 s1;
	(pc) =	sbr.rel .LBB2_19-.Ltmp14, $4  }
0x2bb: {  	s11 =	simm.s32 $0x0;
	s6 =	smov.u32 @p2 s1;
	s7 =	spop (v2sf)  }
0x2bc: {  	[sflag:s9] =	ssyncpa.u1 $0x0;
	p1 =	sne.s32 s6, $0xFFFFFFFF;
	s8 =	smov.u32 s7  }
0x2bd: {  	s2 =	smov.u32 @p2 s0;
	p2 =	seq.s32 s7, $0xFFFFFFFF;
	s8 =	smov.u32 @p1 s6  }
0x2be: {  	s7 =	smov.u32 @p2 s2;
	s8 =	smov.u32 @p2 s6;
	s6 =	simm.s32 $0x0  }
.LBB2_24:
0x2bf: {  	p1 =	sgt.u32 s12, $0x3FFFFF  }
0x2c0: {  	p2 =	seq.s32 @!p1 s12, s8  }
0x2c1: {  	p1 =	por p1, p2  }
0x2c2: {  	p2 =	sne.s32 @!p1 s12, s7  }
0x2c3: {  	p1 =	por p1, !p2  }
0x2c4: {  	s12 =	sshll.u32 @p1 s11, $0x6  }
0x2c5: {  	s0 =	sand.u32 @!p1 $0x3FFFF8, s12  }
0x2c6: {  	s1 =	sand.u32 @!p1 $0x7, s12;
	s0 =	sadd.s32 @!p1 s3, s0  }
0x2c7: {  	[tilespmem:s10], [sflag:$0x6] =	stream.linear.gather @!p1 [hbm4b:s0+s1], $0x3, $0x38;
	[tilespmem:$0x1FE08] =	vst v63  }
0x2c8: {  	_ =	swait.ge @!p1 [sflag:s9], $0x3  }
0x2c9: {  	[sflag:s9] =	ssyncset.done @!p1 $0x0  }
0x2ca: {  	[sflag:s9] =	ssyncadd.s32 @!p1 $0xFFFFFFFD  }
0x2cb: {  	v1 =	vld @!p1 [tilespmem:$0x3838];
	_ =	sdelay $0x2  }
0x2cc: {  	s12 =	sshll.u32 @!p1 s11, $0x6  }
0x2cd: {  	s0 =	sshrl.u32 @!p1 s12, $0x2  }
0x2ce: {  	[tilespmem:s0+$0x3878] =	vst.add.f32.msk @!p1 $0xffff, v1  }
0x2cf: {  	s30 =	sshrl.u32 s12, $0x2;
	[tilespmem:s6+$0x3858] =	vst.msk $0x1, v0  }
0x2d0: {  	v0 =	vld [tilespmem:s30+$0x3878];
	_ =	sdelay $0x2  }
0x2d1: {  	s31 =	sshll.u32 s6, $0x6  }
0x2d2: {  	s0 =	sshra.s32 s31, $0x2  }
0x2d3: {  	s6 =	sadd.s32 $0x1, s6;
	[tilespmem:s0+$0x3878] =	vst v0  }
.LBB2_26:
0x2d4: {  	s11 =	sadd.s32 $0x1, s11  }
0x2d5: {  	p1 =	sne.s32 s11, $0x20  }
.Ltmp15:
0x2d6: {  	_ = 	snop;
	(pc) =	sbr.rel @!p1 .LBB2_27-.Ltmp15, $1  }
0x2d7: {  	_ =	sdelay $0x3  }
.LBB2_19:
0x2d8: {  	v0 =	vld.msk [tilespmem:s11+$0x3858], $0x1;
	_ =	sdelay $0x4  }
0x2d9: {  	(v2sf) =	vpush v0, $0x0;
	_ =	sdelay $0xe  }
0x2da: {  	s12 =	spop (v2sf)  }
0x2db: {  	p1 =	seq.s32 s12, $0xFFFFFFFF  }
.Ltmp16:
0x2dc: {  	_ = 	snop;
	(pc) =	sbr.rel @p1 .LBB2_26-.Ltmp16, $1  }
0x2dd: {  	_ =	sdelay $0x3  }
0x2de: {  	p1 =	slt.s32 s6, $0x1  }
.Ltmp17:
0x2df: {  	_ = 	snop;
	(pc) =	sbr.rel @p1 .LBB2_24-.Ltmp17, $1  }
0x2e0: {  	_ =	sdelay $0x3  }
0x2e1: {  	s13 =	simm.s32 $0x3858;
	p1 =	por $0x0, $0x0  }
0x2e2: {  	v1 =	vld.msk @!p1 [tilespmem:s13+$0x0], $0x1;
	_ =	sdelay $0x4  }
0x2e3: {  	(v2sf) =	vpush @!p1 v1, $0x0;
	_ =	sdelay $0xd  }
0x2e4: {  	p3 =	sne.s32 s6, $0x1  }
.Ltmp18:
0x2e5: {  	s0 =	spop @!p1 (v2sf);
	(pc) =	sbr.rel @!p3 .LBB2_23-.Ltmp18, $4  }
0x2e6: {  	p2 =	seq.s32 @!p1 s12, s0  }
0x2e7: {  	s14 =	simm.s32 $0x0;
	p2 =	por !p2, p1  }
0x2e8: {  	s0 =	simm.s32 $0xFFFFFFFF;
	s14 =	simm.s32 @p2 $0xFFFFFFFF  }
0x2e9: {  	s15 =	simm.s32 $0x1;
	s14 =	smov.u32 @p1 s0  }
.LBB2_22:
0x2ea: {  	s0 =	smov.u32 s14;
	p1 =	sne.s32 s14, $0xFFFFFFFF  }
0x2eb: {  	s13 =	sadd.s32 $0x1, s13;
	s14 =	smov.u32 s15;
	s15 =	sadd.s32 $0x1, s15  }
0x2ec: {  	p2 =	sne.s32 s6, s15;
	v1 =	vld.msk @!p1 [tilespmem:s13+$0x0], $0x1;
	_ =	sdelay $0x4  }
0x2ed: {  	(v2sf) =	vpush @!p1 v1, $0x0;
	_ =	sdelay $0xe  }
.Ltmp19:
0x2ee: {  	s1 =	spop @!p1 (v2sf);
	(pc) =	sbr.rel @p2 .LBB2_22-.Ltmp19, $4  }
0x2ef: {  	p3 =	seq.s32 @!p1 s12, s1  }
0x2f0: {  	p3 =	por !p3, p1  }
0x2f1: {  	s14 =	simm.s32 @p3 $0xFFFFFFFF  }
0x2f2: {  	s14 =	smov.u32 @p1 s0  }
.LBB2_23:
0x2f3: {  	p1 =	sne.s32 s14, $0xFFFFFFFF  }
.Ltmp20:
0x2f4: {  	_ = 	snop;
	(pc) =	sbr.rel @!p1 .LBB2_24-.Ltmp20, $1  }
0x2f5: {  	_ =	sdelay $0x3  }
0x2f6: {  	s0 =	sshll.u32 s11, $0x4  }
0x2f7: {  	s0 =	sand.u32 $0x3FFFFFF0, s0  }
0x2f8: {  	v0 =	vld [tilespmem:s0+$0x3878]  }
.Ltmp21:
0x2f9: {  	_ = 	snop;
	(pc) =	sbr.rel .LBB2_26-.Ltmp21, $4  }
0x2fa: {  	_ = 	snop  }
0x2fb: {  	s31 =	sshll.u32 s14, $0x6  }
0x2fc: {  	s0 =	sshra.s32 s31, $0x2  }
0x2fd: {  	[tilespmem:s0+$0x3878] =	vst.add.f32.msk $0xffff, v0  }
.LBB2_27:
0x2fe: {  	s0 =	simm.s32 $0x6;
	p1 =	seq.s32 s6, $0x0  }
0x2ff: {  	[sflag:s0] =	ssyncpa.u1 $0x1;
	v0 =	vimm.s32 @p1 $0xFFFFFFFF  }
0x300: {  	s9 =	sadd.s32 $0xFFFFFFFF, s6;
	[tilespmem:$0x3A78] =	vst @p1 v0  }
0x301: {  	v0 =	vld.msk @!p1 [tilespmem:s9+$0x3858], $0x1;
	_ =	sdelay $0x1  }
0x302: {  	v1 =	vld.msk @!p1 [tilespmem:$0x3858], $0x1;
	_ =	sdelay $0x2  }
0x303: {  	p2 =	seq.s32 @!p1 s9, $0x0;
	v0 =	vbroadcast @!p1 v0, $0x0  }
0x304: {  	vm0 =	vmmov @!p1 $0x1;
	p2 =	por !p2, p1  }
0x305: {  	v1 =	vnsel @!p1 vm0, $0xFFFFFFFF, v1;
	vm0 =	vcmask @!p1 $0x308;
	v0 =	vpsel !p2, $0xFFFFFFFF, v0  }
0x306: {  	p2 =	sne.s32 @!p1 s8, s7;
	v0 =	vsel @!p1 vm0, v1, v0  }
0x307: {  	s0 =	simm.s32 @!p1 $0x3878;
	s1 =	simm.s32 @!p1 $0x0;
	p3 =	por !p2, p1;
	[tilespmem:$0x3A78] =	vst @!p1 v0  }
0x308: {  	[spmem:s1] =	stream.linear.scatter @!p1 [tilespmem:s0], [sflag:$0x1], $0x10, $0x38;
	[tilespmem:$0x1FE08] =	vst v63  }
0x309: {  	s0 =	sshll.u32 @!p3 s9, $0x6  }
0x30a: {  	s0 =	sshra.s32 @!p3 s0, $0x2  }
0x30b: {  	s1 =	simm.s32 @!p3 $0x10;
	s0 =	sadd.s32 @!p3 $0x3878, s0  }
0x30c: {  	[spmem:s1] =	stream.linear.scatter @!p3 [tilespmem:s0], [sflag:$0x1], $0x10, $0x38;
	[tilespmem:$0x1FE08] =	vst v63  }
0x30d: {  	s0 =	simm.s32 @!p3 $0x1  }
0x30e: {  	_ =	swait.ge @!p3 [sflag:s0], $0x20  }
0x30f: {  	p1 =	por p2, p1;
	[sflag:s0] =	ssyncset.done @!p3 $0x0  }
0x310: {  	[sflag:s0] =	ssyncadd.s32 @!p3 $0xFFFFFFE0;
	s0 =	simm.s32 @!p1 $0x1  }
0x311: {  	_ =	swait.ge @!p1 [sflag:s0], $0x10  }
0x312: {  	s29 =	simm.s32 $0x3A78;
	[sflag:s0] =	ssyncset.done @!p1 $0x0  }
0x313: {  	s30 =	simm.s32 $0x200;
	s31 =	simm.s32 $0x1;
	[sflag:s0] =	ssyncadd.s32 @!p1 $0xFFFFFFF0  }
0x314: {  	[spmem:s30] =	stream.linear.scatter [tilespmem:s29], [sflag:$0x1], $0x10, $0x38;
	[tilespmem:$0x1FE08] =	vst v63  }
0x315: {  	_ =	swait.ge [sflag:s31], $0x10  }
0x316: {  	[sflag:s31] =	ssyncset.done $0x0  }
0x317: {  	p1 =	seq.s32 s4, $0x0;
	[sflag:s31] =	ssyncadd.s32 $0xFFFFFFF0  }
0x318: {  	s1 =	sshll.u32 @p1 s16, $0xE;
	s10 =	rddreg [dreg:$0x3]  }
0x319: {  	s0 =	sadd.s32 @p1 $0x15C3C, s1;
	s1 =	sshll.u32 @p1 s10, $0x11  }
0x31a: {  	_ =	sfence.stream.spmem;
	s0 =	sor.u32 @p1 s1, s0  }
0x31b: {  	[sflag:s0] =	ssyncadd.remote.s32 @p1 $0x1;
	s0 =	simm.s32 @p1 $0x4  }
0x31c: {  	s2 =	simm.s32 @!p1 $0x3C;
	s1 =	sand.u32 $0xFFFFFFFE, s16;
	_ =	swait.ge @p1 [sflag:s0], $0x6  }
0x31d: {  	s7 =	simm.s32 @!p1 $0x0;
	s1 =	sadd.s32 @!p1 $0x4, s1;
	[sflag:s0] =	ssyncset.done @p1 $0x0  }
0x31e: {  	s8 =	simm.s32 @!p1 $0x20;
	[sflag:s0] =	ssyncadd.s32 @p1 $0xFFFFFFFA;
	s0 =	sshll.u32 @!p1 s1, $0x1A  }
0x31f: {  	s1 =	sshll.u32 @!p1 s1, $0xD;
	s0 =	sor.u32 @!p1 s0, s10;
	_ =	swait.eq @!p1 [sflag:s2], $0x1  }
0x320: {  	s1 =	sor.u32 @!p1 $0x1C04, s1;
	s2 =	simm.s32 @!p1 $0x1C03;
	s0 =	sor.u32 @!p1 $0x80004000, s0  }
0x321: {  	[spmem:s8], [sflag:s1] =	dma.general @!p1 [spmem:s7], [sflag:s2], length:$0x4, [dreg:$0x0], stride_count:$0x0, ici_dest:s0, dma_misc:DstOpCode:WRITE  }
0x322: {  	p2 =	slt.s32 s9, $0x2;
	s7 =	simm.s32 @!p1 $0x40;
	s8 =	simm.s32 @!p1 $0x42  }
0x323: {  	[spmem:s8], [sflag:s1] =	dma.general @!p1 [spmem:s7], [sflag:s2], length:$0x2, [dreg:$0x0], stride_count:$0x0, ici_dest:s0, dma_misc:DstOpCode:WRITE  }
.Ltmp22:
0x324: {  	s0 =	simm.s32 @!p1 $0x3;
	(pc) =	sbr.rel @p2 .LBB2_31-.Ltmp22, $4  }
0x325: {  	s1 =	sshll.u32 @!p1 s16, $0xE;
	_ =	swait.ge @!p1 [sflag:s0], $0x6  }
0x326: {  	s2 =	sshll.u32 @!p1 s10, $0x11;
	s1 =	sadd.s32 @!p1 $0x11C3C, s1;
	[sflag:s0] =	ssyncset.done @!p1 $0x0  }
0x327: {  	[sflag:s0] =	ssyncadd.s32 @!p1 $0xFFFFFFFA;
	s0 =	sor.u32 @!p1 s2, s1  }
0x328: {  	s1 =	simm.s32 $0x0;
	[sflag:s0] =	ssyncadd.remote.s32 @!p1 $0xFFFFFFFF  }
0x329: {  	s0 =	simm.s32 $0x3859  }
0x32a: {  	v0 =	vld.msk [tilespmem:s0+$0x0], $0x1;
	_ =	sdelay $0x4  }
0x32b: {  	(v2sf) =	vpush v0, $0x0;
	_ =	sdelay $0xc  }
0x32c: {  	s2 =	sadd.s32 $0xFFFFFFFE, s6  }
0x32d: {  	s2 =	sadd.s32 $0xFFFFFFFF, s2  }
0x32e: {  	p2 =	sne.s32 s2, $0x0;
	s0 =	spop (v2sf)  }
.Ltmp23:
0x32f: {  	p1 =	sgt.u32 s0, $0x3FFFFF;
	(pc) =	sbr.rel @!p2 .LBB2_30-.Ltmp23, $4  }
0x330: {  	s1 =	simm.s32 $0x3888;
	s6 =	sand.u32 @!p1 $0x3FFFF8, s0  }
0x331: {  	s8 =	simm.s32 $0x0;
	s0 =	sand.u32 @!p1 $0x7, s0;
	s6 =	sadd.s32 @!p1 s3, s6  }
0x332: {  	[hbm4b:s6+s0] =	stream.linear.scatter @!p1 [tilespmem:s1], [sflag:$0x5], $0x3, $0x38;
	[tilespmem:$0x1FE08] =	vst v63  }
0x333: {  	s7 =	simm.s32 $0x385A;
	s8 =	simm.s32 @!p1 $0xC;
	s6 =	simm.s32 $0x0  }
.LBB2_29:
0x334: {  	v0 =	vld.msk [tilespmem:s7+$0x0], $0x1;
	s2 =	sadd.s32 $0xFFFFFFFF, s2;
	s6 =	sadd.s32 s6, s8  }
0x335: {  	p1 =	sne.s32 s2, $0x0;
	_ =	sdelay $0x3  }
0x336: {  	(v2sf) =	vpush v0, $0x0;
	_ =	sdelay $0xe  }
.Ltmp24:
0x337: {  	s0 =	spop (v2sf);
	(pc) =	sbr.rel @p1 .LBB2_29-.Ltmp24, $4  }
0x338: {  	s8 =	simm.s32 $0x0;
	p2 =	sgt.u32 s0, $0x3FFFFF  }
0x339: {  	s1 =	sadd.s32 $0x10, s1;
	s8 =	simm.s32 @!p2 $0xC;
	s9 =	sand.u32 @!p2 $0x3FFFF8, s0  }
0x33a: {  	s7 =	sadd.s32 $0x1, s7;
	s0 =	sand.u32 @!p2 $0x7, s0;
	s9 =	sadd.s32 @!p2 s3, s9  }
0x33b: {  	[hbm4b:s9+s0] =	stream.linear.scatter @!p2 [tilespmem:s1], [sflag:$0x5], $0x3, $0x38;
	[tilespmem:$0x1FE08] =	vst v63  }
.LBB2_30:
0x33c: {  	s0 =	sadd.s32 s6, s8  }
0x33d: {  	s1 =	sshrl.u32 s0, $0x2  }
.LBB2_31:
0x33e: {  	s0 =	simm.s32 $0x5  }
0x33f: {  	_ =	swait.ge [sflag:s0], s1  }
0x340: {  	s31 =	ssub.s32 $0x0, s1;
	[sflag:s0] =	ssyncset.done $0x0  }
0x341: {  	[sflag:s0] =	ssyncadd.s32 s31  }
0x342: {  	[sflag:s0] =	ssyncpa.u1 $0x1  }
.LBB2_32:
0x343: {  	s0 =	sor.u32 s4, s5  }
0x344: {  	p1 =	sne.s32 s0, $0x0  }
.Ltmp25:
0x345: {  	_ = 	snop;
	(pc) =	sbr.rel @p1 .LBB2_47-.Ltmp25, $3  }
0x346: {  	_ =	sdelay $0x1  }
0x347: {  	[bflag:$0x0] =	sbarrier.arrive $0xFFFF  }
0x348: {  	_ =	sfence  }
0x349: {  	s0 =	simm.s32 $0x7  }
0x34a: {  	s1 =	simm.s32 $0x200;
	s2 =	simm.s32 $0x3858;
	[sflag:s0] =	ssyncpa.u1 $0x0  }
0x34b: {  	[tilespmem:s2], [sflag:$0x7] =	stream.linear.gather [spmem:s1], $0x20, $0x38;
	[tilespmem:$0x1FE08] =	vst v63  }
0x34c: {  	s30 =	simm.s32 $0x3878;
	s1 =	simm.s32 $0x0  }
0x34d: {  	[tilespmem:s30], [sflag:$0x7] =	stream.linear.gather [spmem:s1], $0x200, $0x38;
	[tilespmem:$0x1FE08] =	vst v63  }
.Ltmp26:
0x34e: {  	_ = 	snop;
	(pc) =	sbr.rel .LBB2_34-.Ltmp26, $4  }
0x34f: {  	_ =	swait.ge [sflag:s0], $0x220  }
0x350: {  	[sflag:s0] =	ssyncset.done $0x0  }
0x351: {  	s31 =	simm.s32 $0x8;
	[sflag:s0] =	ssyncadd.s32 $0xFFFFFDE0  }
0x352: {  	s2 =	simm.s32 $0x0;
	[sflag:s31] =	ssyncpa.u1 $0x0  }
.LBB2_39:
0x353: {  	p1 =	slt.u32 s4, $0x400000  }
0x354: {  	s0 =	sand.u32 @p1 $0x3FFFF8, s4  }
0x355: {  	s4 =	sand.u32 @p1 $0x7, s4;
	s5 =	simm.s32 @p1 $0x3838;
	s0 =	sadd.s32 @p1 s3, s0  }
0x356: {  	[tilespmem:s5], [sflag:$0x8] =	stream.linear.gather @p1 [hbm4b:s0+s4], $0x3, $0x38;
	[tilespmem:$0x1FE08] =	vst v63  }
0x357: {  	s0 =	simm.s32 @p1 $0x8  }
0x358: {  	_ =	swait.ge @p1 [sflag:s0], $0x3  }
0x359: {  	[sflag:s0] =	ssyncset.done @p1 $0x0  }
0x35a: {  	[sflag:s0] =	ssyncadd.s32 @p1 $0xFFFFFFFD  }
0x35b: {  	v1 =	vld @p1 [tilespmem:$0x3838];
	_ =	sdelay $0x2  }
0x35c: {  	s0 =	sshll.u32 @p1 s2, $0x6  }
0x35d: {  	s5 =	sshll.u32 @!p1 s2, $0x6;
	s4 =	sshrl.u32 @p1 s0, $0x2  }
0x35e: {  	s5 =	smov.u32 @p1 s0;
	[tilespmem:s4+$0x3878] =	vst.add.f32.msk @p1 $0xffff, v1  }
0x35f: {  	s0 =	sshrl.u32 s5, $0x2;
	[tilespmem:s1+$0x3858] =	vst.msk $0x1, v0  }
0x360: {  	v0 =	vld [tilespmem:s0+$0x3878];
	_ =	sdelay $0x2  }
0x361: {  	s31 =	sshll.u32 s1, $0x6  }
0x362: {  	s0 =	sshra.s32 s31, $0x2  }
0x363: {  	s1 =	sadd.s32 $0x1, s1;
	[tilespmem:s0+$0x3878] =	vst v0  }
.LBB2_41:
0x364: {  	s2 =	sadd.s32 $0x1, s2  }
0x365: {  	p1 =	sne.s32 s2, $0x20  }
.Ltmp27:
0x366: {  	_ = 	snop;
	(pc) =	sbr.rel @!p1 .LBB2_42-.Ltmp27, $1  }
0x367: {  	_ =	sdelay $0x3  }
.LBB2_34:
0x368: {  	v0 =	vld.msk [tilespmem:s2+$0x3858], $0x1;
	_ =	sdelay $0x4  }
0x369: {  	(v2sf) =	vpush v0, $0x0;
	_ =	sdelay $0xe  }
0x36a: {  	s4 =	spop (v2sf)  }
0x36b: {  	p1 =	seq.s32 s4, $0xFFFFFFFF  }
.Ltmp28:
0x36c: {  	_ = 	snop;
	(pc) =	sbr.rel @p1 .LBB2_41-.Ltmp28, $1  }
0x36d: {  	_ =	sdelay $0x3  }
0x36e: {  	p1 =	slt.s32 s1, $0x1  }
.Ltmp29:
0x36f: {  	_ = 	snop;
	(pc) =	sbr.rel @p1 .LBB2_39-.Ltmp29, $1  }
0x370: {  	_ =	sdelay $0x3  }
0x371: {  	s5 =	simm.s32 $0x3858;
	p1 =	por $0x0, $0x0  }
0x372: {  	v1 =	vld.msk @!p1 [tilespmem:s5+$0x0], $0x1;
	_ =	sdelay $0x4  }
0x373: {  	(v2sf) =	vpush @!p1 v1, $0x0;
	_ =	sdelay $0xd  }
0x374: {  	p3 =	sne.s32 s1, $0x1  }
.Ltmp30:
0x375: {  	s0 =	spop @!p1 (v2sf);
	(pc) =	sbr.rel @!p3 .LBB2_38-.Ltmp30, $4  }
0x376: {  	p2 =	seq.s32 @!p1 s4, s0  }
0x377: {  	s6 =	simm.s32 $0x0;
	p2 =	por !p2, p1  }
0x378: {  	s0 =	simm.s32 $0xFFFFFFFF;
	s6 =	simm.s32 @p2 $0xFFFFFFFF  }
0x379: {  	s7 =	simm.s32 $0x1;
	s6 =	smov.u32 @p1 s0  }
.LBB2_37:
0x37a: {  	s0 =	smov.u32 s6;
	p1 =	sne.s32 s6, $0xFFFFFFFF  }
0x37b: {  	s5 =	sadd.s32 $0x1, s5;
	s6 =	smov.u32 s7;
	s7 =	sadd.s32 $0x1, s7  }
0x37c: {  	p2 =	sne.s32 s1, s7;
	v1 =	vld.msk @!p1 [tilespmem:s5+$0x0], $0x1;
	_ =	sdelay $0x4  }
0x37d: {  	(v2sf) =	vpush @!p1 v1, $0x0;
	_ =	sdelay $0xe  }
.Ltmp31:
0x37e: {  	s8 =	spop @!p1 (v2sf);
	(pc) =	sbr.rel @p2 .LBB2_37-.Ltmp31, $4  }
0x37f: {  	p3 =	seq.s32 @!p1 s4, s8  }
0x380: {  	p3 =	por !p3, p1  }
0x381: {  	s6 =	simm.s32 @p3 $0xFFFFFFFF  }
0x382: {  	s6 =	smov.u32 @p1 s0  }
.LBB2_38:
0x383: {  	p1 =	sne.s32 s6, $0xFFFFFFFF  }
.Ltmp32:
0x384: {  	_ = 	snop;
	(pc) =	sbr.rel @!p1 .LBB2_39-.Ltmp32, $1  }
0x385: {  	_ =	sdelay $0x3  }
0x386: {  	s0 =	sshll.u32 s2, $0x4  }
0x387: {  	s0 =	sand.u32 $0x3FFFFFF0, s0  }
0x388: {  	v0 =	vld [tilespmem:s0+$0x3878]  }
.Ltmp33:
0x389: {  	_ = 	snop;
	(pc) =	sbr.rel .LBB2_41-.Ltmp33, $4  }
0x38a: {  	_ = 	snop  }
0x38b: {  	s31 =	sshll.u32 s6, $0x6  }
0x38c: {  	s0 =	sshra.s32 s31, $0x2  }
0x38d: {  	[tilespmem:s0+$0x3878] =	vst.add.f32.msk $0xffff, v0  }
.LBB2_42:
0x38e: {  	p1 =	slt.s32 s1, $0x1  }
.Ltmp34:
0x38f: {  	_ = 	snop;
	(pc) =	sbr.rel @p1 .LBB2_46-.Ltmp34, $3  }
0x390: {  	_ =	sdelay $0x1  }
0x391: {  	s0 =	simm.s32 $0x8  }
0x392: {  	s2 =	simm.s32 $0x0;
	[sflag:s0] =	ssyncpa.u1 $0x1  }
0x393: {  	s0 =	simm.s32 $0x3858  }
0x394: {  	v0 =	vld.msk [tilespmem:s0+$0x0], $0x1;
	_ =	sdelay $0x4  }
0x395: {  	(v2sf) =	vpush v0, $0x0;
	_ =	sdelay $0xd  }
0x396: {  	s1 =	sadd.s32 $0xFFFFFFFF, s1  }
0x397: {  	p2 =	sne.s32 s1, $0x0;
	s0 =	spop (v2sf)  }
.Ltmp35:
0x398: {  	p1 =	sgt.u32 s0, $0x3FFFFF;
	(pc) =	sbr.rel @!p2 .LBB2_45-.Ltmp35, $4  }
0x399: {  	s4 =	simm.s32 $0x3878;
	s5 =	sand.u32 @!p1 $0x3FFFF8, s0  }
0x39a: {  	s6 =	simm.s32 $0x0;
	s0 =	sand.u32 @!p1 $0x7, s0;
	s5 =	sadd.s32 @!p1 s3, s5  }
0x39b: {  	[hbm4b:s5+s0] =	stream.linear.scatter @!p1 [tilespmem:s4], [sflag:$0x7], $0x3, $0x38;
	[tilespmem:$0x1FE08] =	vst v63  }
0x39c: {  	s6 =	simm.s32 @!p1 $0xC;
	s5 =	simm.s32 $0x3859  }
.LBB2_44:
0x39d: {  	v0 =	vld.msk [tilespmem:s5+$0x0], $0x1;
	s1 =	sadd.s32 $0xFFFFFFFF, s1;
	s2 =	sadd.s32 s2, s6  }
0x39e: {  	p1 =	sne.s32 s1, $0x0;
	_ =	sdelay $0x3  }
0x39f: {  	(v2sf) =	vpush v0, $0x0;
	_ =	sdelay $0xe  }
.Ltmp36:
0x3a0: {  	s0 =	spop (v2sf);
	(pc) =	sbr.rel @p1 .LBB2_44-.Ltmp36, $4  }
0x3a1: {  	s6 =	simm.s32 $0x0;
	p2 =	sgt.u32 s0, $0x3FFFFF  }
0x3a2: {  	s4 =	sadd.s32 $0x10, s4;
	s6 =	simm.s32 @!p2 $0xC;
	s7 =	sand.u32 @!p2 $0x3FFFF8, s0  }
0x3a3: {  	s5 =	sadd.s32 $0x1, s5;
	s0 =	sand.u32 @!p2 $0x7, s0;
	s7 =	sadd.s32 @!p2 s3, s7  }
0x3a4: {  	[hbm4b:s7+s0] =	stream.linear.scatter @!p2 [tilespmem:s4], [sflag:$0x7], $0x3, $0x38;
	[tilespmem:$0x1FE08] =	vst v63  }
.LBB2_45:
0x3a5: {  	s0 =	sadd.s32 s2, s6  }
0x3a6: {  	s2 =	sshrl.u32 s0, $0x2  }
.LBB2_46:
0x3a7: {  	s0 =	simm.s32 $0x7  }
0x3a8: {  	_ =	swait.ge [sflag:s0], s2  }
0x3a9: {  	s1 =	ssub.s32 $0x0, s2;
	[sflag:s0] =	ssyncset.done $0x0  }
0x3aa: {  	[sflag:s0] =	ssyncadd.s32 s1  }
0x3ab: {  	[sflag:s0] =	ssyncpa.u1 $0x1  }
.LBB2_47:
0x3ac: {  	_ =	sfence;
	s0 =	simm.s32 $0x1  }
0x3ad: {  	[sflag:s0] =	ssyncpa.u1 $0x1  }
0x3ae: {  	_ =	strace $0x9000004A  }
0x3af: {  	[bflag:$0x2] =	sbarrier.arrive $0xFFFF  }
0x3b0: {  	s0 =	rddreg [dreg:$0x4]  }
0x3b1: {  	s0 =	sadd.s32 @!p0 $0x100000, s0  }
0x3b2: {  	[sflag:s0] =	ssyncadd.tile.s32 @!p0 $0x1;
	_ =	shalt  }
.Lfunc_end2:
_tile_overlayer_lowered:
.L_overlay_start_2:
0x3b3: {  	(tag) =	ssettag $0x2  }
0x3b4: {  	s0 =	rddreg [dreg:$0x0];
	s2 =	stileid.u32  }
0x3b5: {  	s1 =	rddreg [dreg:$0x1];
	p0 =	sne.s32 s2, $0x0  }
0x3b6: {  	s3 =	rddreg [dreg:$0x2];
	[bflag:$0x3] =	sbarrier.arrive $0xFFFF;
	s2 =	simm.s32 @!p0 $0x1C01  }
0x3b7: {  	[timem:s3], [sflag:s2] =	dma.local @!p0 [hbm:s0], s1  }
0x3b8: {  	s0 =	simm.s32 @!p0 $0x1  }
0x3b9: {  	_ =	swait.ge @!p0 [sflag:s0], s1  }
0x3ba: {  	s1 =	ssub.s32 @!p0 $0x0, s1;
	[sflag:s0] =	ssyncset.done @!p0 $0x0  }
0x3bb: {  	[sflag:s0] =	ssyncadd.s32 @!p0 s1  }
0x3bc: {  	[bflag:$0x3] =	sbarrier.arrive $0xFFFF  }
0x3bd: {  	_ =	shalt  }

// kernel: sparse-core-data-format-call.cloned.1.call-start
scs
called_computation.1_lowered:
.L_overlay_start_0:
0x0: {  	s1 =	sld [smem:$0x3FD9]  }
0x1: {  	s2 =	sld [smem:$0x3FFE];
	_ =	sdelay $0x1  }
0x2: {  	s3 =	srdreg.scid  }
0x3: {  	s0 =	sand.u32 $0x1, s3  }
0x4: {  	s17 =	sshll.u32 s0, $0xA;
	s1 =	sadd.s32 s2, s1  }
0x5: {  	s1 =	sadd.s32 s1, s17  }
0x6: {  	[smem:$0x3FC5] =	sst s1  }
0x7: {  	_ = 	snop  }
0x8: {  	(tm) =	ssettm $0x1  }
0x9: {  	s18 =	sld [smem:$0x3FFB];
	_ =	sdelay $0x3  }
0xa: {  	_ =	strace s18  }
0xb: {  	s1 =	sld [smem:$0x3FFC];
	_ =	sdelay $0x3  }
0xc: {  	_ =	strace s1  }
0xd: {  	s1 =	sld [smem:$0x3FFD];
	_ =	sdelay $0x3  }
0xe: {  	_ =	strace s1  }
0xf: {  	_ =	strace $0x8FFFFFFF  }
0x10: {  	s19 =	sld [smem:$0x3FDB];
	_ =	sdelay $0x1  }
0x11: {  	s20 =	simm.s32 $_scs_section_size  }
0x12: {  	s4 =	simm.s32 $_size__tile_overlayer_lowered;
	s5 =	simm.s32 $_tile_overlayer_lowered  }
0x13: {  	s23 =	simm.s32 $0x1BFF;
	s22 =	sshll.u32 s5, $0x1;
	s1 =	sadd.s32 s20, s19  }
0x14: {  	s6 =	simm.s32 $0x0;
	s21 =	sshll.u32 s4, $0x1;
	s4 =	sadd.s32 s22, s1  }
0x15: {  	[timem:s6], [sflag:s23] =	dma.local [hbm:s4], s21  }
0x16: {  	_ =	swait.ge [sflag:s23], s21  }
0x17: {  	s2 =	ssub.s32 $0x0, s21;
	[sflag:s23] =	ssyncset.done $0x0  }
0x18: {  	[sflag:s23] =	ssyncadd.s32 s2;
	_ =	sdelay $0x1  }
0x19: {  	s24 =	simm.s32 $0x1B8B  }
0x1a: {  	_ =	swait.ge [sflag:s24], $0x1  }
0x1b: {  	[sflag:s24] =	ssyncset.done $0x0  }
0x1c: {  	s26 =	simm.s32 $0x1B8E;
	s25 =	sld [smem:$0x3FFE];
	[sflag:s24] =	ssyncadd.s32 $0xFFFFFFFF  }
0x1d: {  	s27 =	simm.s32 $execute0_lowered;
	[smem:$0x3FD2] =	sst s26  }
0x1e: {  	s4 =	sshll.u32 s27, $0x1;
	_ =	strace $0x80000046;
	[dreg:$0x1] =	wrdreg $0xFFFFFFFF  }
0x1f: {  	s28 =	simm.s32 $_size_execute0_lowered;
	s1 =	sadd.s32 s1, s4;
	[dreg:$0x0] =	wrdreg $0x0  }
0x20: {  	s4 =	sshll.u32 s28, $0x1;
	[dreg:$0x2] =	wrdreg s1  }
0x21: {  	[dreg:$0x3] =	wrdreg s4  }
0x22: {  	[dreg:$0x4] =	wrdreg $0xC0  }
0x23: {  	_ =	task [dreg:s6], $0x5FFFF  }
0x24: {  	[dreg:$0x1] =	wrdreg $0xFFFFFFFF  }
0x25: {  	[dreg:$0x0] =	wrdreg $0x60  }
0x26: {  	[dreg:$0x2] =	wrdreg s25  }
0x27: {  	[dreg:$0x3] =	wrdreg $0x9  }
0x28: {  	_ =	task.clear_ibuf [dreg:s6], $0x4FFFF;
	_ =	strace $0x90000046  }
0x29: {  	s29 =	simm.s32 $0x9;
	_ =	strace $0x80000048  }
0x2a: {  	_ =	swait.ge [sflag:s29], $0x1  }
0x2b: {  	[sflag:s29] =	ssyncadd.s32 $0xFFFFFFFF  }
0x2c: {  	_ =	strace $0x90000048  }
0x2d: {  	_ =	sfence  }
0x2e: {  	s30 =	sld [smem:$0x0];
	_ =	sdelay $0x2  }
0x2f: {  	s31 =	sshll.u32 s3, $0xD;
	s3 =	sshrl.u32 s3, $0x2  }
0x30: {  	s2 =	sand.u32 $0x4000, s31;
	s1 =	sadd.s32 s3, s30  }
0x31: {  	s0 =	sor.u32 s2, s0;
	s1 =	sshll.u32 s1, $0x11  }
0x32: {  	s0 =	sor.u32 s1, s0  }
0x33: {  	s0 =	sadd.s32 $0x8F2B, s0  }
0x34: {  	[sflag:s0] =	ssyncadd.remote.s32 $0x1  }
0x35: {  	_ =	sfence.sel $0xFFFF  }
0x36: {  	[dreg:$0x0] =	wrdreg $0xFFFFFFFF;
	(pc) =	sbr.abs _section_cstart, $3  }
0x37: {  	[dreg:$0x1] =	wrdreg $0xFFFFFFFF  }
0x38: {  	_ =	task.clear_ibuf [dreg:s6], $0x2FFFF;
	_ =	strace $0x9FFFFFFF  }
0x39: {  	(tm) =	ssettm $0x7FFFFFFF  }
tec
execute0_lowered:
.L_overlay_start_1:
0x0: {  	(tag) =	ssettag $0x1  }
0x1: {  	s0 =	srdreg.scid  }
0x2: {  	s1 =	sshll.u32 s0, $0x4  }
0x3: {  	s0 =	stileid.u32;
	s1 =	sand.u32 $0x10, s1  }
0x4: {  	s1 =	sor.u32 s0, s1  }
0x5: {  	s2 =	sshll.u32 s1, $0x7  }
0x6: {  	s5 =	rddreg [dreg:$0x0];
	s3 =	ssub.s32 $0x3D0900, s2  }
0x7: {  	s4 =	simm.s32 $0x1;
	s31 =	simm.s32 $0x2;
	s6 =	sand.u32 $0xF80, s3  }
0x8: {  	s1 =	rddreg [dreg:$0x1];
	_ =	strace $0x80000047;
	p0 =	sne.s32 s6, $0x0  }
0x9: {  	[sflag:s4] =	ssyncpa.u1 $0x0;
	s3 =	sshrl.u32 s3, $0xC;
	s4 =	simm.s32 @!p0 $0x0  }
0xa: {  	s12 =	simm.s32 $0x0;
	s7 =	simm.s32 $0x0;
	s3 =	sadd.s32 s4, s3  }
0xb: {  	s11 =	simm.s32 $0x0;
	s10 =	simm.s32 $0x0;
	s3 =	smul.u32 $0x3, s3  }
0xc: {  	s8 =	simm.s32 $0x0;
	s9 =	smov.u32 s2;
	[sflag:s31] =	ssyncpa.u1 $0x0  }
0xd: {  	s4 =	sadd.s32 $0x1E00, s5;
	s5 =	sadd.s32 $0x1EA400, s5;
	s6 =	sadd.s32 $0x1, s3  }
.LBB1_1:
0xe: {  	p0 =	sge.u32 s8, s3  }
0xf: {  	s13 =	sshrl.u32 @!p0 s10, $0x2  }
0x10: {  	s14 =	sshll.u32 @!p0 s9, $0x2;
	s13 =	smul.u32 @!p0 $0xF42400, s13  }
0x11: {  	s15 =	sshll.u32 @!p0 s10, $0x7;
	s14 =	sand.u32 @!p0 $0xFFFFFE00, s14  }
0x12: {  	s13 =	sadd.s32 @!p0 s13, s14;
	s14 =	sand.u32 @!p0 $0x180, s15  }
0x13: {  	s15 =	sand.u32 @!p0 $0x7F, s9;
	s13 =	sor.u32 @!p0 s14, s13  }
0x14: {  	s14 =	sor.u32 @!p0 s15, s13  }
0x15: {  	s15 =	smulhi.u32 @!p0 $0x431BDE83, s14;
	_ =	sdelay $0x1  }
0x16: {  	s13 =	smulhi.u32 @!p0 $0x431BDE83, s13;
	s15 =	sshrl.u32 @!p0 s15, $0x14  }
0x17: {  	s15 =	smul.u32 @!p0 $0x3D0900, s15  }
0x18: {  	s13 =	sshrl.u32 @!p0 s13, $0x14  }
0x19: {  	s13 =	sand.u32 @!p0 $0x3, s13;
	s14 =	ssub.s32 @!p0 s14, s15  }
0x1a: {  	s13 =	smul.u32 @!p0 $0x7A120, s13;
	s15 =	sshrl.u32 @!p0 s14, $0x3  }
0x1b: {  	s31 =	sadd.s32 $0xFFFFFFFF, s8;
	s16 =	sxor.u32 @!p0 $0xFFFFFFFF, s7;
	s15 =	sadd.s32 @!p0 s4, s15  }
0x1c: {  	s16 =	sand.u32 @!p0 $0x80, s16;
	s14 =	sand.u32 @!p0 $0x7, s14;
	s13 =	sadd.s32 @!p0 s13, s15  }
0x1d: {  	[tilespmem:s16], [sflag:$0x1] =	stream.linear.gather @!p0 [hbm4b:s13+s14], $0x80, $0x38;
	[tilespmem:$0x200] =	vst v63  }
0x1e: {  	p0 =	sge.u32 s31, s3  }
0x1f: {  	s13 =	simm.s32 @!p0 $0x1  }
0x20: {  	_ =	swait.ge @!p0 [sflag:s13], $0x80  }
0x21: {  	[sflag:s13] =	ssyncset.done @!p0 $0x0  }
0x22: {  	[sflag:s13] =	ssyncadd.s32 @!p0 $0xFFFFFF80;
	s13 =	sand.u32 @!p0 $0x80, s7  }
0x23: {  	s12 =	sshll.u32 @!p0 s12, $0x7;
	s14 =	sshll.u32 @!p0 s11, $0x3;
	v0 =	vld @!p0 [tilespmem:s13+$0x0]  }
0x24: {  	s15 =	sand.u32 @!p0 $0xFFFFFC00, s12;
	s14 =	sand.u32 @!p0 $0xFFFFFC00, s14;
	v1 =	vld @!p0 [tilespmem:s13+$0x10]  }
0x25: {  	s12 =	sand.u32 @!p0 $0x380, s12;
	s14 =	sadd.s32 @!p0 s14, s15;
	v2 =	vld @!p0 [tilespmem:s13+$0x20]  }
0x26: {  	s12 =	sor.u32 @!p0 s12, s14;
	v3 =	vld @!p0 [tilespmem:s13+$0x30]  }
0x27: {  	v4 =	vld @!p0 [tilespmem:s13+$0x40];
	s12 =	sshrl.u32 @!p0 s12, $0x7  }
0x28: {  	s14 =	smulhi.u32 @!p0 $0x218DEF5, s12;
	[tilespmem:s13+$0x100] =	vst @!p0 v0;
	v0 =	vld @!p0 [tilespmem:s13+$0x50]  }
0x29: {  	[tilespmem:s13+$0x110] =	vst @!p0 v1;
	v1 =	vld @!p0 [tilespmem:s13+$0x60]  }
0x2a: {  	s14 =	sshrl.u32 @!p0 s14, $0xF;
	[tilespmem:s13+$0x120] =	vst @!p0 v2;
	v2 =	vld @!p0 [tilespmem:s13+$0x70]  }
0x2b: {  	s14 =	smul.u32 @!p0 $0x3D0900, s14;
	[tilespmem:s13+$0x130] =	vst @!p0 v3  }
0x2c: {  	s16 =	sshrl.u32 @!p0 s11, $0x3;
	s11 =	sand.u32 @!p0 $0x7, s11;
	[tilespmem:s13+$0x140] =	vst @!p0 v4  }
0x2d: {  	s11 =	sshll.u32 @!p0 s11, $0x12;
	s12 =	ssub.s32 @!p0 s12, s14;
	s14 =	sand.u32 @!p0 $0xF, s16;
	[tilespmem:s13+$0x150] =	vst @!p0 v0  }
0x2e: {  	s11 =	sor.u32 @!p0 $0x1, s11;
	s12 =	sshll.u32 @!p0 s12, $0x4;
	s14 =	sadd.s32 @!p0 s5, s14;
	[tilespmem:s13+$0x160] =	vst @!p0 v1  }
0x2f: {  	s15 =	sor.u32 @!p0 $0x100, s13;
	s12 =	sadd.s32 @!p0 s12, s14;
	[tilespmem:s13+$0x170] =	vst @!p0 v2;
	s13 =	simm.s32 @!p0 $0x80  }
0x30: {  	[hbm4b:s12+s11] =	stream.strided.scatter @!p0 [tilespmem:s15], [sflag:$0x2], $0x80, s13, s11, $0x38;
	[tilespmem:$0x200] =	vst v63  }
0x31: {  	s13 =	sadd.s32 $0x1000, s9  }
0x32: {  	s11 =	simm.s32 $0x1;
	p0 =	sgt.s32 s13, $0x3D08FF  }
0x33: {  	s11 =	simm.s32 @!p0 $0x0  }
0x34: {  	s15 =	sadd.s32 s11, s10  }
0x35: {  	s13 =	smov.u32 @p0 s2;
	p0 =	sgt.s32 s15, $0x2  }
0x36: {  	p1 =	slt.u32 s8, $0x2;
	s15 =	simm.s32 @p0 $0x0;
	p0 =	sne.s32 s8, s6  }
.Ltmp0:
0x37: {  	s14 =	simm.s32 @!p1 $0x2;
	(pc) =	sbr.rel @p0 .LBB1_1-.Ltmp0, $4  }
0x38: {  	_ =	swait.ge @!p1 [sflag:s14], $0x80  }
0x39: {  	s7 =	sadd.s32 $0x80, s7;
	[sflag:s14] =	ssyncset.done @!p1 $0x0  }
0x3a: {  	s12 =	smov.u32 s9;
	s11 =	smov.u32 s10;
	[sflag:s14] =	ssyncadd.s32 @!p1 $0xFFFFFF80  }
0x3b: {  	s9 =	smov.u32 s13;
	s8 =	sadd.s32 $0x1, s8;
	s10 =	smov.u32 s15  }
0x3c: {  	_ =	sfence.sel $0x180000  }
0x3d: {  	s2 =	simm.s32 $0x1;
	[bflag:$0x0] =	sbarrier.arrive $0xFFFF  }
0x3e: {  	s31 =	simm.s32 $0x2;
	[sflag:s2] =	ssyncpa.u1 $0x1  }
0x3f: {  	[sflag:s31] =	ssyncpa.u1 $0x1  }
0x40: {  	p0 =	sne.s32 s0, $0x0;
	_ =	strace $0x90000047  }
0x41: {  	s0 =	sadd.s32 @!p0 $0x100000, s1;
	[bflag:$0x2] =	sbarrier.arrive $0xFFFF  }
0x42: {  	[sflag:s0] =	ssyncadd.tile.s32 @!p0 $0x1;
	_ =	shalt  }
.Lfunc_end1:
_tile_overlayer_lowered:
.L_overlay_start_2:
0x43: {  	(tag) =	ssettag $0x2  }
0x44: {  	s0 =	rddreg [dreg:$0x0];
	s2 =	stileid.u32  }
0x45: {  	s1 =	rddreg [dreg:$0x1];
	p0 =	sne.s32 s2, $0x0  }
0x46: {  	s3 =	rddreg [dreg:$0x2];
	[bflag:$0x3] =	sbarrier.arrive $0xFFFF;
	s2 =	simm.s32 @!p0 $0x1C01  }
0x47: {  	[timem:s3], [sflag:s2] =	dma.local @!p0 [hbm:s0], s1  }
0x48: {  	s0 =	simm.s32 @!p0 $0x1  }
0x49: {  	_ =	swait.ge @!p0 [sflag:s0], s1  }
0x4a: {  	s1 =	ssub.s32 @!p0 $0x0, s1;
	[sflag:s0] =	ssyncset.done @!p0 $0x0  }
0x4b: {  	[sflag:s0] =	ssyncadd.s32 @!p0 s1  }
0x4c: {  	[bflag:$0x3] =	sbarrier.arrive $0xFFFF  }
0x4d: {  	_ =	shalt  }

</sc_bundles>
